<compile_context>
chip_gen: v7x
topology: tpu7x:2x2x1
jax: 0.10.2.dev20260603
libtpu: 0.0.44.dev20260713+nightly
codegen_flags: <defaults>
</compile_context>

<pallas_src>
import functools

import jax
import jax.numpy as jnp
from jax import lax
from jax.experimental import pallas as pl
from jax.experimental.pallas import tpu as pltpu
from jax.experimental.pallas import tpu_sc as plsc

N = 10000
E = 320000
H = 128
NH = 4
HD = 32
NP = 10240

NC = 2
NS = 16
NW = NC * NS
EPW = E // NW
BB = 125
NB = EPW // BB
PH = 2
NBP = NB // PH
NA = 10240
RPT = NA // NS


@functools.cache
def _sc_mesh():
    return plsc.VectorSubcoreMesh(core_axis_name="c", subcore_axis_name="s",
                                  num_cores=NC, num_subcores=NS)


@functools.cache
def _sc_degree_kernel():
    return pl.kernel(
        _sc_degree_body,
        out_type=jax.ShapeDtypeStruct((NC, NA, H), jnp.float32),
        mesh=_sc_mesh(),
        scratch_types=[
            pltpu.VMEM((NB, BB), jnp.int32),
            pltpu.VMEM((BB, H), jnp.float32),
            pltpu.VMEM_SHARED((NA, H), jnp.float32),
        ],
    )


def _sc_degree_body(dst_hbm, ones_hbm, zeros_hbm, out_hbm, idx_v, ones_v, acc):
    c = lax.axis_index("c")
    s = lax.axis_index("s")
    wid = s * NC + c
    pltpu.sync_copy(zeros_hbm.at[pl.ds(s * RPT, RPT)], acc.at[pl.ds(s * RPT, RPT)])
    pltpu.sync_copy(dst_hbm.at[wid], idx_v)
    pltpu.sync_copy(ones_hbm, ones_v)
    plsc.subcore_barrier()

    def body(j, carry):
        pltpu.sync_copy(ones_v, acc.at[idx_v.at[j]], add=True)
        return carry

    lax.fori_loop(0, NB, body, 0)
    plsc.subcore_barrier()
    pltpu.sync_copy(acc.at[pl.ds(s * RPT, RPT)], out_hbm.at[c, pl.ds(s * RPT, RPT)])


@functools.cache
def _sc_edge_agg_kernel():
    return pl.kernel(
        _sc_edge_agg_body,
        out_type=jax.ShapeDtypeStruct((NC, NA, H), jnp.float32),
        mesh=_sc_mesh(),
        scratch_types=[
            pltpu.VMEM((NBP, BB), jnp.int32),
            pltpu.VMEM((NBP, BB), jnp.int32),
            pltpu.VMEM((BB, H), jnp.float32),
            pltpu.VMEM((BB, H), jnp.float32),
            pltpu.VMEM_SHARED((NA, H), jnp.float32),
            pltpu.SemaphoreType.DMA,
            pltpu.SemaphoreType.DMA,
            pltpu.SemaphoreType.DMA,
            pltpu.SemaphoreType.DMA,
        ],
    )


def _sc_edge_agg_body(m_hbm, src_hbm, dst_hbm, zeros_hbm, out_hbm,
                      src_v, dst_v, rows_a, rows_b, acc,
                      gsa, gsb, ssa, ssb):
    c = lax.axis_index("c")
    s = lax.axis_index("s")
    wid = s * NC + c
    pltpu.sync_copy(zeros_hbm.at[pl.ds(s * RPT, RPT)], acc.at[pl.ds(s * RPT, RPT)])
    plsc.subcore_barrier()

    def body(t, carry):
        j0 = t * 2
        j1 = j0 + 1

        @pl.when(t > 0)
        def _drain_prev():
            pltpu.make_async_copy(rows_a, acc.at[dst_v.at[j0]], ssa).wait()
            pltpu.make_async_copy(rows_b, acc.at[dst_v.at[j1]], ssb).wait()

        g0 = pltpu.async_copy(m_hbm.at[src_v.at[j0]], rows_a, gsa)
        g1 = pltpu.async_copy(m_hbm.at[src_v.at[j1]], rows_b, gsb)
        g0.wait()
        pltpu.async_copy(rows_a, acc.at[dst_v.at[j0]], ssa, add=True)
        g1.wait()
        pltpu.async_copy(rows_b, acc.at[dst_v.at[j1]], ssb, add=True)
        return carry

    for p in range(PH):
        pltpu.sync_copy(src_hbm.at[wid, pl.ds(p * NBP, NBP)], src_v)
        pltpu.sync_copy(dst_hbm.at[wid, pl.ds(p * NBP, NBP)], dst_v)
        lax.fori_loop(0, NBP // 2, body, 0)
        pltpu.make_async_copy(rows_a, acc.at[dst_v.at[0]], ssa).wait()
        pltpu.make_async_copy(rows_b, acc.at[dst_v.at[1]], ssb).wait()
    plsc.subcore_barrier()
    pltpu.sync_copy(acc.at[pl.ds(s * RPT, RPT)], out_hbm.at[c, pl.ds(s * RPT, RPT)])



BR = 1000


def _dinv_block(degp):
    deg = degp[0, :, 0:1] + degp[1, :, 0:1] + 1.0
    return lax.rsqrt(deg)


def _tc_prelude_body(x_ref, cp_ref, degp_ref, nw_ref, nb_ref, cw_ref, cb_ref,
                     g1a_ref, g1c_ref, out_ref):
    h0 = jnp.dot(x_ref[...], nw_ref[...].T, preferred_element_type=jnp.float32) + nb_ref[...]
    hc = jnp.dot(cp_ref[...], cw_ref[...].T, preferred_element_type=jnp.float32) + cb_ref[...]
    dinv = _dinv_block(degp_ref[...])
    m1 = (jnp.dot(h0, g1a_ref[...].T, preferred_element_type=jnp.float32)
          + jnp.dot(hc, g1c_ref[...].T, preferred_element_type=jnp.float32))
    out_ref[...] = dinv * m1


def _tc_prelude(x, cp, degp, nw, nb, cw, cb, g1a, g1c):
    return pl.pallas_call(
        _tc_prelude_body,
        grid=(N // BR,),
        in_specs=[
            pl.BlockSpec((BR, 128), lambda r: (r, 0)),
            pl.BlockSpec((BR, 128), lambda r: (r, 0)),
            pl.BlockSpec((2, BR, H), lambda r: (0, r, 0)),
            pl.BlockSpec((128, 128), lambda r: (0, 0)),
            pl.BlockSpec((1, 128), lambda r: (0, 0)),
            pl.BlockSpec((32, 128), lambda r: (0, 0)),
            pl.BlockSpec((1, 32), lambda r: (0, 0)),
            pl.BlockSpec((128, 128), lambda r: (0, 0)),
            pl.BlockSpec((128, 32), lambda r: (0, 0)),
        ],
        out_specs=pl.BlockSpec((BR, H), lambda r: (r, 0)),
        out_shape=jax.ShapeDtypeStruct((N, H), jnp.float32),
    )(x, cp, degp, nw, nb, cw, cb, g1a, g1c)


def _tc_layer_body(p_ref, m_ref, degp_ref, bprev_ref, w_ref, bout_ref, out_ref,
                   *, scale_out):
    dinv = _dinv_block(degp_ref[...])
    p = p_ref[...]
    h = jnp.maximum(dinv * (p[0] + p[1] + m_ref[...]) + bprev_ref[...], 0.0)
    out = jnp.dot(h, w_ref[...].T, preferred_element_type=jnp.float32)
    if scale_out:
        out = dinv * out
    out_ref[...] = out + bout_ref[...]


def _tc_layer(p, m, degp, bprev, w, bout, scale_out):
    odim = w.shape[0]
    return pl.pallas_call(
        functools.partial(_tc_layer_body, scale_out=scale_out),
        grid=(N // BR,),
        in_specs=[
            pl.BlockSpec((2, BR, H), lambda r: (0, r, 0)),
            pl.BlockSpec((BR, H), lambda r: (r, 0)),
            pl.BlockSpec((2, BR, H), lambda r: (0, r, 0)),
            pl.BlockSpec((1, H), lambda r: (0, 0)),
            pl.BlockSpec((odim, H), lambda r: (0, 0)),
            pl.BlockSpec((1, odim), lambda r: (0, 0)),
        ],
        out_specs=pl.BlockSpec((BR, odim), lambda r: (r, 0)),
        out_shape=jax.ShapeDtypeStruct((N, odim), jnp.float32),
    )(p, m, degp, bprev, w, bout)


BQ = 1024
BK = 2048
NQB = NP // BQ
NKB = NP // BK
_SCALE = float(1.0 / (float(HD) ** 0.5))


def _tc_flash_body(q_ref, k_ref, v_ref, o_ref):
    q = (q_ref[0] * _SCALE).astype(jnp.bfloat16)

    def body(kb, carry):
        o, m = carry
        k = k_ref[0, pl.ds(kb * BK, BK), :]
        v = v_ref[0, pl.ds(kb * BK, BK), :]
        s = lax.dot_general(q, k, (((1,), (1,)), ((), ())),
                            preferred_element_type=jnp.float32)
        mb = jnp.max(s, axis=1, keepdims=True)
        mnew = jnp.maximum(m, mb)
        pmat = jnp.exp(s - mnew).astype(jnp.bfloat16)
        alpha = jnp.exp(m - mnew)
        o = o * alpha + jnp.dot(pmat, v, preferred_element_type=jnp.float32)
        return o, mnew

    o0 = jnp.zeros((BQ, 2 * HD), jnp.float32)
    m0 = jnp.full((BQ, 1), -1e30, jnp.float32)
    o, m = lax.fori_loop(0, NKB, body, (o0, m0))
    o_ref[0] = o[:, :HD] / o[:, HD:HD + 1]


def _tc_flash(q3, k3, v3e):
    return pl.pallas_call(
        _tc_flash_body,
        grid=(NH, NQB),
        in_specs=[
            pl.BlockSpec((1, BQ, HD), lambda h, qi: (h, qi, 0)),
            pl.BlockSpec((1, NP, HD), lambda h, qi: (h, 0, 0)),
            pl.BlockSpec((1, NP, 2 * HD), lambda h, qi: (h, 0, 0)),
        ],
        out_specs=pl.BlockSpec((1, BQ, HD), lambda h, qi: (h, qi, 0)),
        out_shape=jax.ShapeDtypeStruct((NH, NP, HD), jnp.float32),
    )(q3, k3, v3e)


def _tc_epilogue_body(o_ref, w_ref, b_ref, out_ref):
    out_ref[...] = jnp.dot(o_ref[...], w_ref[...],
                           preferred_element_type=jnp.float32) + b_ref[...]


def _tc_epilogue(o, wct, bc):
    return pl.pallas_call(
        _tc_epilogue_body,
        grid=(NP // 1024,),
        in_specs=[
            pl.BlockSpec((1024, H), lambda r: (r, 0)),
            pl.BlockSpec((H, H), lambda r: (0, 0)),
            pl.BlockSpec((1, H), lambda r: (0, 0)),
        ],
        out_specs=pl.BlockSpec((1024, H), lambda r: (r, 0)),
        out_shape=jax.ShapeDtypeStruct((NP, H), jnp.float32),
    )(o, wct, bc)



def kernel(x, edge_index, initial_coords, node_w, node_b, coord_w, coord_b,
           g1_w, g1_b, g2_w, g2_b, g3_w, g3_b,
           in_proj_w, in_proj_b, out_proj_w, out_proj_b, fh_w, fh_b):
    src_r = edge_index[0].reshape(NW, NB, BB)
    dst_r = edge_index[1].reshape(NW, NB, BB)
    zeros128 = jnp.zeros((NA, H), jnp.float32)
    ones128 = jnp.ones((BB, H), jnp.float32)

    degp = _sc_degree_kernel()(dst_r, ones128, zeros128)

    cp = jnp.pad(initial_coords, ((0, 0), (0, 126)))
    cw = jnp.pad(coord_w, ((0, 0), (0, 126)))
    zb = jnp.zeros((1, H), jnp.float32)

    m1 = _tc_prelude(x, cp, degp, node_w, node_b.reshape(1, -1), cw,
                     coord_b.reshape(1, -1), g1_w[:, :128], g1_w[:, 128:])
    p1 = _sc_edge_agg_kernel()(m1, src_r, dst_r, zeros128)
    m2 = _tc_layer(p1, m1, degp, g1_b.reshape(1, -1), g2_w, zb, True)
    p2 = _sc_edge_agg_kernel()(m2, src_r, dst_r, zeros128)
    m3 = _tc_layer(p2, m2, degp, g2_b.reshape(1, -1), g3_w, zb, True)
    p3 = _sc_edge_agg_kernel()(m3, src_r, dst_r, zeros128)
    qkv = _tc_layer(p3, m3, degp, g3_b.reshape(1, -1), in_proj_w,
                    in_proj_b.reshape(1, -1), False)

    qkv_p = jnp.pad(qkv, ((0, NP - N), (0, 0)))
    q3 = qkv_p[:, :128].reshape(NP, NH, HD).transpose(1, 0, 2)
    k3 = qkv_p[:, 128:256].reshape(NP, NH, HD).transpose(1, 0, 2).astype(jnp.bfloat16)
    v3 = qkv_p[:, 256:].reshape(NP, NH, HD).transpose(1, 0, 2)
    lcol = (jnp.arange(NP) < N).astype(jnp.float32)
    v3e = jnp.concatenate(
        [v3, jnp.broadcast_to(lcol[None, :, None], (NH, NP, 1)),
         jnp.zeros((NH, NP, HD - 1), jnp.float32)], axis=-1).astype(jnp.bfloat16)
    o3 = _tc_flash(q3, k3, v3e)
    o = o3.transpose(1, 0, 2).reshape(NP, H)

    wct = jnp.zeros((H, H), jnp.float32).at[:, :2].set((fh_w @ out_proj_w).T)
    bc = jnp.zeros((1, H), jnp.float32).at[0, :2].set(out_proj_b @ fh_w.T + fh_b)
    out = _tc_epilogue(o, wct, bc)
    return out[:N, :2]

# --- scband reference (transcript-rebuilt; emitter-appended) ---
"""Pipeline reference for scband-medium-force-net-37082747634271 (READ-ONLY COPY).

The authoritative reference and input builder live on the scoring server;
editing this copy changes nothing except your own understanding.
"""

import jax, jax.numpy as jnp
import numpy as np

N = 10000
E = 320000
D_IN = 128
H = 128
HC = 32
NH = 4


def _gcn(h, src, dst, W, b, n):
    # PyG-style GCNConv with self-loops already appended to (src, dst):
    # symmetric normalization deg^{-1/2} A deg^{-1/2}, then linear + bias.
    deg = jnp.zeros((n,), h.dtype).at[dst].add(1.0)
    dinv = jnp.where(deg > 0, 1.0 / jnp.sqrt(deg), 0.0)
    norm = dinv[src] * dinv[dst]
    m = h @ W.T
    msg = jnp.take(m, src, axis=0) * norm[:, None]
    out = jnp.zeros((n, W.shape[0]), h.dtype).at[dst].add(msg)
    return out + b


def _mha(h, in_w, in_b, out_w, out_b):
    # torch.nn.MultiheadAttention on input [L, 1, H] (seq_len = n_nodes, batch = 1)
    L, Hd = h.shape
    qkv = h @ in_w.T + in_b
    q, k, v = jnp.split(qkv, 3, axis=-1)
    hd = Hd // NH
    q = q.reshape(L, NH, hd).transpose(1, 0, 2)
    k = k.reshape(L, NH, hd).transpose(1, 0, 2)
    v = v.reshape(L, NH, hd).transpose(1, 0, 2)
    scores = (q @ k.transpose(0, 2, 1)) / np.float32(np.sqrt(hd))
    attn = jax.nn.softmax(scores, axis=-1)
    o = (attn @ v).transpose(1, 0, 2).reshape(L, Hd)
    return o @ out_w.T + out_b


def setup_inputs(seed: int = 0) -> dict:
    key = jax.random.key(seed)
    ks = jax.random.split(key, 24)

    def p(i, shape):
        return jax.random.normal(ks[i], shape, jnp.float32) * 0.05

    return {
        "x": jax.random.normal(ks[0], (N, D_IN), jnp.float32),
        "edge_index": jax.random.randint(ks[1], (2, E), 0, N, jnp.int32),
        "initial_coords": jax.random.normal(ks[2], (N, 2), jnp.float32),
        "node_w": p(3, (H, D_IN)), "node_b": p(4, (H,)),
        "coord_w": p(5, (HC, 2)), "coord_b": p(6, (HC,)),
        "g1_w": p(7, (H, H + HC)), "g1_b": p(8, (H,)),
        "g2_w": p(9, (H, H)), "g2_b": p(10, (H,)),
        "g3_w": p(11, (H, H)), "g3_b": p(12, (H,)),
        "in_proj_w": p(13, (3 * H, H)), "in_proj_b": p(14, (3 * H,)),
        "out_proj_w": p(15, (H, H)), "out_proj_b": p(16, (H,)),
        "fh_w": p(17, (2, H)), "fh_b": p(18, (2,)),
    }


def reference(x, edge_index, initial_coords, node_w, node_b, coord_w, coord_b,
              g1_w, g1_b, g2_w, g2_b, g3_w, g3_b,
              in_proj_w, in_proj_b, out_proj_w, out_proj_b, fh_w, fh_b):
    n = x.shape[0]
    sl = jnp.arange(n, dtype=edge_index.dtype)
    src = jnp.concatenate([edge_index[0], sl])
    dst = jnp.concatenate([edge_index[1], sl])
    h_node = x @ node_w.T + node_b
    h_coord = initial_coords @ coord_w.T + coord_b
    h = jnp.concatenate([h_node, h_coord], axis=-1)
    h = jax.nn.relu(_gcn(h, src, dst, g1_w, g1_b, n))
    h = jax.nn.relu(_gcn(h, src, dst, g2_w, g2_b, n))
    h = jax.nn.relu(_gcn(h, src, dst, g3_w, g3_b, n))
    h = _mha(h, in_proj_w, in_proj_b, out_proj_w, out_proj_b)
    return h @ fh_w.T + fh_b

if __name__ == "__main__":
    import jax
    _d = setup_inputs()
    print(jax.jit(kernel)(*tuple(_d.values())))

</pallas_src>

<mosaic_0001>
#map = affine_map<(d0, d1) -> (0, 0)>
#map1 = affine_map<(d0, d1) -> (0, 0, 0)>
module attributes {stable_mosaic.version = 14 : i64} {
  func.func @_sc_edge_agg_body(%arg0: i32, %arg1: i32, %arg2: memref<10000x128xf32, #tpu.memory_space<hbm>>, %arg3: memref<32x80x125xi32, #tpu.memory_space<hbm>>, %arg4: memref<32x80x125xi32, #tpu.memory_space<hbm>>, %arg5: memref<10240x128xf32, #tpu.memory_space<hbm>>, %arg6: memref<2x10240x128xf32, #tpu.memory_space<hbm>>, %arg7: memref<40x125xi32, #tpu.memory_space<vmem>>, %arg8: memref<40x125xi32, #tpu.memory_space<vmem>>, %arg9: memref<125x128xf32, #tpu.memory_space<vmem>>, %arg10: memref<125x128xf32, #tpu.memory_space<vmem>>, %arg11: memref<10240x128xf32, #tpu.memory_space<vmem_shared>>, %arg12: memref<!tpu.dma_semaphore, #tpu.memory_space<semaphore_mem>>, %arg13: memref<!tpu.dma_semaphore, #tpu.memory_space<semaphore_mem>>, %arg14: memref<!tpu.dma_semaphore, #tpu.memory_space<semaphore_mem>>, %arg15: memref<!tpu.dma_semaphore, #tpu.memory_space<semaphore_mem>>) attributes {dimension_semantics = [#tpu.dimension_semantics<core_parallel>, #tpu.dimension_semantics<subcore_parallel>], iteration_bounds = array<i64: 2, 16>, scalar_prefetch = 0 : i64, scratch_operands = 9 : i64, tpu.core_type = #tpu.core_type<sc_vector_subcore>, window_params = [{transform_indices = #map}, {transform_indices = #map1}, {transform_indices = #map1}, {transform_indices = #map}, {transform_indices = #map1}]} {
    %mul3A = arith.constant 2 : i32
    %mul3A_0 = arith.muli %arg1, %mul3A : i32
    %add3A = arith.addi %mul3A_0, %arg0 : i32
    %mul3A_1 = arith.constant 640 : i32
    %mul3A_2 = arith.muli %arg1, %mul3A_1 : i32
    %mul3A_3 = arith.constant 640 : i32
    %mul3A_4 = arith.muli %arg1, %mul3A_3 : i32
    "tpu.region"() ({
      %run_scoped3A = tpu.sem_alloc : memref<!tpu.dma_semaphore, #tpu.memory_space<semaphore_mem>>
      %dma_start3A = arith.constant 0 : i32
      %dma_start3A_48 = tpu.memref_slice %arg11[%mul3A_4, %dma_start3A] : memref<10240x128xf32, #tpu.memory_space<vmem_shared>> -> memref<640x128xf32, #tpu.memory_space<vmem_shared>>
      %dma_start3A_49 = arith.constant 0 : i32
      %dma_start3A_50 = tpu.memref_slice %arg5[%mul3A_2, %dma_start3A_49] : memref<10240x128xf32, #tpu.memory_space<hbm>> -> memref<640x128xf32, #tpu.memory_space<hbm>>
      tpu.enqueue_dma source(%dma_start3A_50 : memref<640x128xf32, #tpu.memory_space<hbm>>) target(%dma_start3A_48 : memref<640x128xf32, #tpu.memory_space<vmem_shared>>) target_semaphore(%run_scoped3A : memref<!tpu.dma_semaphore, #tpu.memory_space<semaphore_mem>>)
      %dma_wait3A_51 = arith.constant 0 : i32
      %dma_wait3A_52 = tpu.memref_slice %arg11[%mul3A_4, %dma_wait3A_51] : memref<10240x128xf32, #tpu.memory_space<vmem_shared>> -> memref<640x128xf32, #tpu.memory_space<vmem_shared>>
      %dma_wait3A_53 = arith.constant 0 : i32
      %dma_wait3A_54 = tpu.memref_slice %arg5[%mul3A_2, %dma_wait3A_53] : memref<10240x128xf32, #tpu.memory_space<hbm>> -> memref<640x128xf32, #tpu.memory_space<hbm>>
      tpu.wait_dma2 semaphore(%run_scoped3A : memref<!tpu.dma_semaphore, #tpu.memory_space<semaphore_mem>>) src(%dma_wait3A_54 : memref<640x128xf32, #tpu.memory_space<hbm>>) dst(%dma_wait3A_52 : memref<640x128xf32, #tpu.memory_space<vmem_shared>>)
      tpu.yield
    }) : () -> ()
    %barrier3A = arith.constant 0 : index
    tpu.barrier barrier_id(%barrier3A)
    "tpu.region"() ({
      %run_scoped3A = tpu.sem_alloc : memref<!tpu.dma_semaphore, #tpu.memory_space<semaphore_mem>>
      %dma_start3A = arith.constant 0 : i32
      %dma_start3A_48 = arith.constant 0 : i32
      %dma_start3A_49 = tpu.memref_slice %arg3[%add3A, %dma_start3A, %dma_start3A_48] : memref<32x80x125xi32, #tpu.memory_space<hbm>> -> memref<1x40x125xi32, #tpu.memory_space<hbm>>
      %dma_start3A_50 = tpu.memref_squeeze %dma_start3A_49 : memref<1x40x125xi32, #tpu.memory_space<hbm>> -> memref<40x125xi32, #tpu.memory_space<hbm>>
      %dma_start3A_51 = arith.constant 0 : i32
      %dma_start3A_52 = arith.constant 0 : i32
      %dma_start3A_53 = tpu.memref_slice %arg3[%add3A, %dma_start3A_51, %dma_start3A_52] : memref<32x80x125xi32, #tpu.memory_space<hbm>> -> memref<1x40x125xi32, #tpu.memory_space<hbm>>
      %dma_start3A_54 = tpu.memref_squeeze %dma_start3A_53 : memref<1x40x125xi32, #tpu.memory_space<hbm>> -> memref<40x125xi32, #tpu.memory_space<hbm>>
      tpu.enqueue_dma source(%dma_start3A_54 : memref<40x125xi32, #tpu.memory_space<hbm>>) target(%arg7 : memref<40x125xi32, #tpu.memory_space<vmem>>) target_semaphore(%run_scoped3A : memref<!tpu.dma_semaphore, #tpu.memory_space<semaphore_mem>>)
      %dma_wait3A_55 = arith.constant 0 : i32
      %dma_wait3A_56 = arith.constant 0 : i32
      %dma_wait3A_57 = tpu.memref_slice %arg3[%add3A, %dma_wait3A_55, %dma_wait3A_56] : memref<32x80x125xi32, #tpu.memory_space<hbm>> -> memref<1x40x125xi32, #tpu.memory_space<hbm>>
      %dma_wait3A_58 = tpu.memref_squeeze %dma_wait3A_57 : memref<1x40x125xi32, #tpu.memory_space<hbm>> -> memref<40x125xi32, #tpu.memory_space<hbm>>
      %dma_wait3A_59 = arith.constant 0 : i32
      %dma_wait3A_60 = arith.constant 0 : i32
      %dma_wait3A_61 = tpu.memref_slice %arg3[%add3A, %dma_wait3A_59, %dma_wait3A_60] : memref<32x80x125xi32, #tpu.memory_space<hbm>> -> memref<1x40x125xi32, #tpu.memory_space<hbm>>
      %dma_wait3A_62 = tpu.memref_squeeze %dma_wait3A_61 : memref<1x40x125xi32, #tpu.memory_space<hbm>> -> memref<40x125xi32, #tpu.memory_space<hbm>>
      tpu.wait_dma2 semaphore(%run_scoped3A : memref<!tpu.dma_semaphore, #tpu.memory_space<semaphore_mem>>) src(%dma_wait3A_62 : memref<40x125xi32, #tpu.memory_space<hbm>>) dst(%arg7 : memref<40x125xi32, #tpu.memory_space<vmem>>)
      tpu.yield
    }) : () -> ()
    "tpu.region"() ({
      %run_scoped3A = tpu.sem_alloc : memref<!tpu.dma_semaphore, #tpu.memory_space<semaphore_mem>>
      %dma_start3A = arith.constant 0 : i32
      %dma_start3A_48 = arith.constant 0 : i32
      %dma_start3A_49 = tpu.memref_slice %arg4[%add3A, %dma_start3A, %dma_start3A_48] : memref<32x80x125xi32, #tpu.memory_space<hbm>> -> memref<1x40x125xi32, #tpu.memory_space<hbm>>
      %dma_start3A_50 = tpu.memref_squeeze %dma_start3A_49 : memref<1x40x125xi32, #tpu.memory_space<hbm>> -> memref<40x125xi32, #tpu.memory_space<hbm>>
      %dma_start3A_51 = arith.constant 0 : i32
      %dma_start3A_52 = arith.constant 0 : i32
      %dma_start3A_53 = tpu.memref_slice %arg4[%add3A, %dma_start3A_51, %dma_start3A_52] : memref<32x80x125xi32, #tpu.memory_space<hbm>> -> memref<1x40x125xi32, #tpu.memory_space<hbm>>
      %dma_start3A_54 = tpu.memref_squeeze %dma_start3A_53 : memref<1x40x125xi32, #tpu.memory_space<hbm>> -> memref<40x125xi32, #tpu.memory_space<hbm>>
      tpu.enqueue_dma source(%dma_start3A_54 : memref<40x125xi32, #tpu.memory_space<hbm>>) target(%arg8 : memref<40x125xi32, #tpu.memory_space<vmem>>) target_semaphore(%run_scoped3A : memref<!tpu.dma_semaphore, #tpu.memory_space<semaphore_mem>>)
      %dma_wait3A_55 = arith.constant 0 : i32
      %dma_wait3A_56 = arith.constant 0 : i32
      %dma_wait3A_57 = tpu.memref_slice %arg4[%add3A, %dma_wait3A_55, %dma_wait3A_56] : memref<32x80x125xi32, #tpu.memory_space<hbm>> -> memref<1x40x125xi32, #tpu.memory_space<hbm>>
      %dma_wait3A_58 = tpu.memref_squeeze %dma_wait3A_57 : memref<1x40x125xi32, #tpu.memory_space<hbm>> -> memref<40x125xi32, #tpu.memory_space<hbm>>
      %dma_wait3A_59 = arith.constant 0 : i32
      %dma_wait3A_60 = arith.constant 0 : i32
      %dma_wait3A_61 = tpu.memref_slice %arg4[%add3A, %dma_wait3A_59, %dma_wait3A_60] : memref<32x80x125xi32, #tpu.memory_space<hbm>> -> memref<1x40x125xi32, #tpu.memory_space<hbm>>
      %dma_wait3A_62 = tpu.memref_squeeze %dma_wait3A_61 : memref<1x40x125xi32, #tpu.memory_space<hbm>> -> memref<40x125xi32, #tpu.memory_space<hbm>>
      tpu.wait_dma2 semaphore(%run_scoped3A : memref<!tpu.dma_semaphore, #tpu.memory_space<semaphore_mem>>) src(%dma_wait3A_62 : memref<40x125xi32, #tpu.memory_space<hbm>>) dst(%arg8 : memref<40x125xi32, #tpu.memory_space<vmem>>)
      tpu.yield
    }) : () -> ()
    %scan3A = arith.constant 0 : i32
    %scan3A_5 = arith.constant 0 : i32
    %scan3A_6 = arith.constant 20 : i32
    %scan3A_7 = arith.addi %scan3A_5, %scan3A_6 : i32
    %scan3A_8 = arith.constant 1 : i32
    scf.for %scan3A_48 = %scan3A_5 to %scan3A_7 step %scan3A_8  : i32 {
      %mul3A_49 = arith.constant 2 : i32
      %mul3A_50 = arith.muli %scan3A_48, %mul3A_49 : i32
      %add3A_51 = arith.constant 1 : i32
      %add3A_52 = arith.addi %mul3A_50, %add3A_51 : i32
      %gt3A = arith.constant 0 : i32
      %gt3A_53 = arith.cmpi sgt, %scan3A_48, %gt3A : i32
      %convert_element_type3A = arith.extui %gt3A_53 : i1 to i32
      %cond3A = arith.constant 0 : i32
      %cond3A_54 = arith.cmpi ne, %convert_element_type3A, %cond3A : i32
      scf.if %cond3A_54 {
        %dma_wait3A_90 = arith.constant 0 : i32
        %dma_wait3A_91 = tpu.memref_slice %arg8[%mul3A_50, %dma_wait3A_90] : memref<40x125xi32, #tpu.memory_space<vmem>> -> memref<1x125xi32, #tpu.memory_space<vmem>>
        %dma_wait3A_92 = tpu.memref_squeeze %dma_wait3A_91 : memref<1x125xi32, #tpu.memory_space<vmem>> -> memref<125xi32, #tpu.memory_space<vmem>>
        %dma_wait3A_93 = arith.constant 0 : i32
        %dma_wait3A_94 = arith.constant 0 : i32
        %dma_wait3A_95 = tpu.memref_slice %arg11[%dma_wait3A_93, %dma_wait3A_94] : memref<10240x128xf32, #tpu.memory_space<vmem_shared>> -> memref<10240x128xf32, #tpu.memory_space<vmem_shared>>
        tpu.wait_indirect_dma semaphore(%arg14 : memref<!tpu.dma_semaphore, #tpu.memory_space<semaphore_mem>>) src(%arg9 : memref<125x128xf32, #tpu.memory_space<vmem>>) dst(%dma_wait3A_95 : memref<10240x128xf32, #tpu.memory_space<vmem_shared>>)
        %dma_wait3A_96 = arith.constant 0 : i32
        %dma_wait3A_97 = tpu.memref_slice %arg8[%add3A_52, %dma_wait3A_96] : memref<40x125xi32, #tpu.memory_space<vmem>> -> memref<1x125xi32, #tpu.memory_space<vmem>>
        %dma_wait3A_98 = tpu.memref_squeeze %dma_wait3A_97 : memref<1x125xi32, #tpu.memory_space<vmem>> -> memref<125xi32, #tpu.memory_space<vmem>>
        %dma_wait3A_99 = arith.constant 0 : i32
        %dma_wait3A_100 = arith.constant 0 : i32
        %dma_wait3A_101 = tpu.memref_slice %arg11[%dma_wait3A_99, %dma_wait3A_100] : memref<10240x128xf32, #tpu.memory_space<vmem_shared>> -> memref<10240x128xf32, #tpu.memory_space<vmem_shared>>
        tpu.wait_indirect_dma semaphore(%arg15 : memref<!tpu.dma_semaphore, #tpu.memory_space<semaphore_mem>>) src(%arg10 : memref<125x128xf32, #tpu.memory_space<vmem>>) dst(%dma_wait3A_101 : memref<10240x128xf32, #tpu.memory_space<vmem_shared>>)
      } else {
      }
      %dma_start3A = arith.constant 0 : i32
      %dma_start3A_55 = tpu.memref_slice %arg7[%mul3A_50, %dma_start3A] : memref<40x125xi32, #tpu.memory_space<vmem>> -> memref<1x125xi32, #tpu.memory_space<vmem>>
      %dma_start3A_56 = tpu.memref_squeeze %dma_start3A_55 : memref<1x125xi32, #tpu.memory_space<vmem>> -> memref<125xi32, #tpu.memory_space<vmem>>
      %dma_start3A_57 = arith.constant 0 : i32
      %dma_start3A_58 = arith.constant 0 : i32
      %dma_start3A_59 = tpu.memref_slice %arg2[%dma_start3A_57, %dma_start3A_58] : memref<10000x128xf32, #tpu.memory_space<hbm>> -> memref<10000x128xf32, #tpu.memory_space<hbm>>
      tpu.enqueue_indirect_dma source(%dma_start3A_59 : memref<10000x128xf32, #tpu.memory_space<hbm>>) target(%arg9 : memref<125x128xf32, #tpu.memory_space<vmem>>) offsets(%dma_start3A_56 : memref<125xi32, #tpu.memory_space<vmem>>) semaphore(%arg12 : memref<!tpu.dma_semaphore, #tpu.memory_space<semaphore_mem>>)
      %dma_start3A_60 = arith.constant 0 : i32
      %dma_start3A_61 = tpu.memref_slice %arg7[%add3A_52, %dma_start3A_60] : memref<40x125xi32, #tpu.memory_space<vmem>> -> memref<1x125xi32, #tpu.memory_space<vmem>>
      %dma_start3A_62 = tpu.memref_squeeze %dma_start3A_61 : memref<1x125xi32, #tpu.memory_space<vmem>> -> memref<125xi32, #tpu.memory_space<vmem>>
      %dma_start3A_63 = arith.constant 0 : i32
      %dma_start3A_64 = arith.constant 0 : i32
      %dma_start3A_65 = tpu.memref_slice %arg2[%dma_start3A_63, %dma_start3A_64] : memref<10000x128xf32, #tpu.memory_space<hbm>> -> memref<10000x128xf32, #tpu.memory_space<hbm>>
      tpu.enqueue_indirect_dma source(%dma_start3A_65 : memref<10000x128xf32, #tpu.memory_space<hbm>>) target(%arg10 : memref<125x128xf32, #tpu.memory_space<vmem>>) offsets(%dma_start3A_62 : memref<125xi32, #tpu.memory_space<vmem>>) semaphore(%arg13 : memref<!tpu.dma_semaphore, #tpu.memory_space<semaphore_mem>>)
      %dma_wait3A_66 = arith.constant 0 : i32
      %dma_wait3A_67 = tpu.memref_slice %arg7[%mul3A_50, %dma_wait3A_66] : memref<40x125xi32, #tpu.memory_space<vmem>> -> memref<1x125xi32, #tpu.memory_space<vmem>>
      %dma_wait3A_68 = tpu.memref_squeeze %dma_wait3A_67 : memref<1x125xi32, #tpu.memory_space<vmem>> -> memref<125xi32, #tpu.memory_space<vmem>>
      %dma_wait3A_69 = arith.constant 0 : i32
      %dma_wait3A_70 = arith.constant 0 : i32
      %dma_wait3A_71 = tpu.memref_slice %arg2[%dma_wait3A_69, %dma_wait3A_70] : memref<10000x128xf32, #tpu.memory_space<hbm>> -> memref<10000x128xf32, #tpu.memory_space<hbm>>
      tpu.wait_indirect_dma semaphore(%arg12 : memref<!tpu.dma_semaphore, #tpu.memory_space<semaphore_mem>>) src(%dma_wait3A_71 : memref<10000x128xf32, #tpu.memory_space<hbm>>) dst(%arg9 : memref<125x128xf32, #tpu.memory_space<vmem>>)
      %dma_start3A_72 = arith.constant 0 : i32
      %dma_start3A_73 = tpu.memref_slice %arg8[%mul3A_50, %dma_start3A_72] : memref<40x125xi32, #tpu.memory_space<vmem>> -> memref<1x125xi32, #tpu.memory_space<vmem>>
      %dma_start3A_74 = tpu.memref_squeeze %dma_start3A_73 : memref<1x125xi32, #tpu.memory_space<vmem>> -> memref<125xi32, #tpu.memory_space<vmem>>
      %dma_start3A_75 = arith.constant 0 : i32
      %dma_start3A_76 = arith.constant 0 : i32
      %dma_start3A_77 = tpu.memref_slice %arg11[%dma_start3A_75, %dma_start3A_76] : memref<10240x128xf32, #tpu.memory_space<vmem_shared>> -> memref<10240x128xf32, #tpu.memory_space<vmem_shared>>
      tpu.enqueue_indirect_dma source(%arg9 : memref<125x128xf32, #tpu.memory_space<vmem>>) target(%dma_start3A_77 : memref<10240x128xf32, #tpu.memory_space<vmem_shared>>) offsets(%dma_start3A_74 : memref<125xi32, #tpu.memory_space<vmem>>) semaphore(%arg14 : memref<!tpu.dma_semaphore, #tpu.memory_space<semaphore_mem>>) {add = true}
      %dma_wait3A_78 = arith.constant 0 : i32
      %dma_wait3A_79 = tpu.memref_slice %arg7[%add3A_52, %dma_wait3A_78] : memref<40x125xi32, #tpu.memory_space<vmem>> -> memref<1x125xi32, #tpu.memory_space<vmem>>
      %dma_wait3A_80 = tpu.memref_squeeze %dma_wait3A_79 : memref<1x125xi32, #tpu.memory_space<vmem>> -> memref<125xi32, #tpu.memory_space<vmem>>
      %dma_wait3A_81 = arith.constant 0 : i32
      %dma_wait3A_82 = arith.constant 0 : i32
      %dma_wait3A_83 = tpu.memref_slice %arg2[%dma_wait3A_81, %dma_wait3A_82] : memref<10000x128xf32, #tpu.memory_space<hbm>> -> memref<10000x128xf32, #tpu.memory_space<hbm>>
      tpu.wait_indirect_dma semaphore(%arg13 : memref<!tpu.dma_semaphore, #tpu.memory_space<semaphore_mem>>) src(%dma_wait3A_83 : memref<10000x128xf32, #tpu.memory_space<hbm>>) dst(%arg10 : memref<125x128xf32, #tpu.memory_space<vmem>>)
      %dma_start3A_84 = arith.constant 0 : i32
      %dma_start3A_85 = tpu.memref_slice %arg8[%add3A_52, %dma_start3A_84] : memref<40x125xi32, #tpu.memory_space<vmem>> -> memref<1x125xi32, #tpu.memory_space<vmem>>
      %dma_start3A_86 = tpu.memref_squeeze %dma_start3A_85 : memref<1x125xi32, #tpu.memory_space<vmem>> -> memref<125xi32, #tpu.memory_space<vmem>>
      %dma_start3A_87 = arith.constant 0 : i32
      %dma_start3A_88 = arith.constant 0 : i32
      %dma_start3A_89 = tpu.memref_slice %arg11[%dma_start3A_87, %dma_start3A_88] : memref<10240x128xf32, #tpu.memory_space<vmem_shared>> -> memref<10240x128xf32, #tpu.memory_space<vmem_shared>>
      tpu.enqueue_indirect_dma source(%arg10 : memref<125x128xf32, #tpu.memory_space<vmem>>) target(%dma_start3A_89 : memref<10240x128xf32, #tpu.memory_space<vmem_shared>>) offsets(%dma_start3A_86 : memref<125xi32, #tpu.memory_space<vmem>>) semaphore(%arg15 : memref<!tpu.dma_semaphore, #tpu.memory_space<semaphore_mem>>) {add = true}
    }
    %scan3A_9 = arith.constant 20 : i32
    %dma_wait3A = arith.constant 0 : i32
    %dma_wait3A_10 = arith.constant 0 : i32
    %dma_wait3A_11 = tpu.memref_slice %arg8[%dma_wait3A, %dma_wait3A_10] : memref<40x125xi32, #tpu.memory_space<vmem>> -> memref<1x125xi32, #tpu.memory_space<vmem>>
    %dma_wait3A_12 = tpu.memref_squeeze %dma_wait3A_11 : memref<1x125xi32, #tpu.memory_space<vmem>> -> memref<125xi32, #tpu.memory_space<vmem>>
    %dma_wait3A_13 = arith.constant 0 : i32
    %dma_wait3A_14 = arith.constant 0 : i32
    %dma_wait3A_15 = tpu.memref_slice %arg11[%dma_wait3A_13, %dma_wait3A_14] : memref<10240x128xf32, #tpu.memory_space<vmem_shared>> -> memref<10240x128xf32, #tpu.memory_space<vmem_shared>>
    tpu.wait_indirect_dma semaphore(%arg14 : memref<!tpu.dma_semaphore, #tpu.memory_space<semaphore_mem>>) src(%arg9 : memref<125x128xf32, #tpu.memory_space<vmem>>) dst(%dma_wait3A_15 : memref<10240x128xf32, #tpu.memory_space<vmem_shared>>)
    %dma_wait3A_16 = arith.constant 1 : i32
    %dma_wait3A_17 = arith.constant 0 : i32
    %dma_wait3A_18 = tpu.memref_slice %arg8[%dma_wait3A_16, %dma_wait3A_17] : memref<40x125xi32, #tpu.memory_space<vmem>> -> memref<1x125xi32, #tpu.memory_space<vmem>>
    %dma_wait3A_19 = tpu.memref_squeeze %dma_wait3A_18 : memref<1x125xi32, #tpu.memory_space<vmem>> -> memref<125xi32, #tpu.memory_space<vmem>>
    %dma_wait3A_20 = arith.constant 0 : i32
    %dma_wait3A_21 = arith.constant 0 : i32
    %dma_wait3A_22 = tpu.memref_slice %arg11[%dma_wait3A_20, %dma_wait3A_21] : memref<10240x128xf32, #tpu.memory_space<vmem_shared>> -> memref<10240x128xf32, #tpu.memory_space<vmem_shared>>
    tpu.wait_indirect_dma semaphore(%arg15 : memref<!tpu.dma_semaphore, #tpu.memory_space<semaphore_mem>>) src(%arg10 : memref<125x128xf32, #tpu.memory_space<vmem>>) dst(%dma_wait3A_22 : memref<10240x128xf32, #tpu.memory_space<vmem_shared>>)
    "tpu.region"() ({
      %run_scoped3A = tpu.sem_alloc : memref<!tpu.dma_semaphore, #tpu.memory_space<semaphore_mem>>
      %dma_start3A = arith.constant 40 : i32
      %dma_start3A_48 = arith.constant 0 : i32
      %dma_start3A_49 = tpu.memref_slice %arg3[%add3A, %dma_start3A, %dma_start3A_48] : memref<32x80x125xi32, #tpu.memory_space<hbm>> -> memref<1x40x125xi32, #tpu.memory_space<hbm>>
      %dma_start3A_50 = tpu.memref_squeeze %dma_start3A_49 : memref<1x40x125xi32, #tpu.memory_space<hbm>> -> memref<40x125xi32, #tpu.memory_space<hbm>>
      %dma_start3A_51 = arith.constant 40 : i32
      %dma_start3A_52 = arith.constant 0 : i32
      %dma_start3A_53 = tpu.memref_slice %arg3[%add3A, %dma_start3A_51, %dma_start3A_52] : memref<32x80x125xi32, #tpu.memory_space<hbm>> -> memref<1x40x125xi32, #tpu.memory_space<hbm>>
      %dma_start3A_54 = tpu.memref_squeeze %dma_start3A_53 : memref<1x40x125xi32, #tpu.memory_space<hbm>> -> memref<40x125xi32, #tpu.memory_space<hbm>>
      tpu.enqueue_dma source(%dma_start3A_54 : memref<40x125xi32, #tpu.memory_space<hbm>>) target(%arg7 : memref<40x125xi32, #tpu.memory_space<vmem>>) target_semaphore(%run_scoped3A : memref<!tpu.dma_semaphore, #tpu.memory_space<semaphore_mem>>)
      %dma_wait3A_55 = arith.constant 40 : i32
      %dma_wait3A_56 = arith.constant 0 : i32
      %dma_wait3A_57 = tpu.memref_slice %arg3[%add3A, %dma_wait3A_55, %dma_wait3A_56] : memref<32x80x125xi32, #tpu.memory_space<hbm>> -> memref<1x40x125xi32, #tpu.memory_space<hbm>>
      %dma_wait3A_58 = tpu.memref_squeeze %dma_wait3A_57 : memref<1x40x125xi32, #tpu.memory_space<hbm>> -> memref<40x125xi32, #tpu.memory_space<hbm>>
      %dma_wait3A_59 = arith.constant 40 : i32
      %dma_wait3A_60 = arith.constant 0 : i32
      %dma_wait3A_61 = tpu.memref_slice %arg3[%add3A, %dma_wait3A_59, %dma_wait3A_60] : memref<32x80x125xi32, #tpu.memory_space<hbm>> -> memref<1x40x125xi32, #tpu.memory_space<hbm>>
      %dma_wait3A_62 = tpu.memref_squeeze %dma_wait3A_61 : memref<1x40x125xi32, #tpu.memory_space<hbm>> -> memref<40x125xi32, #tpu.memory_space<hbm>>
      tpu.wait_dma2 semaphore(%run_scoped3A : memref<!tpu.dma_semaphore, #tpu.memory_space<semaphore_mem>>) src(%dma_wait3A_62 : memref<40x125xi32, #tpu.memory_space<hbm>>) dst(%arg7 : memref<40x125xi32, #tpu.memory_space<vmem>>)
      tpu.yield
    }) : () -> ()
    "tpu.region"() ({
      %run_scoped3A = tpu.sem_alloc : memref<!tpu.dma_semaphore, #tpu.memory_space<semaphore_mem>>
      %dma_start3A = arith.constant 40 : i32
      %dma_start3A_48 = arith.constant 0 : i32
      %dma_start3A_49 = tpu.memref_slice %arg4[%add3A, %dma_start3A, %dma_start3A_48] : memref<32x80x125xi32, #tpu.memory_space<hbm>> -> memref<1x40x125xi32, #tpu.memory_space<hbm>>
      %dma_start3A_50 = tpu.memref_squeeze %dma_start3A_49 : memref<1x40x125xi32, #tpu.memory_space<hbm>> -> memref<40x125xi32, #tpu.memory_space<hbm>>
      %dma_start3A_51 = arith.constant 40 : i32
      %dma_start3A_52 = arith.constant 0 : i32
      %dma_start3A_53 = tpu.memref_slice %arg4[%add3A, %dma_start3A_51, %dma_start3A_52] : memref<32x80x125xi32, #tpu.memory_space<hbm>> -> memref<1x40x125xi32, #tpu.memory_space<hbm>>
      %dma_start3A_54 = tpu.memref_squeeze %dma_start3A_53 : memref<1x40x125xi32, #tpu.memory_space<hbm>> -> memref<40x125xi32, #tpu.memory_space<hbm>>
      tpu.enqueue_dma source(%dma_start3A_54 : memref<40x125xi32, #tpu.memory_space<hbm>>) target(%arg8 : memref<40x125xi32, #tpu.memory_space<vmem>>) target_semaphore(%run_scoped3A : memref<!tpu.dma_semaphore, #tpu.memory_space<semaphore_mem>>)
      %dma_wait3A_55 = arith.constant 40 : i32
      %dma_wait3A_56 = arith.constant 0 : i32
      %dma_wait3A_57 = tpu.memref_slice %arg4[%add3A, %dma_wait3A_55, %dma_wait3A_56] : memref<32x80x125xi32, #tpu.memory_space<hbm>> -> memref<1x40x125xi32, #tpu.memory_space<hbm>>
      %dma_wait3A_58 = tpu.memref_squeeze %dma_wait3A_57 : memref<1x40x125xi32, #tpu.memory_space<hbm>> -> memref<40x125xi32, #tpu.memory_space<hbm>>
      %dma_wait3A_59 = arith.constant 40 : i32
      %dma_wait3A_60 = arith.constant 0 : i32
      %dma_wait3A_61 = tpu.memref_slice %arg4[%add3A, %dma_wait3A_59, %dma_wait3A_60] : memref<32x80x125xi32, #tpu.memory_space<hbm>> -> memref<1x40x125xi32, #tpu.memory_space<hbm>>
      %dma_wait3A_62 = tpu.memref_squeeze %dma_wait3A_61 : memref<1x40x125xi32, #tpu.memory_space<hbm>> -> memref<40x125xi32, #tpu.memory_space<hbm>>
      tpu.wait_dma2 semaphore(%run_scoped3A : memref<!tpu.dma_semaphore, #tpu.memory_space<semaphore_mem>>) src(%dma_wait3A_62 : memref<40x125xi32, #tpu.memory_space<hbm>>) dst(%arg8 : memref<40x125xi32, #tpu.memory_space<vmem>>)
      tpu.yield
    }) : () -> ()
    %scan3A_23 = arith.constant 0 : i32
    %scan3A_24 = arith.constant 0 : i32
    %scan3A_25 = arith.constant 20 : i32
    %scan3A_26 = arith.addi %scan3A_24, %scan3A_25 : i32
    %scan3A_27 = arith.constant 1 : i32
    scf.for %scan3A_48 = %scan3A_24 to %scan3A_26 step %scan3A_27  : i32 {
      %mul3A_49 = arith.constant 2 : i32
      %mul3A_50 = arith.muli %scan3A_48, %mul3A_49 : i32
      %add3A_51 = arith.constant 1 : i32
      %add3A_52 = arith.addi %mul3A_50, %add3A_51 : i32
      %gt3A = arith.constant 0 : i32
      %gt3A_53 = arith.cmpi sgt, %scan3A_48, %gt3A : i32
      %convert_element_type3A = arith.extui %gt3A_53 : i1 to i32
      %cond3A = arith.constant 0 : i32
      %cond3A_54 = arith.cmpi ne, %convert_element_type3A, %cond3A : i32
      scf.if %cond3A_54 {
        %dma_wait3A_90 = arith.constant 0 : i32
        %dma_wait3A_91 = tpu.memref_slice %arg8[%mul3A_50, %dma_wait3A_90] : memref<40x125xi32, #tpu.memory_space<vmem>> -> memref<1x125xi32, #tpu.memory_space<vmem>>
        %dma_wait3A_92 = tpu.memref_squeeze %dma_wait3A_91 : memref<1x125xi32, #tpu.memory_space<vmem>> -> memref<125xi32, #tpu.memory_space<vmem>>
        %dma_wait3A_93 = arith.constant 0 : i32
        %dma_wait3A_94 = arith.constant 0 : i32
        %dma_wait3A_95 = tpu.memref_slice %arg11[%dma_wait3A_93, %dma_wait3A_94] : memref<10240x128xf32, #tpu.memory_space<vmem_shared>> -> memref<10240x128xf32, #tpu.memory_space<vmem_shared>>
        tpu.wait_indirect_dma semaphore(%arg14 : memref<!tpu.dma_semaphore, #tpu.memory_space<semaphore_mem>>) src(%arg9 : memref<125x128xf32, #tpu.memory_space<vmem>>) dst(%dma_wait3A_95 : memref<10240x128xf32, #tpu.memory_space<vmem_shared>>)
        %dma_wait3A_96 = arith.constant 0 : i32
        %dma_wait3A_97 = tpu.memref_slice %arg8[%add3A_52, %dma_wait3A_96] : memref<40x125xi32, #tpu.memory_space<vmem>> -> memref<1x125xi32, #tpu.memory_space<vmem>>
        %dma_wait3A_98 = tpu.memref_squeeze %dma_wait3A_97 : memref<1x125xi32, #tpu.memory_space<vmem>> -> memref<125xi32, #tpu.memory_space<vmem>>
        %dma_wait3A_99 = arith.constant 0 : i32
        %dma_wait3A_100 = arith.constant 0 : i32
        %dma_wait3A_101 = tpu.memref_slice %arg11[%dma_wait3A_99, %dma_wait3A_100] : memref<10240x128xf32, #tpu.memory_space<vmem_shared>> -> memref<10240x128xf32, #tpu.memory_space<vmem_shared>>
        tpu.wait_indirect_dma semaphore(%arg15 : memref<!tpu.dma_semaphore, #tpu.memory_space<semaphore_mem>>) src(%arg10 : memref<125x128xf32, #tpu.memory_space<vmem>>) dst(%dma_wait3A_101 : memref<10240x128xf32, #tpu.memory_space<vmem_shared>>)
      } else {
      }
      %dma_start3A = arith.constant 0 : i32
      %dma_start3A_55 = tpu.memref_slice %arg7[%mul3A_50, %dma_start3A] : memref<40x125xi32, #tpu.memory_space<vmem>> -> memref<1x125xi32, #tpu.memory_space<vmem>>
      %dma_start3A_56 = tpu.memref_squeeze %dma_start3A_55 : memref<1x125xi32, #tpu.memory_space<vmem>> -> memref<125xi32, #tpu.memory_space<vmem>>
      %dma_start3A_57 = arith.constant 0 : i32
      %dma_start3A_58 = arith.constant 0 : i32
      %dma_start3A_59 = tpu.memref_slice %arg2[%dma_start3A_57, %dma_start3A_58] : memref<10000x128xf32, #tpu.memory_space<hbm>> -> memref<10000x128xf32, #tpu.memory_space<hbm>>
      tpu.enqueue_indirect_dma source(%dma_start3A_59 : memref<10000x128xf32, #tpu.memory_space<hbm>>) target(%arg9 : memref<125x128xf32, #tpu.memory_space<vmem>>) offsets(%dma_start3A_56 : memref<125xi32, #tpu.memory_space<vmem>>) semaphore(%arg12 : memref<!tpu.dma_semaphore, #tpu.memory_space<semaphore_mem>>)
      %dma_start3A_60 = arith.constant 0 : i32
      %dma_start3A_61 = tpu.memref_slice %arg7[%add3A_52, %dma_start3A_60] : memref<40x125xi32, #tpu.memory_space<vmem>> -> memref<1x125xi32, #tpu.memory_space<vmem>>
      %dma_start3A_62 = tpu.memref_squeeze %dma_start3A_61 : memref<1x125xi32, #tpu.memory_space<vmem>> -> memref<125xi32, #tpu.memory_space<vmem>>
      %dma_start3A_63 = arith.constant 0 : i32
      %dma_start3A_64 = arith.constant 0 : i32
      %dma_start3A_65 = tpu.memref_slice %arg2[%dma_start3A_63, %dma_start3A_64] : memref<10000x128xf32, #tpu.memory_space<hbm>> -> memref<10000x128xf32, #tpu.memory_space<hbm>>
      tpu.enqueue_indirect_dma source(%dma_start3A_65 : memref<10000x128xf32, #tpu.memory_space<hbm>>) target(%arg10 : memref<125x128xf32, #tpu.memory_space<vmem>>) offsets(%dma_start3A_62 : memref<125xi32, #tpu.memory_space<vmem>>) semaphore(%arg13 : memref<!tpu.dma_semaphore, #tpu.memory_space<semaphore_mem>>)
      %dma_wait3A_66 = arith.constant 0 : i32
      %dma_wait3A_67 = tpu.memref_slice %arg7[%mul3A_50, %dma_wait3A_66] : memref<40x125xi32, #tpu.memory_space<vmem>> -> memref<1x125xi32, #tpu.memory_space<vmem>>
      %dma_wait3A_68 = tpu.memref_squeeze %dma_wait3A_67 : memref<1x125xi32, #tpu.memory_space<vmem>> -> memref<125xi32, #tpu.memory_space<vmem>>
      %dma_wait3A_69 = arith.constant 0 : i32
      %dma_wait3A_70 = arith.constant 0 : i32
      %dma_wait3A_71 = tpu.memref_slice %arg2[%dma_wait3A_69, %dma_wait3A_70] : memref<10000x128xf32, #tpu.memory_space<hbm>> -> memref<10000x128xf32, #tpu.memory_space<hbm>>
      tpu.wait_indirect_dma semaphore(%arg12 : memref<!tpu.dma_semaphore, #tpu.memory_space<semaphore_mem>>) src(%dma_wait3A_71 : memref<10000x128xf32, #tpu.memory_space<hbm>>) dst(%arg9 : memref<125x128xf32, #tpu.memory_space<vmem>>)
      %dma_start3A_72 = arith.constant 0 : i32
      %dma_start3A_73 = tpu.memref_slice %arg8[%mul3A_50, %dma_start3A_72] : memref<40x125xi32, #tpu.memory_space<vmem>> -> memref<1x125xi32, #tpu.memory_space<vmem>>
      %dma_start3A_74 = tpu.memref_squeeze %dma_start3A_73 : memref<1x125xi32, #tpu.memory_space<vmem>> -> memref<125xi32, #tpu.memory_space<vmem>>
      %dma_start3A_75 = arith.constant 0 : i32
      %dma_start3A_76 = arith.constant 0 : i32
      %dma_start3A_77 = tpu.memref_slice %arg11[%dma_start3A_75, %dma_start3A_76] : memref<10240x128xf32, #tpu.memory_space<vmem_shared>> -> memref<10240x128xf32, #tpu.memory_space<vmem_shared>>
      tpu.enqueue_indirect_dma source(%arg9 : memref<125x128xf32, #tpu.memory_space<vmem>>) target(%dma_start3A_77 : memref<10240x128xf32, #tpu.memory_space<vmem_shared>>) offsets(%dma_start3A_74 : memref<125xi32, #tpu.memory_space<vmem>>) semaphore(%arg14 : memref<!tpu.dma_semaphore, #tpu.memory_space<semaphore_mem>>) {add = true}
      %dma_wait3A_78 = arith.constant 0 : i32
      %dma_wait3A_79 = tpu.memref_slice %arg7[%add3A_52, %dma_wait3A_78] : memref<40x125xi32, #tpu.memory_space<vmem>> -> memref<1x125xi32, #tpu.memory_space<vmem>>
      %dma_wait3A_80 = tpu.memref_squeeze %dma_wait3A_79 : memref<1x125xi32, #tpu.memory_space<vmem>> -> memref<125xi32, #tpu.memory_space<vmem>>
      %dma_wait3A_81 = arith.constant 0 : i32
      %dma_wait3A_82 = arith.constant 0 : i32
      %dma_wait3A_83 = tpu.memref_slice %arg2[%dma_wait3A_81, %dma_wait3A_82] : memref<10000x128xf32, #tpu.memory_space<hbm>> -> memref<10000x128xf32, #tpu.memory_space<hbm>>
      tpu.wait_indirect_dma semaphore(%arg13 : memref<!tpu.dma_semaphore, #tpu.memory_space<semaphore_mem>>) src(%dma_wait3A_83 : memref<10000x128xf32, #tpu.memory_space<hbm>>) dst(%arg10 : memref<125x128xf32, #tpu.memory_space<vmem>>)
      %dma_start3A_84 = arith.constant 0 : i32
      %dma_start3A_85 = tpu.memref_slice %arg8[%add3A_52, %dma_start3A_84] : memref<40x125xi32, #tpu.memory_space<vmem>> -> memref<1x125xi32, #tpu.memory_space<vmem>>
      %dma_start3A_86 = tpu.memref_squeeze %dma_start3A_85 : memref<1x125xi32, #tpu.memory_space<vmem>> -> memref<125xi32, #tpu.memory_space<vmem>>
      %dma_start3A_87 = arith.constant 0 : i32
      %dma_start3A_88 = arith.constant 0 : i32
      %dma_start3A_89 = tpu.memref_slice %arg11[%dma_start3A_87, %dma_start3A_88] : memref<10240x128xf32, #tpu.memory_space<vmem_shared>> -> memref<10240x128xf32, #tpu.memory_space<vmem_shared>>
      tpu.enqueue_indirect_dma source(%arg10 : memref<125x128xf32, #tpu.memory_space<vmem>>) target(%dma_start3A_89 : memref<10240x128xf32, #tpu.memory_space<vmem_shared>>) offsets(%dma_start3A_86 : memref<125xi32, #tpu.memory_space<vmem>>) semaphore(%arg15 : memref<!tpu.dma_semaphore, #tpu.memory_space<semaphore_mem>>) {add = true}
    }
    %scan3A_28 = arith.constant 20 : i32
    %dma_wait3A_29 = arith.constant 0 : i32
    %dma_wait3A_30 = arith.constant 0 : i32
    %dma_wait3A_31 = tpu.memref_slice %arg8[%dma_wait3A_29, %dma_wait3A_30] : memref<40x125xi32, #tpu.memory_space<vmem>> -> memref<1x125xi32, #tpu.memory_space<vmem>>
    %dma_wait3A_32 = tpu.memref_squeeze %dma_wait3A_31 : memref<1x125xi32, #tpu.memory_space<vmem>> -> memref<125xi32, #tpu.memory_space<vmem>>
    %dma_wait3A_33 = arith.constant 0 : i32
    %dma_wait3A_34 = arith.constant 0 : i32
    %dma_wait3A_35 = tpu.memref_slice %arg11[%dma_wait3A_33, %dma_wait3A_34] : memref<10240x128xf32, #tpu.memory_space<vmem_shared>> -> memref<10240x128xf32, #tpu.memory_space<vmem_shared>>
    tpu.wait_indirect_dma semaphore(%arg14 : memref<!tpu.dma_semaphore, #tpu.memory_space<semaphore_mem>>) src(%arg9 : memref<125x128xf32, #tpu.memory_space<vmem>>) dst(%dma_wait3A_35 : memref<10240x128xf32, #tpu.memory_space<vmem_shared>>)
    %dma_wait3A_36 = arith.constant 1 : i32
    %dma_wait3A_37 = arith.constant 0 : i32
    %dma_wait3A_38 = tpu.memref_slice %arg8[%dma_wait3A_36, %dma_wait3A_37] : memref<40x125xi32, #tpu.memory_space<vmem>> -> memref<1x125xi32, #tpu.memory_space<vmem>>
    %dma_wait3A_39 = tpu.memref_squeeze %dma_wait3A_38 : memref<1x125xi32, #tpu.memory_space<vmem>> -> memref<125xi32, #tpu.memory_space<vmem>>
    %dma_wait3A_40 = arith.constant 0 : i32
    %dma_wait3A_41 = arith.constant 0 : i32
    %dma_wait3A_42 = tpu.memref_slice %arg11[%dma_wait3A_40, %dma_wait3A_41] : memref<10240x128xf32, #tpu.memory_space<vmem_shared>> -> memref<10240x128xf32, #tpu.memory_space<vmem_shared>>
    tpu.wait_indirect_dma semaphore(%arg15 : memref<!tpu.dma_semaphore, #tpu.memory_space<semaphore_mem>>) src(%arg10 : memref<125x128xf32, #tpu.memory_space<vmem>>) dst(%dma_wait3A_42 : memref<10240x128xf32, #tpu.memory_space<vmem_shared>>)
    %barrier3A_43 = arith.constant 0 : index
    tpu.barrier barrier_id(%barrier3A_43)
    %mul3A_44 = arith.constant 640 : i32
    %mul3A_45 = arith.muli %arg1, %mul3A_44 : i32
    %mul3A_46 = arith.constant 640 : i32
    %mul3A_47 = arith.muli %arg1, %mul3A_46 : i32
    "tpu.region"() ({
      %run_scoped3A = tpu.sem_alloc : memref<!tpu.dma_semaphore, #tpu.memory_space<semaphore_mem>>
      %dma_start3A = arith.constant 0 : i32
      %dma_start3A_48 = tpu.memref_slice %arg6[%arg0, %mul3A_47, %dma_start3A] : memref<2x10240x128xf32, #tpu.memory_space<hbm>> -> memref<1x640x128xf32, #tpu.memory_space<hbm>>
      %dma_start3A_49 = tpu.memref_squeeze %dma_start3A_48 : memref<1x640x128xf32, #tpu.memory_space<hbm>> -> memref<640x128xf32, #tpu.memory_space<hbm>>
      %dma_start3A_50 = arith.constant 0 : i32
      %dma_start3A_51 = tpu.memref_slice %arg11[%mul3A_45, %dma_start3A_50] : memref<10240x128xf32, #tpu.memory_space<vmem_shared>> -> memref<640x128xf32, #tpu.memory_space<vmem_shared>>
      tpu.enqueue_dma source(%dma_start3A_51 : memref<640x128xf32, #tpu.memory_space<vmem_shared>>) target(%dma_start3A_49 : memref<640x128xf32, #tpu.memory_space<hbm>>) target_semaphore(%run_scoped3A : memref<!tpu.dma_semaphore, #tpu.memory_space<semaphore_mem>>)
      %dma_wait3A_52 = arith.constant 0 : i32
      %dma_wait3A_53 = tpu.memref_slice %arg6[%arg0, %mul3A_47, %dma_wait3A_52] : memref<2x10240x128xf32, #tpu.memory_space<hbm>> -> memref<1x640x128xf32, #tpu.memory_space<hbm>>
      %dma_wait3A_54 = tpu.memref_squeeze %dma_wait3A_53 : memref<1x640x128xf32, #tpu.memory_space<hbm>> -> memref<640x128xf32, #tpu.memory_space<hbm>>
      %dma_wait3A_55 = arith.constant 0 : i32
      %dma_wait3A_56 = tpu.memref_slice %arg11[%mul3A_45, %dma_wait3A_55] : memref<10240x128xf32, #tpu.memory_space<vmem_shared>> -> memref<640x128xf32, #tpu.memory_space<vmem_shared>>
      tpu.wait_dma2 semaphore(%run_scoped3A : memref<!tpu.dma_semaphore, #tpu.memory_space<semaphore_mem>>) src(%dma_wait3A_56 : memref<640x128xf32, #tpu.memory_space<vmem_shared>>) dst(%dma_wait3A_54 : memref<640x128xf32, #tpu.memory_space<hbm>>)
      tpu.yield
    }) : () -> ()
    return
  }
}

#map = affine_map<(d0, d1) -> (0, 0)>
#map1 = affine_map<(d0, d1) -> (0, 0, 0)>
module attributes {stable_mosaic.version = 14 : i64} {
  func.func @_sc_edge_agg_body(%arg0: i32, %arg1: i32, %arg2: memref<10000x128xf32, #tpu.memory_space<hbm>>, %arg3: memref<32x80x125xi32, #tpu.memory_space<hbm>>, %arg4: memref<32x80x125xi32, #tpu.memory_space<hbm>>, %arg5: memref<10240x128xf32, #tpu.memory_space<hbm>>, %arg6: memref<2x10240x128xf32, #tpu.memory_space<hbm>>, %arg7: memref<40x125xi32, #tpu.memory_space<vmem>>, %arg8: memref<40x125xi32, #tpu.memory_space<vmem>>, %arg9: memref<125x128xf32, #tpu.memory_space<vmem>>, %arg10: memref<125x128xf32, #tpu.memory_space<vmem>>, %arg11: memref<10240x128xf32, #tpu.memory_space<vmem_shared>>, %arg12: memref<!tpu.dma_semaphore, #tpu.memory_space<semaphore_mem>>, %arg13: memref<!tpu.dma_semaphore, #tpu.memory_space<semaphore_mem>>, %arg14: memref<!tpu.dma_semaphore, #tpu.memory_space<semaphore_mem>>, %arg15: memref<!tpu.dma_semaphore, #tpu.memory_space<semaphore_mem>>) attributes {dimension_semantics = [#tpu.dimension_semantics<core_parallel>, #tpu.dimension_semantics<subcore_parallel>], iteration_bounds = array<i64: 2, 16>, scalar_prefetch = 0 : i64, scratch_operands = 9 : i64, tpu.core_type = #tpu.core_type<sc_vector_subcore>, window_params = [{transform_indices = #map}, {transform_indices = #map1}, {transform_indices = #map1}, {transform_indices = #map}, {transform_indices = #map1}]} {
    %mul3A = arith.constant 2 : i32
    %mul3A_0 = arith.muli %arg1, %mul3A : i32
    %add3A = arith.addi %mul3A_0, %arg0 : i32
    %mul3A_1 = arith.constant 640 : i32
    %mul3A_2 = arith.muli %arg1, %mul3A_1 : i32
    %mul3A_3 = arith.constant 640 : i32
    %mul3A_4 = arith.muli %arg1, %mul3A_3 : i32
    "tpu.region"() ({
      %run_scoped3A = tpu.sem_alloc : memref<!tpu.dma_semaphore, #tpu.memory_space<semaphore_mem>>
      %dma_start3A = arith.constant 0 : i32
      %dma_start3A_48 = tpu.memref_slice %arg11[%mul3A_4, %dma_start3A] : memref<10240x128xf32, #tpu.memory_space<vmem_shared>> -> memref<640x128xf32, #tpu.memory_space<vmem_shared>>
      %dma_start3A_49 = arith.constant 0 : i32
      %dma_start3A_50 = tpu.memref_slice %arg5[%mul3A_2, %dma_start3A_49] : memref<10240x128xf32, #tpu.memory_space<hbm>> -> memref<640x128xf32, #tpu.memory_space<hbm>>
      tpu.enqueue_dma source(%dma_start3A_50 : memref<640x128xf32, #tpu.memory_space<hbm>>) target(%dma_start3A_48 : memref<640x128xf32, #tpu.memory_space<vmem_shared>>) target_semaphore(%run_scoped3A : memref<!tpu.dma_semaphore, #tpu.memory_space<semaphore_mem>>)
      %dma_wait3A_51 = arith.constant 0 : i32
      %dma_wait3A_52 = tpu.memref_slice %arg11[%mul3A_4, %dma_wait3A_51] : memref<10240x128xf32, #tpu.memory_space<vmem_shared>> -> memref<640x128xf32, #tpu.memory_space<vmem_shared>>
      %dma_wait3A_53 = arith.constant 0 : i32
      %dma_wait3A_54 = tpu.memref_slice %arg5[%mul3A_2, %dma_wait3A_53] : memref<10240x128xf32, #tpu.memory_space<hbm>> -> memref<640x128xf32, #tpu.memory_space<hbm>>
      tpu.wait_dma2 semaphore(%run_scoped3A : memref<!tpu.dma_semaphore, #tpu.memory_space<semaphore_mem>>) src(%dma_wait3A_54 : memref<640x128xf32, #tpu.memory_space<hbm>>) dst(%dma_wait3A_52 : memref<640x128xf32, #tpu.memory_space<vmem_shared>>)
      tpu.yield
    }) : () -> ()
    %barrier3A = arith.constant 0 : index
    tpu.barrier barrier_id(%barrier3A)
    "tpu.region"() ({
      %run_scoped3A = tpu.sem_alloc : memref<!tpu.dma_semaphore, #tpu.memory_space<semaphore_mem>>
      %dma_start3A = arith.constant 0 : i32
      %dma_start3A_48 = arith.constant 0 : i32
      %dma_start3A_49 = tpu.memref_slice %arg3[%add3A, %dma_start3A, %dma_start3A_48] : memref<32x80x125xi32, #tpu.memory_space<hbm>> -> memref<1x40x125xi32, #tpu.memory_space<hbm>>
      %dma_start3A_50 = tpu.memref_squeeze %dma_start3A_49 : memref<1x40x125xi32, #tpu.memory_space<hbm>> -> memref<40x125xi32, #tpu.memory_space<hbm>>
      %dma_start3A_51 = arith.constant 0 : i32
      %dma_start3A_52 = arith.constant 0 : i32
      %dma_start3A_53 = tpu.memref_slice %arg3[%add3A, %dma_start3A_51, %dma_start3A_52] : memref<32x80x125xi32, #tpu.memory_space<hbm>> -> memref<1x40x125xi32, #tpu.memory_space<hbm>>
      %dma_start3A_54 = tpu.memref_squeeze %dma_start3A_53 : memref<1x40x125xi32, #tpu.memory_space<hbm>> -> memref<40x125xi32, #tpu.memory_space<hbm>>
      tpu.enqueue_dma source(%dma_start3A_54 : memref<40x125xi32, #tpu.memory_space<hbm>>) target(%arg7 : memref<40x125xi32, #tpu.memory_space<vmem>>) target_semaphore(%run_scoped3A : memref<!tpu.dma_semaphore, #tpu.memory_space<semaphore_mem>>)
      %dma_wait3A_55 = arith.constant 0 : i32
      %dma_wait3A_56 = arith.constant 0 : i32
      %dma_wait3A_57 = tpu.memref_slice %arg3[%add3A, %dma_wait3A_55, %dma_wait3A_56] : memref<32x80x125xi32, #tpu.memory_space<hbm>> -> memref<1x40x125xi32, #tpu.memory_space<hbm>>
      %dma_wait3A_58 = tpu.memref_squeeze %dma_wait3A_57 : memref<1x40x125xi32, #tpu.memory_space<hbm>> -> memref<40x125xi32, #tpu.memory_space<hbm>>
      %dma_wait3A_59 = arith.constant 0 : i32
      %dma_wait3A_60 = arith.constant 0 : i32
      %dma_wait3A_61 = tpu.memref_slice %arg3[%add3A, %dma_wait3A_59, %dma_wait3A_60] : memref<32x80x125xi32, #tpu.memory_space<hbm>> -> memref<1x40x125xi32, #tpu.memory_space<hbm>>
      %dma_wait3A_62 = tpu.memref_squeeze %dma_wait3A_61 : memref<1x40x125xi32, #tpu.memory_space<hbm>> -> memref<40x125xi32, #tpu.memory_space<hbm>>
      tpu.wait_dma2 semaphore(%run_scoped3A : memref<!tpu.dma_semaphore, #tpu.memory_space<semaphore_mem>>) src(%dma_wait3A_62 : memref<40x125xi32, #tpu.memory_space<hbm>>) dst(%arg7 : memref<40x125xi32, #tpu.memory_space<vmem>>)
      tpu.yield
    }) : () -> ()
    "tpu.region"() ({
      %run_scoped3A = tpu.sem_alloc : memref<!tpu.dma_semaphore, #tpu.memory_space<semaphore_mem>>
      %dma_start3A = arith.constant 0 : i32
      %dma_start3A_48 = arith.constant 0 : i32
      %dma_start3A_49 = tpu.memref_slice %arg4[%add3A, %dma_start3A, %dma_start3A_48] : memref<32x80x125xi32, #tpu.memory_space<hbm>> -> memref<1x40x125xi32, #tpu.memory_space<hbm>>
      %dma_start3A_50 = tpu.memref_squeeze %dma_start3A_49 : memref<1x40x125xi32, #tpu.memory_space<hbm>> -> memref<40x125xi32, #tpu.memory_space<hbm>>
      %dma_start3A_51 = arith.constant 0 : i32
      %dma_start3A_52 = arith.constant 0 : i32
      %dma_start3A_53 = tpu.memref_slice %arg4[%add3A, %dma_start3A_51, %dma_start3A_52] : memref<32x80x125xi32, #tpu.memory_space<hbm>> -> memref<1x40x125xi32, #tpu.memory_space<hbm>>
      %dma_start3A_54 = tpu.memref_squeeze %dma_start3A_53 : memref<1x40x125xi32, #tpu.memory_space<hbm>> -> memref<40x125xi32, #tpu.memory_space<hbm>>
      tpu.enqueue_dma source(%dma_start3A_54 : memref<40x125xi32, #tpu.memory_space<hbm>>) target(%arg8 : memref<40x125xi32, #tpu.memory_space<vmem>>) target_semaphore(%run_scoped3A : memref<!tpu.dma_semaphore, #tpu.memory_space<semaphore_mem>>)
      %dma_wait3A_55 = arith.constant 0 : i32
      %dma_wait3A_56 = arith.constant 0 : i32
      %dma_wait3A_57 = tpu.memref_slice %arg4[%add3A, %dma_wait3A_55, %dma_wait3A_56] : memref<32x80x125xi32, #tpu.memory_space<hbm>> -> memref<1x40x125xi32, #tpu.memory_space<hbm>>
      %dma_wait3A_58 = tpu.memref_squeeze %dma_wait3A_57 : memref<1x40x125xi32, #tpu.memory_space<hbm>> -> memref<40x125xi32, #tpu.memory_space<hbm>>
      %dma_wait3A_59 = arith.constant 0 : i32
      %dma_wait3A_60 = arith.constant 0 : i32
      %dma_wait3A_61 = tpu.memref_slice %arg4[%add3A, %dma_wait3A_59, %dma_wait3A_60] : memref<32x80x125xi32, #tpu.memory_space<hbm>> -> memref<1x40x125xi32, #tpu.memory_space<hbm>>
      %dma_wait3A_62 = tpu.memref_squeeze %dma_wait3A_61 : memref<1x40x125xi32, #tpu.memory_space<hbm>> -> memref<40x125xi32, #tpu.memory_space<hbm>>
      tpu.wait_dma2 semaphore(%run_scoped3A : memref<!tpu.dma_semaphore, #tpu.memory_space<semaphore_mem>>) src(%dma_wait3A_62 : memref<40x125xi32, #tpu.memory_space<hbm>>) dst(%arg8 : memref<40x125xi32, #tpu.memory_space<vmem>>)
      tpu.yield
    }) : () -> ()
    %scan3A = arith.constant 0 : i32
    %scan3A_5 = arith.constant 0 : i32
    %scan3A_6 = arith.constant 20 : i32
    %scan3A_7 = arith.addi %scan3A_5, %scan3A_6 : i32
    %scan3A_8 = arith.constant 1 : i32
    scf.for %scan3A_48 = %scan3A_5 to %scan3A_7 step %scan3A_8  : i32 {
      %mul3A_49 = arith.constant 2 : i32
      %mul3A_50 = arith.muli %scan3A_48, %mul3A_49 : i32
      %add3A_51 = arith.constant 1 : i32
      %add3A_52 = arith.addi %mul3A_50, %add3A_51 : i32
      %gt3A = arith.constant 0 : i32
      %gt3A_53 = arith.cmpi sgt, %scan3A_48, %gt3A : i32
      %convert_element_type3A = arith.extui %gt3A_53 : i1 to i32
      %cond3A = arith.constant 0 : i32
      %cond3A_54 = arith.cmpi ne, %convert_element_type3A, %cond3A : i32
      scf.if %cond3A_54 {
        %dma_wait3A_90 = arith.constant 0 : i32
        %dma_wait3A_91 = tpu.memref_slice %arg8[%mul3A_50, %dma_wait3A_90] : memref<40x125xi32, #tpu.memory_space<vmem>> -> memref<1x125xi32, #tpu.memory_space<vmem>>
        %dma_wait3A_92 = tpu.memref_squeeze %dma_wait3A_91 : memref<1x125xi32, #tpu.memory_space<vmem>> -> memref<125xi32, #tpu.memory_space<vmem>>
        %dma_wait3A_93 = arith.constant 0 : i32
        %dma_wait3A_94 = arith.constant 0 : i32
        %dma_wait3A_95 = tpu.memref_slice %arg11[%dma_wait3A_93, %dma_wait3A_94] : memref<10240x128xf32, #tpu.memory_space<vmem_shared>> -> memref<10240x128xf32, #tpu.memory_space<vmem_shared>>
        tpu.wait_indirect_dma semaphore(%arg14 : memref<!tpu.dma_semaphore, #tpu.memory_space<semaphore_mem>>) src(%arg9 : memref<125x128xf32, #tpu.memory_space<vmem>>) dst(%dma_wait3A_95 : memref<10240x128xf32, #tpu.memory_space<vmem_shared>>)
        %dma_wait3A_96 = arith.constant 0 : i32
        %dma_wait3A_97 = tpu.memref_slice %arg8[%add3A_52, %dma_wait3A_96] : memref<40x125xi32, #tpu.memory_space<vmem>> -> memref<1x125xi32, #tpu.memory_space<vmem>>
        %dma_wait3A_98 = tpu.memref_squeeze %dma_wait3A_97 : memref<1x125xi32, #tpu.memory_space<vmem>> -> memref<125xi32, #tpu.memory_space<vmem>>
        %dma_wait3A_99 = arith.constant 0 : i32
        %dma_wait3A_100 = arith.constant 0 : i32
        %dma_wait3A_101 = tpu.memref_slice %arg11[%dma_wait3A_99, %dma_wait3A_100] : memref<10240x128xf32, #tpu.memory_space<vmem_shared>> -> memref<10240x128xf32, #tpu.memory_space<vmem_shared>>
        tpu.wait_indirect_dma semaphore(%arg15 : memref<!tpu.dma_semaphore, #tpu.memory_space<semaphore_mem>>) src(%arg10 : memref<125x128xf32, #tpu.memory_space<vmem>>) dst(%dma_wait3A_101 : memref<10240x128xf32, #tpu.memory_space<vmem_shared>>)
      } else {
      }
      %dma_start3A = arith.constant 0 : i32
      %dma_start3A_55 = tpu.memref_slice %arg7[%mul3A_50, %dma_start3A] : memref<40x125xi32, #tpu.memory_space<vmem>> -> memref<1x125xi32, #tpu.memory_space<vmem>>
      %dma_start3A_56 = tpu.memref_squeeze %dma_start3A_55 : memref<1x125xi32, #tpu.memory_space<vmem>> -> memref<125xi32, #tpu.memory_space<vmem>>
      %dma_start3A_57 = arith.constant 0 : i32
      %dma_start3A_58 = arith.constant 0 : i32
      %dma_start3A_59 = tpu.memref_slice %arg2[%dma_start3A_57, %dma_start3A_58] : memref<10000x128xf32, #tpu.memory_space<hbm>> -> memref<10000x128xf32, #tpu.memory_space<hbm>>
      tpu.enqueue_indirect_dma source(%dma_start3A_59 : memref<10000x128xf32, #tpu.memory_space<hbm>>) target(%arg9 : memref<125x128xf32, #tpu.memory_space<vmem>>) offsets(%dma_start3A_56 : memref<125xi32, #tpu.memory_space<vmem>>) semaphore(%arg12 : memref<!tpu.dma_semaphore, #tpu.memory_space<semaphore_mem>>)
      %dma_start3A_60 = arith.constant 0 : i32
      %dma_start3A_61 = tpu.memref_slice %arg7[%add3A_52, %dma_start3A_60] : memref<40x125xi32, #tpu.memory_space<vmem>> -> memref<1x125xi32, #tpu.memory_space<vmem>>
      %dma_start3A_62 = tpu.memref_squeeze %dma_start3A_61 : memref<1x125xi32, #tpu.memory_space<vmem>> -> memref<125xi32, #tpu.memory_space<vmem>>
      %dma_start3A_63 = arith.constant 0 : i32
      %dma_start3A_64 = arith.constant 0 : i32
      %dma_start3A_65 = tpu.memref_slice %arg2[%dma_start3A_63, %dma_start3A_64] : memref<10000x128xf32, #tpu.memory_space<hbm>> -> memref<10000x128xf32, #tpu.memory_space<hbm>>
      tpu.enqueue_indirect_dma source(%dma_start3A_65 : memref<10000x128xf32, #tpu.memory_space<hbm>>) target(%arg10 : memref<125x128xf32, #tpu.memory_space<vmem>>) offsets(%dma_start3A_62 : memref<125xi32, #tpu.memory_space<vmem>>) semaphore(%arg13 : memref<!tpu.dma_semaphore, #tpu.memory_space<semaphore_mem>>)
      %dma_wait3A_66 = arith.constant 0 : i32
      %dma_wait3A_67 = tpu.memref_slice %arg7[%mul3A_50, %dma_wait3A_66] : memref<40x125xi32, #tpu.memory_space<vmem>> -> memref<1x125xi32, #tpu.memory_space<vmem>>
      %dma_wait3A_68 = tpu.memref_squeeze %dma_wait3A_67 : memref<1x125xi32, #tpu.memory_space<vmem>> -> memref<125xi32, #tpu.memory_space<vmem>>
      %dma_wait3A_69 = arith.constant 0 : i32
      %dma_wait3A_70 = arith.constant 0 : i32
      %dma_wait3A_71 = tpu.memref_slice %arg2[%dma_wait3A_69, %dma_wait3A_70] : memref<10000x128xf32, #tpu.memory_space<hbm>> -> memref<10000x128xf32, #tpu.memory_space<hbm>>
      tpu.wait_indirect_dma semaphore(%arg12 : memref<!tpu.dma_semaphore, #tpu.memory_space<semaphore_mem>>) src(%dma_wait3A_71 : memref<10000x128xf32, #tpu.memory_space<hbm>>) dst(%arg9 : memref<125x128xf32, #tpu.memory_space<vmem>>)
      %dma_start3A_72 = arith.constant 0 : i32
      %dma_start3A_73 = tpu.memref_slice %arg8[%mul3A_50, %dma_start3A_72] : memref<40x125xi32, #tpu.memory_space<vmem>> -> memref<1x125xi32, #tpu.memory_space<vmem>>
      %dma_start3A_74 = tpu.memref_squeeze %dma_start3A_73 : memref<1x125xi32, #tpu.memory_space<vmem>> -> memref<125xi32, #tpu.memory_space<vmem>>
      %dma_start3A_75 = arith.constant 0 : i32
      %dma_start3A_76 = arith.constant 0 : i32
      %dma_start3A_77 = tpu.memref_slice %arg11[%dma_start3A_75, %dma_start3A_76] : memref<10240x128xf32, #tpu.memory_space<vmem_shared>> -> memref<10240x128xf32, #tpu.memory_space<vmem_shared>>
      tpu.enqueue_indirect_dma source(%arg9 : memref<125x128xf32, #tpu.memory_space<vmem>>) target(%dma_start3A_77 : memref<10240x128xf32, #tpu.memory_space<vmem_shared>>) offsets(%dma_start3A_74 : memref<125xi32, #tpu.memory_space<vmem>>) semaphore(%arg14 : memref<!tpu.dma_semaphore, #tpu.memory_space<semaphore_mem>>) {add = true}
      %dma_wait3A_78 = arith.constant 0 : i32
      %dma_wait3A_79 = tpu.memref_slice %arg7[%add3A_52, %dma_wait3A_78] : memref<40x125xi32, #tpu.memory_space<vmem>> -> memref<1x125xi32, #tpu.memory_space<vmem>>
      %dma_wait3A_80 = tpu.memref_squeeze %dma_wait3A_79 : memref<1x125xi32, #tpu.memory_space<vmem>> -> memref<125xi32, #tpu.memory_space<vmem>>
      %dma_wait3A_81 = arith.constant 0 : i32
      %dma_wait3A_82 = arith.constant 0 : i32
      %dma_wait3A_83 = tpu.memref_slice %arg2[%dma_wait3A_81, %dma_wait3A_82] : memref<10000x128xf32, #tpu.memory_space<hbm>> -> memref<10000x128xf32, #tpu.memory_space<hbm>>
      tpu.wait_indirect_dma semaphore(%arg13 : memref<!tpu.dma_semaphore, #tpu.memory_space<semaphore_mem>>) src(%dma_wait3A_83 : memref<10000x128xf32, #tpu.memory_space<hbm>>) dst(%arg10 : memref<125x128xf32, #tpu.memory_space<vmem>>)
      %dma_start3A_84 = arith.constant 0 : i32
      %dma_start3A_85 = tpu.memref_slice %arg8[%add3A_52, %dma_start3A_84] : memref<40x125xi32, #tpu.memory_space<vmem>> -> memref<1x125xi32, #tpu.memory_space<vmem>>
      %dma_start3A_86 = tpu.memref_squeeze %dma_start3A_85 : memref<1x125xi32, #tpu.memory_space<vmem>> -> memref<125xi32, #tpu.memory_space<vmem>>
      %dma_start3A_87 = arith.constant 0 : i32
      %dma_start3A_88 = arith.constant 0 : i32
      %dma_start3A_89 = tpu.memref_slice %arg11[%dma_start3A_87, %dma_start3A_88] : memref<10240x128xf32, #tpu.memory_space<vmem_shared>> -> memref<10240x128xf32, #tpu.memory_space<vmem_shared>>
      tpu.enqueue_indirect_dma source(%arg10 : memref<125x128xf32, #tpu.memory_space<vmem>>) target(%dma_start3A_89 : memref<10240x128xf32, #tpu.memory_space<vmem_shared>>) offsets(%dma_start3A_86 : memref<125xi32, #tpu.memory_space<vmem>>) semaphore(%arg15 : memref<!tpu.dma_semaphore, #tpu.memory_space<semaphore_mem>>) {add = true}
    }
    %scan3A_9 = arith.constant 20 : i32
    %dma_wait3A = arith.constant 0 : i32
    %dma_wait3A_10 = arith.constant 0 : i32
    %dma_wait3A_11 = tpu.memref_slice %arg8[%dma_wait3A, %dma_wait3A_10] : memref<40x125xi32, #tpu.memory_space<vmem>> -> memref<1x125xi32, #tpu.memory_space<vmem>>
    %dma_wait3A_12 = tpu.memref_squeeze %dma_wait3A_11 : memref<1x125xi32, #tpu.memory_space<vmem>> -> memref<125xi32, #tpu.memory_space<vmem>>
    %dma_wait3A_13 = arith.constant 0 : i32
    %dma_wait3A_14 = arith.constant 0 : i32
    %dma_wait3A_15 = tpu.memref_slice %arg11[%dma_wait3A_13, %dma_wait3A_14] : memref<10240x128xf32, #tpu.memory_space<vmem_shared>> -> memref<10240x128xf32, #tpu.memory_space<vmem_shared>>
    tpu.wait_indirect_dma semaphore(%arg14 : memref<!tpu.dma_semaphore, #tpu.memory_space<semaphore_mem>>) src(%arg9 : memref<125x128xf32, #tpu.memory_space<vmem>>) dst(%dma_wait3A_15 : memref<10240x128xf32, #tpu.memory_space<vmem_shared>>)
    %dma_wait3A_16 = arith.constant 1 : i32
    %dma_wait3A_17 = arith.constant 0 : i32
    %dma_wait3A_18 = tpu.memref_slice %arg8[%dma_wait3A_16, %dma_wait3A_17] : memref<40x125xi32, #tpu.memory_space<vmem>> -> memref<1x125xi32, #tpu.memory_space<vmem>>
    %dma_wait3A_19 = tpu.memref_squeeze %dma_wait3A_18 : memref<1x125xi32, #tpu.memory_space<vmem>> -> memref<125xi32, #tpu.memory_space<vmem>>
    %dma_wait3A_20 = arith.constant 0 : i32
    %dma_wait3A_21 = arith.constant 0 : i32
    %dma_wait3A_22 = tpu.memref_slice %arg11[%dma_wait3A_20, %dma_wait3A_21] : memref<10240x128xf32, #tpu.memory_space<vmem_shared>> -> memref<10240x128xf32, #tpu.memory_space<vmem_shared>>
    tpu.wait_indirect_dma semaphore(%arg15 : memref<!tpu.dma_semaphore, #tpu.memory_space<semaphore_mem>>) src(%arg10 : memref<125x128xf32, #tpu.memory_space<vmem>>) dst(%dma_wait3A_22 : memref<10240x128xf32, #tpu.memory_space<vmem_shared>>)
    "tpu.region"() ({
      %run_scoped3A = tpu.sem_alloc : memref<!tpu.dma_semaphore, #tpu.memory_space<semaphore_mem>>
      %dma_start3A = arith.constant 40 : i32
      %dma_start3A_48 = arith.constant 0 : i32
      %dma_start3A_49 = tpu.memref_slice %arg3[%add3A, %dma_start3A, %dma_start3A_48] : memref<32x80x125xi32, #tpu.memory_space<hbm>> -> memref<1x40x125xi32, #tpu.memory_space<hbm>>
      %dma_start3A_50 = tpu.memref_squeeze %dma_start3A_49 : memref<1x40x125xi32, #tpu.memory_space<hbm>> -> memref<40x125xi32, #tpu.memory_space<hbm>>
      %dma_start3A_51 = arith.constant 40 : i32
      %dma_start3A_52 = arith.constant 0 : i32
      %dma_start3A_53 = tpu.memref_slice %arg3[%add3A, %dma_start3A_51, %dma_start3A_52] : memref<32x80x125xi32, #tpu.memory_space<hbm>> -> memref<1x40x125xi32, #tpu.memory_space<hbm>>
      %dma_start3A_54 = tpu.memref_squeeze %dma_start3A_53 : memref<1x40x125xi32, #tpu.memory_space<hbm>> -> memref<40x125xi32, #tpu.memory_space<hbm>>
      tpu.enqueue_dma source(%dma_start3A_54 : memref<40x125xi32, #tpu.memory_space<hbm>>) target(%arg7 : memref<40x125xi32, #tpu.memory_space<vmem>>) target_semaphore(%run_scoped3A : memref<!tpu.dma_semaphore, #tpu.memory_space<semaphore_mem>>)
      %dma_wait3A_55 = arith.constant 40 : i32
      %dma_wait3A_56 = arith.constant 0 : i32
      %dma_wait3A_57 = tpu.memref_slice %arg3[%add3A, %dma_wait3A_55, %dma_wait3A_56] : memref<32x80x125xi32, #tpu.memory_space<hbm>> -> memref<1x40x125xi32, #tpu.memory_space<hbm>>
      %dma_wait3A_58 = tpu.memref_squeeze %dma_wait3A_57 : memref<1x40x125xi32, #tpu.memory_space<hbm>> -> memref<40x125xi32, #tpu.memory_space<hbm>>
      %dma_wait3A_59 = arith.constant 40 : i32
      %dma_wait3A_60 = arith.constant 0 : i32
      %dma_wait3A_61 = tpu.memref_slice %arg3[%add3A, %dma_wait3A_59, %dma_wait3A_60] : memref<32x80x125xi32, #tpu.memory_space<hbm>> -> memref<1x40x125xi32, #tpu.memory_space<hbm>>
      %dma_wait3A_62 = tpu.memref_squeeze %dma_wait3A_61 : memref<1x40x125xi32, #tpu.memory_space<hbm>> -> memref<40x125xi32, #tpu.memory_space<hbm>>
      tpu.wait_dma2 semaphore(%run_scoped3A : memref<!tpu.dma_semaphore, #tpu.memory_space<semaphore_mem>>) src(%dma_wait3A_62 : memref<40x125xi32, #tpu.memory_space<hbm>>) dst(%arg7 : memref<40x125xi32, #tpu.memory_space<vmem>>)
      tpu.yield
    }) : () -> ()
    "tpu.region"() ({
      %run_scoped3A = tpu.sem_alloc : memref<!tpu.dma_semaphore, #tpu.memory_space<semaphore_mem>>
      %dma_start3A = arith.constant 40 : i32
      %dma_start3A_48 = arith.constant 0 : i32
      %dma_start3A_49 = tpu.memref_slice %arg4[%add3A, %dma_start3A, %dma_start3A_48] : memref<32x80x125xi32, #tpu.memory_space<hbm>> -> memref<1x40x125xi32, #tpu.memory_space<hbm>>
      %dma_start3A_50 = tpu.memref_squeeze %dma_start3A_49 : memref<1x40x125xi32, #tpu.memory_space<hbm>> -> memref<40x125xi32, #tpu.memory_space<hbm>>
      %dma_start3A_51 = arith.constant 40 : i32
      %dma_start3A_52 = arith.constant 0 : i32
      %dma_start3A_53 = tpu.memref_slice %arg4[%add3A, %dma_start3A_51, %dma_start3A_52] : memref<32x80x125xi32, #tpu.memory_space<hbm>> -> memref<1x40x125xi32, #tpu.memory_space<hbm>>
      %dma_start3A_54 = tpu.memref_squeeze %dma_start3A_53 : memref<1x40x125xi32, #tpu.memory_space<hbm>> -> memref<40x125xi32, #tpu.memory_space<hbm>>
      tpu.enqueue_dma source(%dma_start3A_54 : memref<40x125xi32, #tpu.memory_space<hbm>>) target(%arg8 : memref<40x125xi32, #tpu.memory_space<vmem>>) target_semaphore(%run_scoped3A : memref<!tpu.dma_semaphore, #tpu.memory_space<semaphore_mem>>)
      %dma_wait3A_55 = arith.constant 40 : i32
      %dma_wait3A_56 = arith.constant 0 : i32
      %dma_wait3A_57 = tpu.memref_slice %arg4[%add3A, %dma_wait3A_55, %dma_wait3A_56] : memref<32x80x125xi32, #tpu.memory_space<hbm>> -> memref<1x40x125xi32, #tpu.memory_space<hbm>>
      %dma_wait3A_58 = tpu.memref_squeeze %dma_wait3A_57 : memref<1x40x125xi32, #tpu.memory_space<hbm>> -> memref<40x125xi32, #tpu.memory_space<hbm>>
      %dma_wait3A_59 = arith.constant 40 : i32
      %dma_wait3A_60 = arith.constant 0 : i32
      %dma_wait3A_61 = tpu.memref_slice %arg4[%add3A, %dma_wait3A_59, %dma_wait3A_60] : memref<32x80x125xi32, #tpu.memory_space<hbm>> -> memref<1x40x125xi32, #tpu.memory_space<hbm>>
      %dma_wait3A_62 = tpu.memref_squeeze %dma_wait3A_61 : memref<1x40x125xi32, #tpu.memory_space<hbm>> -> memref<40x125xi32, #tpu.memory_space<hbm>>
      tpu.wait_dma2 semaphore(%run_scoped3A : memref<!tpu.dma_semaphore, #tpu.memory_space<semaphore_mem>>) src(%dma_wait3A_62 : memref<40x125xi32, #tpu.memory_space<hbm>>) dst(%arg8 : memref<40x125xi32, #tpu.memory_space<vmem>>)
      tpu.yield
    }) : () -> ()
    %scan3A_23 = arith.constant 0 : i32
    %scan3A_24 = arith.constant 0 : i32
    %scan3A_25 = arith.constant 20 : i32
    %scan3A_26 = arith.addi %scan3A_24, %scan3A_25 : i32
    %scan3A_27 = arith.constant 1 : i32
    scf.for %scan3A_48 = %scan3A_24 to %scan3A_26 step %scan3A_27  : i32 {
      %mul3A_49 = arith.constant 2 : i32
      %mul3A_50 = arith.muli %scan3A_48, %mul3A_49 : i32
      %add3A_51 = arith.constant 1 : i32
      %add3A_52 = arith.addi %mul3A_50, %add3A_51 : i32
      %gt3A = arith.constant 0 : i32
      %gt3A_53 = arith.cmpi sgt, %scan3A_48, %gt3A : i32
      %convert_element_type3A = arith.extui %gt3A_53 : i1 to i32
      %cond3A = arith.constant 0 : i32
      %cond3A_54 = arith.cmpi ne, %convert_element_type3A, %cond3A : i32
      scf.if %cond3A_54 {
        %dma_wait3A_90 = arith.constant 0 : i32
        %dma_wait3A_91 = tpu.memref_slice %arg8[%mul3A_50, %dma_wait3A_90] : memref<40x125xi32, #tpu.memory_space<vmem>> -> memref<1x125xi32, #tpu.memory_space<vmem>>
        %dma_wait3A_92 = tpu.memref_squeeze %dma_wait3A_91 : memref<1x125xi32, #tpu.memory_space<vmem>> -> memref<125xi32, #tpu.memory_space<vmem>>
        %dma_wait3A_93 = arith.constant 0 : i32
        %dma_wait3A_94 = arith.constant 0 : i32
        %dma_wait3A_95 = tpu.memref_slice %arg11[%dma_wait3A_93, %dma_wait3A_94] : memref<10240x128xf32, #tpu.memory_space<vmem_shared>> -> memref<10240x128xf32, #tpu.memory_space<vmem_shared>>
        tpu.wait_indirect_dma semaphore(%arg14 : memref<!tpu.dma_semaphore, #tpu.memory_space<semaphore_mem>>) src(%arg9 : memref<125x128xf32, #tpu.memory_space<vmem>>) dst(%dma_wait3A_95 : memref<10240x128xf32, #tpu.memory_space<vmem_shared>>)
        %dma_wait3A_96 = arith.constant 0 : i32
        %dma_wait3A_97 = tpu.memref_slice %arg8[%add3A_52, %dma_wait3A_96] : memref<40x125xi32, #tpu.memory_space<vmem>> -> memref<1x125xi32, #tpu.memory_space<vmem>>
        %dma_wait3A_98 = tpu.memref_squeeze %dma_wait3A_97 : memref<1x125xi32, #tpu.memory_space<vmem>> -> memref<125xi32, #tpu.memory_space<vmem>>
        %dma_wait3A_99 = arith.constant 0 : i32
        %dma_wait3A_100 = arith.constant 0 : i32
        %dma_wait3A_101 = tpu.memref_slice %arg11[%dma_wait3A_99, %dma_wait3A_100] : memref<10240x128xf32, #tpu.memory_space<vmem_shared>> -> memref<10240x128xf32, #tpu.memory_space<vmem_shared>>
        tpu.wait_indirect_dma semaphore(%arg15 : memref<!tpu.dma_semaphore, #tpu.memory_space<semaphore_mem>>) src(%arg10 : memref<125x128xf32, #tpu.memory_space<vmem>>) dst(%dma_wait3A_101 : memref<10240x128xf32, #tpu.memory_space<vmem_shared>>)
      } else {
      }
      %dma_start3A = arith.constant 0 : i32
      %dma_start3A_55 = tpu.memref_slice %arg7[%mul3A_50, %dma_start3A] : memref<40x125xi32, #tpu.memory_space<vmem>> -> memref<1x125xi32, #tpu.memory_space<vmem>>
      %dma_start3A_56 = tpu.memref_squeeze %dma_start3A_55 : memref<1x125xi32, #tpu.memory_space<vmem>> -> memref<125xi32, #tpu.memory_space<vmem>>
      %dma_start3A_57 = arith.constant 0 : i32
      %dma_start3A_58 = arith.constant 0 : i32
      %dma_start3A_59 = tpu.memref_slice %arg2[%dma_start3A_57, %dma_start3A_58] : memref<10000x128xf32, #tpu.memory_space<hbm>> -> memref<10000x128xf32, #tpu.memory_space<hbm>>
      tpu.enqueue_indirect_dma source(%dma_start3A_59 : memref<10000x128xf32, #tpu.memory_space<hbm>>) target(%arg9 : memref<125x128xf32, #tpu.memory_space<vmem>>) offsets(%dma_start3A_56 : memref<125xi32, #tpu.memory_space<vmem>>) semaphore(%arg12 : memref<!tpu.dma_semaphore, #tpu.memory_space<semaphore_mem>>)
      %dma_start3A_60 = arith.constant 0 : i32
      %dma_start3A_61 = tpu.memref_slice %arg7[%add3A_52, %dma_start3A_60] : memref<40x125xi32, #tpu.memory_space<vmem>> -> memref<1x125xi32, #tpu.memory_space<vmem>>
      %dma_start3A_62 = tpu.memref_squeeze %dma_start3A_61 : memref<1x125xi32, #tpu.memory_space<vmem>> -> memref<125xi32, #tpu.memory_space<vmem>>
      %dma_start3A_63 = arith.constant 0 : i32
      %dma_start3A_64 = arith.constant 0 : i32
      %dma_start3A_65 = tpu.memref_slice %arg2[%dma_start3A_63, %dma_start3A_64] : memref<10000x128xf32, #tpu.memory_space<hbm>> -> memref<10000x128xf32, #tpu.memory_space<hbm>>
      tpu.enqueue_indirect_dma source(%dma_start3A_65 : memref<10000x128xf32, #tpu.memory_space<hbm>>) target(%arg10 : memref<125x128xf32, #tpu.memory_space<vmem>>) offsets(%dma_start3A_62 : memref<125xi32, #tpu.memory_space<vmem>>) semaphore(%arg13 : memref<!tpu.dma_semaphore, #tpu.memory_space<semaphore_mem>>)
      %dma_wait3A_66 = arith.constant 0 : i32
      %dma_wait3A_67 = tpu.memref_slice %arg7[%mul3A_50, %dma_wait3A_66] : memref<40x125xi32, #tpu.memory_space<vmem>> -> memref<1x125xi32, #tpu.memory_space<vmem>>
      %dma_wait3A_68 = tpu.memref_squeeze %dma_wait3A_67 : memref<1x125xi32, #tpu.memory_space<vmem>> -> memref<125xi32, #tpu.memory_space<vmem>>
      %dma_wait3A_69 = arith.constant 0 : i32
      %dma_wait3A_70 = arith.constant 0 : i32
      %dma_wait3A_71 = tpu.memref_slice %arg2[%dma_wait3A_69, %dma_wait3A_70] : memref<10000x128xf32, #tpu.memory_space<hbm>> -> memref<10000x128xf32, #tpu.memory_space<hbm>>
      tpu.wait_indirect_dma semaphore(%arg12 : memref<!tpu.dma_semaphore, #tpu.memory_space<semaphore_mem>>) src(%dma_wait3A_71 : memref<10000x128xf32, #tpu.memory_space<hbm>>) dst(%arg9 : memref<125x128xf32, #tpu.memory_space<vmem>>)
      %dma_start3A_72 = arith.constant 0 : i32
      %dma_start3A_73 = tpu.memref_slice %arg8[%mul3A_50, %dma_start3A_72] : memref<40x125xi32, #tpu.memory_space<vmem>> -> memref<1x125xi32, #tpu.memory_space<vmem>>
      %dma_start3A_74 = tpu.memref_squeeze %dma_start3A_73 : memref<1x125xi32, #tpu.memory_space<vmem>> -> memref<125xi32, #tpu.memory_space<vmem>>
      %dma_start3A_75 = arith.constant 0 : i32
      %dma_start3A_76 = arith.constant 0 : i32
      %dma_start3A_77 = tpu.memref_slice %arg11[%dma_start3A_75, %dma_start3A_76] : memref<10240x128xf32, #tpu.memory_space<vmem_shared>> -> memref<10240x128xf32, #tpu.memory_space<vmem_shared>>
      tpu.enqueue_indirect_dma source(%arg9 : memref<125x128xf32, #tpu.memory_space<vmem>>) target(%dma_start3A_77 : memref<10240x128xf32, #tpu.memory_space<vmem_shared>>) offsets(%dma_start3A_74 : memref<125xi32, #tpu.memory_space<vmem>>) semaphore(%arg14 : memref<!tpu.dma_semaphore, #tpu.memory_space<semaphore_mem>>) {add = true}
      %dma_wait3A_78 = arith.constant 0 : i32
      %dma_wait3A_79 = tpu.memref_slice %arg7[%add3A_52, %dma_wait3A_78] : memref<40x125xi32, #tpu.memory_space<vmem>> -> memref<1x125xi32, #tpu.memory_space<vmem>>
      %dma_wait3A_80 = tpu.memref_squeeze %dma_wait3A_79 : memref<1x125xi32, #tpu.memory_space<vmem>> -> memref<125xi32, #tpu.memory_space<vmem>>
      %dma_wait3A_81 = arith.constant 0 : i32
      %dma_wait3A_82 = arith.constant 0 : i32
      %dma_wait3A_83 = tpu.memref_slice %arg2[%dma_wait3A_81, %dma_wait3A_82] : memref<10000x128xf32, #tpu.memory_space<hbm>> -> memref<10000x128xf32, #tpu.memory_space<hbm>>
      tpu.wait_indirect_dma semaphore(%arg13 : memref<!tpu.dma_semaphore, #tpu.memory_space<semaphore_mem>>) src(%dma_wait3A_83 : memref<10000x128xf32, #tpu.memory_space<hbm>>) dst(%arg10 : memref<125x128xf32, #tpu.memory_space<vmem>>)
      %dma_start3A_84 = arith.constant 0 : i32
      %dma_start3A_85 = tpu.memref_slice %arg8[%add3A_52, %dma_start3A_84] : memref<40x125xi32, #tpu.memory_space<vmem>> -> memref<1x125xi32, #tpu.memory_space<vmem>>
      %dma_start3A_86 = tpu.memref_squeeze %dma_start3A_85 : memref<1x125xi32, #tpu.memory_space<vmem>> -> memref<125xi32, #tpu.memory_space<vmem>>
      %dma_start3A_87 = arith.constant 0 : i32
      %dma_start3A_88 = arith.constant 0 : i32
      %dma_start3A_89 = tpu.memref_slice %arg11[%dma_start3A_87, %dma_start3A_88] : memref<10240x128xf32, #tpu.memory_space<vmem_shared>> -> memref<10240x128xf32, #tpu.memory_space<vmem_shared>>
      tpu.enqueue_indirect_dma source(%arg10 : memref<125x128xf32, #tpu.memory_space<vmem>>) target(%dma_start3A_89 : memref<10240x128xf32, #tpu.memory_space<vmem_shared>>) offsets(%dma_start3A_86 : memref<125xi32, #tpu.memory_space<vmem>>) semaphore(%arg15 : memref<!tpu.dma_semaphore, #tpu.memory_space<semaphore_mem>>) {add = true}
    }
    %scan3A_28 = arith.constant 20 : i32
    %dma_wait3A_29 = arith.constant 0 : i32
    %dma_wait3A_30 = arith.constant 0 : i32
    %dma_wait3A_31 = tpu.memref_slice %arg8[%dma_wait3A_29, %dma_wait3A_30] : memref<40x125xi32, #tpu.memory_space<vmem>> -> memref<1x125xi32, #tpu.memory_space<vmem>>
    %dma_wait3A_32 = tpu.memref_squeeze %dma_wait3A_31 : memref<1x125xi32, #tpu.memory_space<vmem>> -> memref<125xi32, #tpu.memory_space<vmem>>
    %dma_wait3A_33 = arith.constant 0 : i32
    %dma_wait3A_34 = arith.constant 0 : i32
    %dma_wait3A_35 = tpu.memref_slice %arg11[%dma_wait3A_33, %dma_wait3A_34] : memref<10240x128xf32, #tpu.memory_space<vmem_shared>> -> memref<10240x128xf32, #tpu.memory_space<vmem_shared>>
    tpu.wait_indirect_dma semaphore(%arg14 : memref<!tpu.dma_semaphore, #tpu.memory_space<semaphore_mem>>) src(%arg9 : memref<125x128xf32, #tpu.memory_space<vmem>>) dst(%dma_wait3A_35 : memref<10240x128xf32, #tpu.memory_space<vmem_shared>>)
    %dma_wait3A_36 = arith.constant 1 : i32
    %dma_wait3A_37 = arith.constant 0 : i32
    %dma_wait3A_38 = tpu.memref_slice %arg8[%dma_wait3A_36, %dma_wait3A_37] : memref<40x125xi32, #tpu.memory_space<vmem>> -> memref<1x125xi32, #tpu.memory_space<vmem>>
    %dma_wait3A_39 = tpu.memref_squeeze %dma_wait3A_38 : memref<1x125xi32, #tpu.memory_space<vmem>> -> memref<125xi32, #tpu.memory_space<vmem>>
    %dma_wait3A_40 = arith.constant 0 : i32
    %dma_wait3A_41 = arith.constant 0 : i32
    %dma_wait3A_42 = tpu.memref_slice %arg11[%dma_wait3A_40, %dma_wait3A_41] : memref<10240x128xf32, #tpu.memory_space<vmem_shared>> -> memref<10240x128xf32, #tpu.memory_space<vmem_shared>>
    tpu.wait_indirect_dma semaphore(%arg15 : memref<!tpu.dma_semaphore, #tpu.memory_space<semaphore_mem>>) src(%arg10 : memref<125x128xf32, #tpu.memory_space<vmem>>) dst(%dma_wait3A_42 : memref<10240x128xf32, #tpu.memory_space<vmem_shared>>)
    %barrier3A_43 = arith.constant 0 : index
    tpu.barrier barrier_id(%barrier3A_43)
    %mul3A_44 = arith.constant 640 : i32
    %mul3A_45 = arith.muli %arg1, %mul3A_44 : i32
    %mul3A_46 = arith.constant 640 : i32
    %mul3A_47 = arith.muli %arg1, %mul3A_46 : i32
    "tpu.region"() ({
      %run_scoped3A = tpu.sem_alloc : memref<!tpu.dma_semaphore, #tpu.memory_space<semaphore_mem>>
      %dma_start3A = arith.constant 0 : i32
      %dma_start3A_48 = tpu.memref_slice %arg6[%arg0, %mul3A_47, %dma_start3A] : memref<2x10240x128xf32, #tpu.memory_space<hbm>> -> memref<1x640x128xf32, #tpu.memory_space<hbm>>
      %dma_start3A_49 = tpu.memref_squeeze %dma_start3A_48 : memref<1x640x128xf32, #tpu.memory_space<hbm>> -> memref<640x128xf32, #tpu.memory_space<hbm>>
      %dma_start3A_50 = arith.constant 0 : i32
      %dma_start3A_51 = tpu.memref_slice %arg11[%mul3A_45, %dma_start3A_50] : memref<10240x128xf32, #tpu.memory_space<vmem_shared>> -> memref<640x128xf32, #tpu.memory_space<vmem_shared>>
      tpu.enqueue_dma source(%dma_start3A_51 : memref<640x128xf32, #tpu.memory_space<vmem_shared>>) target(%dma_start3A_49 : memref<640x128xf32, #tpu.memory_space<hbm>>) target_semaphore(%run_scoped3A : memref<!tpu.dma_semaphore, #tpu.memory_space<semaphore_mem>>)
      %dma_wait3A_52 = arith.constant 0 : i32
      %dma_wait3A_53 = tpu.memref_slice %arg6[%arg0, %mul3A_47, %dma_wait3A_52] : memref<2x10240x128xf32, #tpu.memory_space<hbm>> -> memref<1x640x128xf32, #tpu.memory_space<hbm>>
      %dma_wait3A_54 = tpu.memref_squeeze %dma_wait3A_53 : memref<1x640x128xf32, #tpu.memory_space<hbm>> -> memref<640x128xf32, #tpu.memory_space<hbm>>
      %dma_wait3A_55 = arith.constant 0 : i32
      %dma_wait3A_56 = tpu.memref_slice %arg11[%mul3A_45, %dma_wait3A_55] : memref<10240x128xf32, #tpu.memory_space<vmem_shared>> -> memref<640x128xf32, #tpu.memory_space<vmem_shared>>
      tpu.wait_dma2 semaphore(%run_scoped3A : memref<!tpu.dma_semaphore, #tpu.memory_space<semaphore_mem>>) src(%dma_wait3A_56 : memref<640x128xf32, #tpu.memory_space<vmem_shared>>) dst(%dma_wait3A_54 : memref<640x128xf32, #tpu.memory_space<hbm>>)
      tpu.yield
    }) : () -> ()
    return
  }
}

#map = affine_map<(d0, d1) -> (0, 0, 0)>
#map1 = affine_map<(d0, d1) -> (0, 0)>
module attributes {stable_mosaic.version = 14 : i64} {
  func.func @_sc_degree_body(%arg0: i32, %arg1: i32, %arg2: memref<32x80x125xi32, #tpu.memory_space<hbm>>, %arg3: memref<125x128xf32, #tpu.memory_space<hbm>>, %arg4: memref<10240x128xf32, #tpu.memory_space<hbm>>, %arg5: memref<2x10240x128xf32, #tpu.memory_space<hbm>>, %arg6: memref<80x125xi32, #tpu.memory_space<vmem>>, %arg7: memref<125x128xf32, #tpu.memory_space<vmem>>, %arg8: memref<10240x128xf32, #tpu.memory_space<vmem_shared>>) attributes {dimension_semantics = [#tpu.dimension_semantics<core_parallel>, #tpu.dimension_semantics<subcore_parallel>], iteration_bounds = array<i64: 2, 16>, scalar_prefetch = 0 : i64, scratch_operands = 3 : i64, tpu.core_type = #tpu.core_type<sc_vector_subcore>, window_params = [{transform_indices = #map}, {transform_indices = #map1}, {transform_indices = #map1}, {transform_indices = #map}]} {
    %mul3A = arith.constant 2 : i32
    %mul3A_0 = arith.muli %arg1, %mul3A : i32
    %add3A = arith.addi %mul3A_0, %arg0 : i32
    %mul3A_1 = arith.constant 640 : i32
    %mul3A_2 = arith.muli %arg1, %mul3A_1 : i32
    %mul3A_3 = arith.constant 640 : i32
    %mul3A_4 = arith.muli %arg1, %mul3A_3 : i32
    "tpu.region"() ({
      %run_scoped3A = tpu.sem_alloc : memref<!tpu.dma_semaphore, #tpu.memory_space<semaphore_mem>>
      %dma_start3A = arith.constant 0 : i32
      %dma_start3A_15 = tpu.memref_slice %arg8[%mul3A_4, %dma_start3A] : memref<10240x128xf32, #tpu.memory_space<vmem_shared>> -> memref<640x128xf32, #tpu.memory_space<vmem_shared>>
      %dma_start3A_16 = arith.constant 0 : i32
      %dma_start3A_17 = tpu.memref_slice %arg4[%mul3A_2, %dma_start3A_16] : memref<10240x128xf32, #tpu.memory_space<hbm>> -> memref<640x128xf32, #tpu.memory_space<hbm>>
      tpu.enqueue_dma source(%dma_start3A_17 : memref<640x128xf32, #tpu.memory_space<hbm>>) target(%dma_start3A_15 : memref<640x128xf32, #tpu.memory_space<vmem_shared>>) target_semaphore(%run_scoped3A : memref<!tpu.dma_semaphore, #tpu.memory_space<semaphore_mem>>)
      %dma_wait3A = arith.constant 0 : i32
      %dma_wait3A_18 = tpu.memref_slice %arg8[%mul3A_4, %dma_wait3A] : memref<10240x128xf32, #tpu.memory_space<vmem_shared>> -> memref<640x128xf32, #tpu.memory_space<vmem_shared>>
      %dma_wait3A_19 = arith.constant 0 : i32
      %dma_wait3A_20 = tpu.memref_slice %arg4[%mul3A_2, %dma_wait3A_19] : memref<10240x128xf32, #tpu.memory_space<hbm>> -> memref<640x128xf32, #tpu.memory_space<hbm>>
      tpu.wait_dma2 semaphore(%run_scoped3A : memref<!tpu.dma_semaphore, #tpu.memory_space<semaphore_mem>>) src(%dma_wait3A_20 : memref<640x128xf32, #tpu.memory_space<hbm>>) dst(%dma_wait3A_18 : memref<640x128xf32, #tpu.memory_space<vmem_shared>>)
      tpu.yield
    }) : () -> ()
    "tpu.region"() ({
      %run_scoped3A = tpu.sem_alloc : memref<!tpu.dma_semaphore, #tpu.memory_space<semaphore_mem>>
      %dma_start3A = arith.constant 0 : i32
      %dma_start3A_15 = arith.constant 0 : i32
      %dma_start3A_16 = tpu.memref_slice %arg2[%add3A, %dma_start3A, %dma_start3A_15] : memref<32x80x125xi32, #tpu.memory_space<hbm>> -> memref<1x80x125xi32, #tpu.memory_space<hbm>>
      %dma_start3A_17 = tpu.memref_squeeze %dma_start3A_16 : memref<1x80x125xi32, #tpu.memory_space<hbm>> -> memref<80x125xi32, #tpu.memory_space<hbm>>
      %dma_start3A_18 = arith.constant 0 : i32
      %dma_start3A_19 = arith.constant 0 : i32
      %dma_start3A_20 = tpu.memref_slice %arg2[%add3A, %dma_start3A_18, %dma_start3A_19] : memref<32x80x125xi32, #tpu.memory_space<hbm>> -> memref<1x80x125xi32, #tpu.memory_space<hbm>>
      %dma_start3A_21 = tpu.memref_squeeze %dma_start3A_20 : memref<1x80x125xi32, #tpu.memory_space<hbm>> -> memref<80x125xi32, #tpu.memory_space<hbm>>
      tpu.enqueue_dma source(%dma_start3A_21 : memref<80x125xi32, #tpu.memory_space<hbm>>) target(%arg6 : memref<80x125xi32, #tpu.memory_space<vmem>>) target_semaphore(%run_scoped3A : memref<!tpu.dma_semaphore, #tpu.memory_space<semaphore_mem>>)
      %dma_wait3A = arith.constant 0 : i32
      %dma_wait3A_22 = arith.constant 0 : i32
      %dma_wait3A_23 = tpu.memref_slice %arg2[%add3A, %dma_wait3A, %dma_wait3A_22] : memref<32x80x125xi32, #tpu.memory_space<hbm>> -> memref<1x80x125xi32, #tpu.memory_space<hbm>>
      %dma_wait3A_24 = tpu.memref_squeeze %dma_wait3A_23 : memref<1x80x125xi32, #tpu.memory_space<hbm>> -> memref<80x125xi32, #tpu.memory_space<hbm>>
      %dma_wait3A_25 = arith.constant 0 : i32
      %dma_wait3A_26 = arith.constant 0 : i32
      %dma_wait3A_27 = tpu.memref_slice %arg2[%add3A, %dma_wait3A_25, %dma_wait3A_26] : memref<32x80x125xi32, #tpu.memory_space<hbm>> -> memref<1x80x125xi32, #tpu.memory_space<hbm>>
      %dma_wait3A_28 = tpu.memref_squeeze %dma_wait3A_27 : memref<1x80x125xi32, #tpu.memory_space<hbm>> -> memref<80x125xi32, #tpu.memory_space<hbm>>
      tpu.wait_dma2 semaphore(%run_scoped3A : memref<!tpu.dma_semaphore, #tpu.memory_space<semaphore_mem>>) src(%dma_wait3A_28 : memref<80x125xi32, #tpu.memory_space<hbm>>) dst(%arg6 : memref<80x125xi32, #tpu.memory_space<vmem>>)
      tpu.yield
    }) : () -> ()
    "tpu.region"() ({
      %run_scoped3A = tpu.sem_alloc : memref<!tpu.dma_semaphore, #tpu.memory_space<semaphore_mem>>
      tpu.enqueue_dma source(%arg3 : memref<125x128xf32, #tpu.memory_space<hbm>>) target(%arg7 : memref<125x128xf32, #tpu.memory_space<vmem>>) target_semaphore(%run_scoped3A : memref<!tpu.dma_semaphore, #tpu.memory_space<semaphore_mem>>)
      tpu.wait_dma2 semaphore(%run_scoped3A : memref<!tpu.dma_semaphore, #tpu.memory_space<semaphore_mem>>) src(%arg3 : memref<125x128xf32, #tpu.memory_space<hbm>>) dst(%arg7 : memref<125x128xf32, #tpu.memory_space<vmem>>)
      tpu.yield
    }) : () -> ()
    %barrier3A = arith.constant 0 : index
    tpu.barrier barrier_id(%barrier3A)
    %scan3A = arith.constant 0 : i32
    %scan3A_5 = arith.constant 0 : i32
    %scan3A_6 = arith.constant 80 : i32
    %scan3A_7 = arith.addi %scan3A_5, %scan3A_6 : i32
    %scan3A_8 = arith.constant 1 : i32
    scf.for %scan3A_15 = %scan3A_5 to %scan3A_7 step %scan3A_8  : i32 {
      "tpu.region"() ({
        %run_scoped3A = tpu.sem_alloc : memref<!tpu.dma_semaphore, #tpu.memory_space<semaphore_mem>>
        %dma_start3A = arith.constant 0 : i32
        %dma_start3A_16 = tpu.memref_slice %arg6[%scan3A_15, %dma_start3A] : memref<80x125xi32, #tpu.memory_space<vmem>> -> memref<1x125xi32, #tpu.memory_space<vmem>>
        %dma_start3A_17 = tpu.memref_squeeze %dma_start3A_16 : memref<1x125xi32, #tpu.memory_space<vmem>> -> memref<125xi32, #tpu.memory_space<vmem>>
        %dma_start3A_18 = arith.constant 0 : i32
        %dma_start3A_19 = arith.constant 0 : i32
        %dma_start3A_20 = tpu.memref_slice %arg8[%dma_start3A_18, %dma_start3A_19] : memref<10240x128xf32, #tpu.memory_space<vmem_shared>> -> memref<10240x128xf32, #tpu.memory_space<vmem_shared>>
        tpu.enqueue_indirect_dma source(%arg7 : memref<125x128xf32, #tpu.memory_space<vmem>>) target(%dma_start3A_20 : memref<10240x128xf32, #tpu.memory_space<vmem_shared>>) offsets(%dma_start3A_17 : memref<125xi32, #tpu.memory_space<vmem>>) semaphore(%run_scoped3A : memref<!tpu.dma_semaphore, #tpu.memory_space<semaphore_mem>>) {add = true}
        %dma_wait3A = arith.constant 0 : i32
        %dma_wait3A_21 = tpu.memref_slice %arg6[%scan3A_15, %dma_wait3A] : memref<80x125xi32, #tpu.memory_space<vmem>> -> memref<1x125xi32, #tpu.memory_space<vmem>>
        %dma_wait3A_22 = tpu.memref_squeeze %dma_wait3A_21 : memref<1x125xi32, #tpu.memory_space<vmem>> -> memref<125xi32, #tpu.memory_space<vmem>>
        %dma_wait3A_23 = arith.constant 0 : i32
        %dma_wait3A_24 = arith.constant 0 : i32
        %dma_wait3A_25 = tpu.memref_slice %arg8[%dma_wait3A_23, %dma_wait3A_24] : memref<10240x128xf32, #tpu.memory_space<vmem_shared>> -> memref<10240x128xf32, #tpu.memory_space<vmem_shared>>
        tpu.wait_indirect_dma semaphore(%run_scoped3A : memref<!tpu.dma_semaphore, #tpu.memory_space<semaphore_mem>>) src(%arg7 : memref<125x128xf32, #tpu.memory_space<vmem>>) dst(%dma_wait3A_25 : memref<10240x128xf32, #tpu.memory_space<vmem_shared>>)
        tpu.yield
      }) : () -> ()
    }
    %scan3A_9 = arith.constant 80 : i32
    %barrier3A_10 = arith.constant 0 : index
    tpu.barrier barrier_id(%barrier3A_10)
    %mul3A_11 = arith.constant 640 : i32
    %mul3A_12 = arith.muli %arg1, %mul3A_11 : i32
    %mul3A_13 = arith.constant 640 : i32
    %mul3A_14 = arith.muli %arg1, %mul3A_13 : i32
    "tpu.region"() ({
      %run_scoped3A = tpu.sem_alloc : memref<!tpu.dma_semaphore, #tpu.memory_space<semaphore_mem>>
      %dma_start3A = arith.constant 0 : i32
      %dma_start3A_15 = tpu.memref_slice %arg5[%arg0, %mul3A_14, %dma_start3A] : memref<2x10240x128xf32, #tpu.memory_space<hbm>> -> memref<1x640x128xf32, #tpu.memory_space<hbm>>
      %dma_start3A_16 = tpu.memref_squeeze %dma_start3A_15 : memref<1x640x128xf32, #tpu.memory_space<hbm>> -> memref<640x128xf32, #tpu.memory_space<hbm>>
      %dma_start3A_17 = arith.constant 0 : i32
      %dma_start3A_18 = tpu.memref_slice %arg8[%mul3A_12, %dma_start3A_17] : memref<10240x128xf32, #tpu.memory_space<vmem_shared>> -> memref<640x128xf32, #tpu.memory_space<vmem_shared>>
      tpu.enqueue_dma source(%dma_start3A_18 : memref<640x128xf32, #tpu.memory_space<vmem_shared>>) target(%dma_start3A_16 : memref<640x128xf32, #tpu.memory_space<hbm>>) target_semaphore(%run_scoped3A : memref<!tpu.dma_semaphore, #tpu.memory_space<semaphore_mem>>)
      %dma_wait3A = arith.constant 0 : i32
      %dma_wait3A_19 = tpu.memref_slice %arg5[%arg0, %mul3A_14, %dma_wait3A] : memref<2x10240x128xf32, #tpu.memory_space<hbm>> -> memref<1x640x128xf32, #tpu.memory_space<hbm>>
      %dma_wait3A_20 = tpu.memref_squeeze %dma_wait3A_19 : memref<1x640x128xf32, #tpu.memory_space<hbm>> -> memref<640x128xf32, #tpu.memory_space<hbm>>
      %dma_wait3A_21 = arith.constant 0 : i32
      %dma_wait3A_22 = tpu.memref_slice %arg8[%mul3A_12, %dma_wait3A_21] : memref<10240x128xf32, #tpu.memory_space<vmem_shared>> -> memref<640x128xf32, #tpu.memory_space<vmem_shared>>
      tpu.wait_dma2 semaphore(%run_scoped3A : memref<!tpu.dma_semaphore, #tpu.memory_space<semaphore_mem>>) src(%dma_wait3A_22 : memref<640x128xf32, #tpu.memory_space<vmem_shared>>) dst(%dma_wait3A_20 : memref<640x128xf32, #tpu.memory_space<hbm>>)
      tpu.yield
    }) : () -> ()
    return
  }
}

#map = affine_map<(d0, d1) -> (0, 0)>
#map1 = affine_map<(d0, d1) -> (0, 0, 0)>
module attributes {stable_mosaic.version = 14 : i64} {
  func.func @_sc_edge_agg_body(%arg0: i32, %arg1: i32, %arg2: memref<10000x128xf32, #tpu.memory_space<hbm>>, %arg3: memref<32x80x125xi32, #tpu.memory_space<hbm>>, %arg4: memref<32x80x125xi32, #tpu.memory_space<hbm>>, %arg5: memref<10240x128xf32, #tpu.memory_space<hbm>>, %arg6: memref<2x10240x128xf32, #tpu.memory_space<hbm>>, %arg7: memref<40x125xi32, #tpu.memory_space<vmem>>, %arg8: memref<40x125xi32, #tpu.memory_space<vmem>>, %arg9: memref<125x128xf32, #tpu.memory_space<vmem>>, %arg10: memref<125x128xf32, #tpu.memory_space<vmem>>, %arg11: memref<10240x128xf32, #tpu.memory_space<vmem_shared>>, %arg12: memref<!tpu.dma_semaphore, #tpu.memory_space<semaphore_mem>>, %arg13: memref<!tpu.dma_semaphore, #tpu.memory_space<semaphore_mem>>, %arg14: memref<!tpu.dma_semaphore, #tpu.memory_space<semaphore_mem>>, %arg15: memref<!tpu.dma_semaphore, #tpu.memory_space<semaphore_mem>>) attributes {dimension_semantics = [#tpu.dimension_semantics<core_parallel>, #tpu.dimension_semantics<subcore_parallel>], iteration_bounds = array<i64: 2, 16>, scalar_prefetch = 0 : i64, scratch_operands = 9 : i64, tpu.core_type = #tpu.core_type<sc_vector_subcore>, window_params = [{transform_indices = #map}, {transform_indices = #map1}, {transform_indices = #map1}, {transform_indices = #map}, {transform_indices = #map1}]} {
    %mul3A = arith.constant 2 : i32
    %mul3A_0 = arith.muli %arg1, %mul3A : i32
    %add3A = arith.addi %mul3A_0, %arg0 : i32
    %mul3A_1 = arith.constant 640 : i32
    %mul3A_2 = arith.muli %arg1, %mul3A_1 : i32
    %mul3A_3 = arith.constant 640 : i32
    %mul3A_4 = arith.muli %arg1, %mul3A_3 : i32
    "tpu.region"() ({
      %run_scoped3A = tpu.sem_alloc : memref<!tpu.dma_semaphore, #tpu.memory_space<semaphore_mem>>
      %dma_start3A = arith.constant 0 : i32
      %dma_start3A_48 = tpu.memref_slice %arg11[%mul3A_4, %dma_start3A] : memref<10240x128xf32, #tpu.memory_space<vmem_shared>> -> memref<640x128xf32, #tpu.memory_space<vmem_shared>>
      %dma_start3A_49 = arith.constant 0 : i32
      %dma_start3A_50 = tpu.memref_slice %arg5[%mul3A_2, %dma_start3A_49] : memref<10240x128xf32, #tpu.memory_space<hbm>> -> memref<640x128xf32, #tpu.memory_space<hbm>>
      tpu.enqueue_dma source(%dma_start3A_50 : memref<640x128xf32, #tpu.memory_space<hbm>>) target(%dma_start3A_48 : memref<640x128xf32, #tpu.memory_space<vmem_shared>>) target_semaphore(%run_scoped3A : memref<!tpu.dma_semaphore, #tpu.memory_space<semaphore_mem>>)
      %dma_wait3A_51 = arith.constant 0 : i32
      %dma_wait3A_52 = tpu.memref_slice %arg11[%mul3A_4, %dma_wait3A_51] : memref<10240x128xf32, #tpu.memory_space<vmem_shared>> -> memref<640x128xf32, #tpu.memory_space<vmem_shared>>
      %dma_wait3A_53 = arith.constant 0 : i32
      %dma_wait3A_54 = tpu.memref_slice %arg5[%mul3A_2, %dma_wait3A_53] : memref<10240x128xf32, #tpu.memory_space<hbm>> -> memref<640x128xf32, #tpu.memory_space<hbm>>
      tpu.wait_dma2 semaphore(%run_scoped3A : memref<!tpu.dma_semaphore, #tpu.memory_space<semaphore_mem>>) src(%dma_wait3A_54 : memref<640x128xf32, #tpu.memory_space<hbm>>) dst(%dma_wait3A_52 : memref<640x128xf32, #tpu.memory_space<vmem_shared>>)
      tpu.yield
    }) : () -> ()
    %barrier3A = arith.constant 0 : index
    tpu.barrier barrier_id(%barrier3A)
    "tpu.region"() ({
      %run_scoped3A = tpu.sem_alloc : memref<!tpu.dma_semaphore, #tpu.memory_space<semaphore_mem>>
      %dma_start3A = arith.constant 0 : i32
      %dma_start3A_48 = arith.constant 0 : i32
      %dma_start3A_49 = tpu.memref_slice %arg3[%add3A, %dma_start3A, %dma_start3A_48] : memref<32x80x125xi32, #tpu.memory_space<hbm>> -> memref<1x40x125xi32, #tpu.memory_space<hbm>>
      %dma_start3A_50 = tpu.memref_squeeze %dma_start3A_49 : memref<1x40x125xi32, #tpu.memory_space<hbm>> -> memref<40x125xi32, #tpu.memory_space<hbm>>
      %dma_start3A_51 = arith.constant 0 : i32
      %dma_start3A_52 = arith.constant 0 : i32
      %dma_start3A_53 = tpu.memref_slice %arg3[%add3A, %dma_start3A_51, %dma_start3A_52] : memref<32x80x125xi32, #tpu.memory_space<hbm>> -> memref<1x40x125xi32, #tpu.memory_space<hbm>>
      %dma_start3A_54 = tpu.memref_squeeze %dma_start3A_53 : memref<1x40x125xi32, #tpu.memory_space<hbm>> -> memref<40x125xi32, #tpu.memory_space<hbm>>
      tpu.enqueue_dma source(%dma_start3A_54 : memref<40x125xi32, #tpu.memory_space<hbm>>) target(%arg7 : memref<40x125xi32, #tpu.memory_space<vmem>>) target_semaphore(%run_scoped3A : memref<!tpu.dma_semaphore, #tpu.memory_space<semaphore_mem>>)
      %dma_wait3A_55 = arith.constant 0 : i32
      %dma_wait3A_56 = arith.constant 0 : i32
      %dma_wait3A_57 = tpu.memref_slice %arg3[%add3A, %dma_wait3A_55, %dma_wait3A_56] : memref<32x80x125xi32, #tpu.memory_space<hbm>> -> memref<1x40x125xi32, #tpu.memory_space<hbm>>
      %dma_wait3A_58 = tpu.memref_squeeze %dma_wait3A_57 : memref<1x40x125xi32, #tpu.memory_space<hbm>> -> memref<40x125xi32, #tpu.memory_space<hbm>>
      %dma_wait3A_59 = arith.constant 0 : i32
      %dma_wait3A_60 = arith.constant 0 : i32
      %dma_wait3A_61 = tpu.memref_slice %arg3[%add3A, %dma_wait3A_59, %dma_wait3A_60] : memref<32x80x125xi32, #tpu.memory_space<hbm>> -> memref<1x40x125xi32, #tpu.memory_space<hbm>>
      %dma_wait3A_62 = tpu.memref_squeeze %dma_wait3A_61 : memref<1x40x125xi32, #tpu.memory_space<hbm>> -> memref<40x125xi32, #tpu.memory_space<hbm>>
      tpu.wait_dma2 semaphore(%run_scoped3A : memref<!tpu.dma_semaphore, #tpu.memory_space<semaphore_mem>>) src(%dma_wait3A_62 : memref<40x125xi32, #tpu.memory_space<hbm>>) dst(%arg7 : memref<40x125xi32, #tpu.memory_space<vmem>>)
      tpu.yield
    }) : () -> ()
    "tpu.region"() ({
      %run_scoped3A = tpu.sem_alloc : memref<!tpu.dma_semaphore, #tpu.memory_space<semaphore_mem>>
      %dma_start3A = arith.constant 0 : i32
      %dma_start3A_48 = arith.constant 0 : i32
      %dma_start3A_49 = tpu.memref_slice %arg4[%add3A, %dma_start3A, %dma_start3A_48] : memref<32x80x125xi32, #tpu.memory_space<hbm>> -> memref<1x40x125xi32, #tpu.memory_space<hbm>>
      %dma_start3A_50 = tpu.memref_squeeze %dma_start3A_49 : memref<1x40x125xi32, #tpu.memory_space<hbm>> -> memref<40x125xi32, #tpu.memory_space<hbm>>
      %dma_start3A_51 = arith.constant 0 : i32
      %dma_start3A_52 = arith.constant 0 : i32
      %dma_start3A_53 = tpu.memref_slice %arg4[%add3A, %dma_start3A_51, %dma_start3A_52] : memref<32x80x125xi32, #tpu.memory_space<hbm>> -> memref<1x40x125xi32, #tpu.memory_space<hbm>>
      %dma_start3A_54 = tpu.memref_squeeze %dma_start3A_53 : memref<1x40x125xi32, #tpu.memory_space<hbm>> -> memref<40x125xi32, #tpu.memory_space<hbm>>
      tpu.enqueue_dma source(%dma_start3A_54 : memref<40x125xi32, #tpu.memory_space<hbm>>) target(%arg8 : memref<40x125xi32, #tpu.memory_space<vmem>>) target_semaphore(%run_scoped3A : memref<!tpu.dma_semaphore, #tpu.memory_space<semaphore_mem>>)
      %dma_wait3A_55 = arith.constant 0 : i32
      %dma_wait3A_56 = arith.constant 0 : i32
      %dma_wait3A_57 = tpu.memref_slice %arg4[%add3A, %dma_wait3A_55, %dma_wait3A_56] : memref<32x80x125xi32, #tpu.memory_space<hbm>> -> memref<1x40x125xi32, #tpu.memory_space<hbm>>
      %dma_wait3A_58 = tpu.memref_squeeze %dma_wait3A_57 : memref<1x40x125xi32, #tpu.memory_space<hbm>> -> memref<40x125xi32, #tpu.memory_space<hbm>>
      %dma_wait3A_59 = arith.constant 0 : i32
      %dma_wait3A_60 = arith.constant 0 : i32
      %dma_wait3A_61 = tpu.memref_slice %arg4[%add3A, %dma_wait3A_59, %dma_wait3A_60] : memref<32x80x125xi32, #tpu.memory_space<hbm>> -> memref<1x40x125xi32, #tpu.memory_space<hbm>>
      %dma_wait3A_62 = tpu.memref_squeeze %dma_wait3A_61 : memref<1x40x125xi32, #tpu.memory_space<hbm>> -> memref<40x125xi32, #tpu.memory_space<hbm>>
      tpu.wait_dma2 semaphore(%run_scoped3A : memref<!tpu.dma_semaphore, #tpu.memory_space<semaphore_mem>>) src(%dma_wait3A_62 : memref<40x125xi32, #tpu.memory_space<hbm>>) dst(%arg8 : memref<40x125xi32, #tpu.memory_space<vmem>>)
      tpu.yield
    }) : () -> ()
    %scan3A = arith.constant 0 : i32
    %scan3A_5 = arith.constant 0 : i32
    %scan3A_6 = arith.constant 20 : i32
    %scan3A_7 = arith.addi %scan3A_5, %scan3A_6 : i32
    %scan3A_8 = arith.constant 1 : i32
    scf.for %scan3A_48 = %scan3A_5 to %scan3A_7 step %scan3A_8  : i32 {
      %mul3A_49 = arith.constant 2 : i32
      %mul3A_50 = arith.muli %scan3A_48, %mul3A_49 : i32
      %add3A_51 = arith.constant 1 : i32
      %add3A_52 = arith.addi %mul3A_50, %add3A_51 : i32
      %gt3A = arith.constant 0 : i32
      %gt3A_53 = arith.cmpi sgt, %scan3A_48, %gt3A : i32
      %convert_element_type3A = arith.extui %gt3A_53 : i1 to i32
      %cond3A = arith.constant 0 : i32
      %cond3A_54 = arith.cmpi ne, %convert_element_type3A, %cond3A : i32
      scf.if %cond3A_54 {
        %dma_wait3A_90 = arith.constant 0 : i32
        %dma_wait3A_91 = tpu.memref_slice %arg8[%mul3A_50, %dma_wait3A_90] : memref<40x125xi32, #tpu.memory_space<vmem>> -> memref<1x125xi32, #tpu.memory_space<vmem>>
        %dma_wait3A_92 = tpu.memref_squeeze %dma_wait3A_91 : memref<1x125xi32, #tpu.memory_space<vmem>> -> memref<125xi32, #tpu.memory_space<vmem>>
        %dma_wait3A_93 = arith.constant 0 : i32
        %dma_wait3A_94 = arith.constant 0 : i32
        %dma_wait3A_95 = tpu.memref_slice %arg11[%dma_wait3A_93, %dma_wait3A_94] : memref<10240x128xf32, #tpu.memory_space<vmem_shared>> -> memref<10240x128xf32, #tpu.memory_space<vmem_shared>>
        tpu.wait_indirect_dma semaphore(%arg14 : memref<!tpu.dma_semaphore, #tpu.memory_space<semaphore_mem>>) src(%arg9 : memref<125x128xf32, #tpu.memory_space<vmem>>) dst(%dma_wait3A_95 : memref<10240x128xf32, #tpu.memory_space<vmem_shared>>)
        %dma_wait3A_96 = arith.constant 0 : i32
        %dma_wait3A_97 = tpu.memref_slice %arg8[%add3A_52, %dma_wait3A_96] : memref<40x125xi32, #tpu.memory_space<vmem>> -> memref<1x125xi32, #tpu.memory_space<vmem>>
        %dma_wait3A_98 = tpu.memref_squeeze %dma_wait3A_97 : memref<1x125xi32, #tpu.memory_space<vmem>> -> memref<125xi32, #tpu.memory_space<vmem>>
        %dma_wait3A_99 = arith.constant 0 : i32
        %dma_wait3A_100 = arith.constant 0 : i32
        %dma_wait3A_101 = tpu.memref_slice %arg11[%dma_wait3A_99, %dma_wait3A_100] : memref<10240x128xf32, #tpu.memory_space<vmem_shared>> -> memref<10240x128xf32, #tpu.memory_space<vmem_shared>>
        tpu.wait_indirect_dma semaphore(%arg15 : memref<!tpu.dma_semaphore, #tpu.memory_space<semaphore_mem>>) src(%arg10 : memref<125x128xf32, #tpu.memory_space<vmem>>) dst(%dma_wait3A_101 : memref<10240x128xf32, #tpu.memory_space<vmem_shared>>)
      } else {
      }
      %dma_start3A = arith.constant 0 : i32
      %dma_start3A_55 = tpu.memref_slice %arg7[%mul3A_50, %dma_start3A] : memref<40x125xi32, #tpu.memory_space<vmem>> -> memref<1x125xi32, #tpu.memory_space<vmem>>
      %dma_start3A_56 = tpu.memref_squeeze %dma_start3A_55 : memref<1x125xi32, #tpu.memory_space<vmem>> -> memref<125xi32, #tpu.memory_space<vmem>>
      %dma_start3A_57 = arith.constant 0 : i32
      %dma_start3A_58 = arith.constant 0 : i32
      %dma_start3A_59 = tpu.memref_slice %arg2[%dma_start3A_57, %dma_start3A_58] : memref<10000x128xf32, #tpu.memory_space<hbm>> -> memref<10000x128xf32, #tpu.memory_space<hbm>>
      tpu.enqueue_indirect_dma source(%dma_start3A_59 : memref<10000x128xf32, #tpu.memory_space<hbm>>) target(%arg9 : memref<125x128xf32, #tpu.memory_space<vmem>>) offsets(%dma_start3A_56 : memref<125xi32, #tpu.memory_space<vmem>>) semaphore(%arg12 : memref<!tpu.dma_semaphore, #tpu.memory_space<semaphore_mem>>)
      %dma_start3A_60 = arith.constant 0 : i32
      %dma_start3A_61 = tpu.memref_slice %arg7[%add3A_52, %dma_start3A_60] : memref<40x125xi32, #tpu.memory_space<vmem>> -> memref<1x125xi32, #tpu.memory_space<vmem>>
      %dma_start3A_62 = tpu.memref_squeeze %dma_start3A_61 : memref<1x125xi32, #tpu.memory_space<vmem>> -> memref<125xi32, #tpu.memory_space<vmem>>
      %dma_start3A_63 = arith.constant 0 : i32
      %dma_start3A_64 = arith.constant 0 : i32
      %dma_start3A_65 = tpu.memref_slice %arg2[%dma_start3A_63, %dma_start3A_64] : memref<10000x128xf32, #tpu.memory_space<hbm>> -> memref<10000x128xf32, #tpu.memory_space<hbm>>
      tpu.enqueue_indirect_dma source(%dma_start3A_65 : memref<10000x128xf32, #tpu.memory_space<hbm>>) target(%arg10 : memref<125x128xf32, #tpu.memory_space<vmem>>) offsets(%dma_start3A_62 : memref<125xi32, #tpu.memory_space<vmem>>) semaphore(%arg13 : memref<!tpu.dma_semaphore, #tpu.memory_space<semaphore_mem>>)
      %dma_wait3A_66 = arith.constant 0 : i32
      %dma_wait3A_67 = tpu.memref_slice %arg7[%mul3A_50, %dma_wait3A_66] : memref<40x125xi32, #tpu.memory_space<vmem>> -> memref<1x125xi32, #tpu.memory_space<vmem>>
      %dma_wait3A_68 = tpu.memref_squeeze %dma_wait3A_67 : memref<1x125xi32, #tpu.memory_space<vmem>> -> memref<125xi32, #tpu.memory_space<vmem>>
      %dma_wait3A_69 = arith.constant 0 : i32
      %dma_wait3A_70 = arith.constant 0 : i32
      %dma_wait3A_71 = tpu.memref_slice %arg2[%dma_wait3A_69, %dma_wait3A_70] : memref<10000x128xf32, #tpu.memory_space<hbm>> -> memref<10000x128xf32, #tpu.memory_space<hbm>>
      tpu.wait_indirect_dma semaphore(%arg12 : memref<!tpu.dma_semaphore, #tpu.memory_space<semaphore_mem>>) src(%dma_wait3A_71 : memref<10000x128xf32, #tpu.memory_space<hbm>>) dst(%arg9 : memref<125x128xf32, #tpu.memory_space<vmem>>)
      %dma_start3A_72 = arith.constant 0 : i32
      %dma_start3A_73 = tpu.memref_slice %arg8[%mul3A_50, %dma_start3A_72] : memref<40x125xi32, #tpu.memory_space<vmem>> -> memref<1x125xi32, #tpu.memory_space<vmem>>
      %dma_start3A_74 = tpu.memref_squeeze %dma_start3A_73 : memref<1x125xi32, #tpu.memory_space<vmem>> -> memref<125xi32, #tpu.memory_space<vmem>>
      %dma_start3A_75 = arith.constant 0 : i32
      %dma_start3A_76 = arith.constant 0 : i32
      %dma_start3A_77 = tpu.memref_slice %arg11[%dma_start3A_75, %dma_start3A_76] : memref<10240x128xf32, #tpu.memory_space<vmem_shared>> -> memref<10240x128xf32, #tpu.memory_space<vmem_shared>>
      tpu.enqueue_indirect_dma source(%arg9 : memref<125x128xf32, #tpu.memory_space<vmem>>) target(%dma_start3A_77 : memref<10240x128xf32, #tpu.memory_space<vmem_shared>>) offsets(%dma_start3A_74 : memref<125xi32, #tpu.memory_space<vmem>>) semaphore(%arg14 : memref<!tpu.dma_semaphore, #tpu.memory_space<semaphore_mem>>) {add = true}
      %dma_wait3A_78 = arith.constant 0 : i32
      %dma_wait3A_79 = tpu.memref_slice %arg7[%add3A_52, %dma_wait3A_78] : memref<40x125xi32, #tpu.memory_space<vmem>> -> memref<1x125xi32, #tpu.memory_space<vmem>>
      %dma_wait3A_80 = tpu.memref_squeeze %dma_wait3A_79 : memref<1x125xi32, #tpu.memory_space<vmem>> -> memref<125xi32, #tpu.memory_space<vmem>>
      %dma_wait3A_81 = arith.constant 0 : i32
      %dma_wait3A_82 = arith.constant 0 : i32
      %dma_wait3A_83 = tpu.memref_slice %arg2[%dma_wait3A_81, %dma_wait3A_82] : memref<10000x128xf32, #tpu.memory_space<hbm>> -> memref<10000x128xf32, #tpu.memory_space<hbm>>
      tpu.wait_indirect_dma semaphore(%arg13 : memref<!tpu.dma_semaphore, #tpu.memory_space<semaphore_mem>>) src(%dma_wait3A_83 : memref<10000x128xf32, #tpu.memory_space<hbm>>) dst(%arg10 : memref<125x128xf32, #tpu.memory_space<vmem>>)
      %dma_start3A_84 = arith.constant 0 : i32
      %dma_start3A_85 = tpu.memref_slice %arg8[%add3A_52, %dma_start3A_84] : memref<40x125xi32, #tpu.memory_space<vmem>> -> memref<1x125xi32, #tpu.memory_space<vmem>>
      %dma_start3A_86 = tpu.memref_squeeze %dma_start3A_85 : memref<1x125xi32, #tpu.memory_space<vmem>> -> memref<125xi32, #tpu.memory_space<vmem>>
      %dma_start3A_87 = arith.constant 0 : i32
      %dma_start3A_88 = arith.constant 0 : i32
      %dma_start3A_89 = tpu.memref_slice %arg11[%dma_start3A_87, %dma_start3A_88] : memref<10240x128xf32, #tpu.memory_space<vmem_shared>> -> memref<10240x128xf32, #tpu.memory_space<vmem_shared>>
      tpu.enqueue_indirect_dma source(%arg10 : memref<125x128xf32, #tpu.memory_space<vmem>>) target(%dma_start3A_89 : memref<10240x128xf32, #tpu.memory_space<vmem_shared>>) offsets(%dma_start3A_86 : memref<125xi32, #tpu.memory_space<vmem>>) semaphore(%arg15 : memref<!tpu.dma_semaphore, #tpu.memory_space<semaphore_mem>>) {add = true}
    }
    %scan3A_9 = arith.constant 20 : i32
    %dma_wait3A = arith.constant 0 : i32
    %dma_wait3A_10 = arith.constant 0 : i32
    %dma_wait3A_11 = tpu.memref_slice %arg8[%dma_wait3A, %dma_wait3A_10] : memref<40x125xi32, #tpu.memory_space<vmem>> -> memref<1x125xi32, #tpu.memory_space<vmem>>
    %dma_wait3A_12 = tpu.memref_squeeze %dma_wait3A_11 : memref<1x125xi32, #tpu.memory_space<vmem>> -> memref<125xi32, #tpu.memory_space<vmem>>
    %dma_wait3A_13 = arith.constant 0 : i32
    %dma_wait3A_14 = arith.constant 0 : i32
    %dma_wait3A_15 = tpu.memref_slice %arg11[%dma_wait3A_13, %dma_wait3A_14] : memref<10240x128xf32, #tpu.memory_space<vmem_shared>> -> memref<10240x128xf32, #tpu.memory_space<vmem_shared>>
    tpu.wait_indirect_dma semaphore(%arg14 : memref<!tpu.dma_semaphore, #tpu.memory_space<semaphore_mem>>) src(%arg9 : memref<125x128xf32, #tpu.memory_space<vmem>>) dst(%dma_wait3A_15 : memref<10240x128xf32, #tpu.memory_space<vmem_shared>>)
    %dma_wait3A_16 = arith.constant 1 : i32
    %dma_wait3A_17 = arith.constant 0 : i32
    %dma_wait3A_18 = tpu.memref_slice %arg8[%dma_wait3A_16, %dma_wait3A_17] : memref<40x125xi32, #tpu.memory_space<vmem>> -> memref<1x125xi32, #tpu.memory_space<vmem>>
    %dma_wait3A_19 = tpu.memref_squeeze %dma_wait3A_18 : memref<1x125xi32, #tpu.memory_space<vmem>> -> memref<125xi32, #tpu.memory_space<vmem>>
    %dma_wait3A_20 = arith.constant 0 : i32
    %dma_wait3A_21 = arith.constant 0 : i32
    %dma_wait3A_22 = tpu.memref_slice %arg11[%dma_wait3A_20, %dma_wait3A_21] : memref<10240x128xf32, #tpu.memory_space<vmem_shared>> -> memref<10240x128xf32, #tpu.memory_space<vmem_shared>>
    tpu.wait_indirect_dma semaphore(%arg15 : memref<!tpu.dma_semaphore, #tpu.memory_space<semaphore_mem>>) src(%arg10 : memref<125x128xf32, #tpu.memory_space<vmem>>) dst(%dma_wait3A_22 : memref<10240x128xf32, #tpu.memory_space<vmem_shared>>)
    "tpu.region"() ({
      %run_scoped3A = tpu.sem_alloc : memref<!tpu.dma_semaphore, #tpu.memory_space<semaphore_mem>>
      %dma_start3A = arith.constant 40 : i32
      %dma_start3A_48 = arith.constant 0 : i32
      %dma_start3A_49 = tpu.memref_slice %arg3[%add3A, %dma_start3A, %dma_start3A_48] : memref<32x80x125xi32, #tpu.memory_space<hbm>> -> memref<1x40x125xi32, #tpu.memory_space<hbm>>
      %dma_start3A_50 = tpu.memref_squeeze %dma_start3A_49 : memref<1x40x125xi32, #tpu.memory_space<hbm>> -> memref<40x125xi32, #tpu.memory_space<hbm>>
      %dma_start3A_51 = arith.constant 40 : i32
      %dma_start3A_52 = arith.constant 0 : i32
      %dma_start3A_53 = tpu.memref_slice %arg3[%add3A, %dma_start3A_51, %dma_start3A_52] : memref<32x80x125xi32, #tpu.memory_space<hbm>> -> memref<1x40x125xi32, #tpu.memory_space<hbm>>
      %dma_start3A_54 = tpu.memref_squeeze %dma_start3A_53 : memref<1x40x125xi32, #tpu.memory_space<hbm>> -> memref<40x125xi32, #tpu.memory_space<hbm>>
      tpu.enqueue_dma source(%dma_start3A_54 : memref<40x125xi32, #tpu.memory_space<hbm>>) target(%arg7 : memref<40x125xi32, #tpu.memory_space<vmem>>) target_semaphore(%run_scoped3A : memref<!tpu.dma_semaphore, #tpu.memory_space<semaphore_mem>>)
      %dma_wait3A_55 = arith.constant 40 : i32
      %dma_wait3A_56 = arith.constant 0 : i32
      %dma_wait3A_57 = tpu.memref_slice %arg3[%add3A, %dma_wait3A_55, %dma_wait3A_56] : memref<32x80x125xi32, #tpu.memory_space<hbm>> -> memref<1x40x125xi32, #tpu.memory_space<hbm>>
      %dma_wait3A_58 = tpu.memref_squeeze %dma_wait3A_57 : memref<1x40x125xi32, #tpu.memory_space<hbm>> -> memref<40x125xi32, #tpu.memory_space<hbm>>
      %dma_wait3A_59 = arith.constant 40 : i32
      %dma_wait3A_60 = arith.constant 0 : i32
      %dma_wait3A_61 = tpu.memref_slice %arg3[%add3A, %dma_wait3A_59, %dma_wait3A_60] : memref<32x80x125xi32, #tpu.memory_space<hbm>> -> memref<1x40x125xi32, #tpu.memory_space<hbm>>
      %dma_wait3A_62 = tpu.memref_squeeze %dma_wait3A_61 : memref<1x40x125xi32, #tpu.memory_space<hbm>> -> memref<40x125xi32, #tpu.memory_space<hbm>>
      tpu.wait_dma2 semaphore(%run_scoped3A : memref<!tpu.dma_semaphore, #tpu.memory_space<semaphore_mem>>) src(%dma_wait3A_62 : memref<40x125xi32, #tpu.memory_space<hbm>>) dst(%arg7 : memref<40x125xi32, #tpu.memory_space<vmem>>)
      tpu.yield
    }) : () -> ()
    "tpu.region"() ({
      %run_scoped3A = tpu.sem_alloc : memref<!tpu.dma_semaphore, #tpu.memory_space<semaphore_mem>>
      %dma_start3A = arith.constant 40 : i32
      %dma_start3A_48 = arith.constant 0 : i32
      %dma_start3A_49 = tpu.memref_slice %arg4[%add3A, %dma_start3A, %dma_start3A_48] : memref<32x80x125xi32, #tpu.memory_space<hbm>> -> memref<1x40x125xi32, #tpu.memory_space<hbm>>
      %dma_start3A_50 = tpu.memref_squeeze %dma_start3A_49 : memref<1x40x125xi32, #tpu.memory_space<hbm>> -> memref<40x125xi32, #tpu.memory_space<hbm>>
      %dma_start3A_51 = arith.constant 40 : i32
      %dma_start3A_52 = arith.constant 0 : i32
      %dma_start3A_53 = tpu.memref_slice %arg4[%add3A, %dma_start3A_51, %dma_start3A_52] : memref<32x80x125xi32, #tpu.memory_space<hbm>> -> memref<1x40x125xi32, #tpu.memory_space<hbm>>
      %dma_start3A_54 = tpu.memref_squeeze %dma_start3A_53 : memref<1x40x125xi32, #tpu.memory_space<hbm>> -> memref<40x125xi32, #tpu.memory_space<hbm>>
      tpu.enqueue_dma source(%dma_start3A_54 : memref<40x125xi32, #tpu.memory_space<hbm>>) target(%arg8 : memref<40x125xi32, #tpu.memory_space<vmem>>) target_semaphore(%run_scoped3A : memref<!tpu.dma_semaphore, #tpu.memory_space<semaphore_mem>>)
      %dma_wait3A_55 = arith.constant 40 : i32
      %dma_wait3A_56 = arith.constant 0 : i32
      %dma_wait3A_57 = tpu.memref_slice %arg4[%add3A, %dma_wait3A_55, %dma_wait3A_56] : memref<32x80x125xi32, #tpu.memory_space<hbm>> -> memref<1x40x125xi32, #tpu.memory_space<hbm>>
      %dma_wait3A_58 = tpu.memref_squeeze %dma_wait3A_57 : memref<1x40x125xi32, #tpu.memory_space<hbm>> -> memref<40x125xi32, #tpu.memory_space<hbm>>
      %dma_wait3A_59 = arith.constant 40 : i32
      %dma_wait3A_60 = arith.constant 0 : i32
      %dma_wait3A_61 = tpu.memref_slice %arg4[%add3A, %dma_wait3A_59, %dma_wait3A_60] : memref<32x80x125xi32, #tpu.memory_space<hbm>> -> memref<1x40x125xi32, #tpu.memory_space<hbm>>
      %dma_wait3A_62 = tpu.memref_squeeze %dma_wait3A_61 : memref<1x40x125xi32, #tpu.memory_space<hbm>> -> memref<40x125xi32, #tpu.memory_space<hbm>>
      tpu.wait_dma2 semaphore(%run_scoped3A : memref<!tpu.dma_semaphore, #tpu.memory_space<semaphore_mem>>) src(%dma_wait3A_62 : memref<40x125xi32, #tpu.memory_space<hbm>>) dst(%arg8 : memref<40x125xi32, #tpu.memory_space<vmem>>)
      tpu.yield
    }) : () -> ()
    %scan3A_23 = arith.constant 0 : i32
    %scan3A_24 = arith.constant 0 : i32
    %scan3A_25 = arith.constant 20 : i32
    %scan3A_26 = arith.addi %scan3A_24, %scan3A_25 : i32
    %scan3A_27 = arith.constant 1 : i32
    scf.for %scan3A_48 = %scan3A_24 to %scan3A_26 step %scan3A_27  : i32 {
      %mul3A_49 = arith.constant 2 : i32
      %mul3A_50 = arith.muli %scan3A_48, %mul3A_49 : i32
      %add3A_51 = arith.constant 1 : i32
      %add3A_52 = arith.addi %mul3A_50, %add3A_51 : i32
      %gt3A = arith.constant 0 : i32
      %gt3A_53 = arith.cmpi sgt, %scan3A_48, %gt3A : i32
      %convert_element_type3A = arith.extui %gt3A_53 : i1 to i32
      %cond3A = arith.constant 0 : i32
      %cond3A_54 = arith.cmpi ne, %convert_element_type3A, %cond3A : i32
      scf.if %cond3A_54 {
        %dma_wait3A_90 = arith.constant 0 : i32
        %dma_wait3A_91 = tpu.memref_slice %arg8[%mul3A_50, %dma_wait3A_90] : memref<40x125xi32, #tpu.memory_space<vmem>> -> memref<1x125xi32, #tpu.memory_space<vmem>>
        %dma_wait3A_92 = tpu.memref_squeeze %dma_wait3A_91 : memref<1x125xi32, #tpu.memory_space<vmem>> -> memref<125xi32, #tpu.memory_space<vmem>>
        %dma_wait3A_93 = arith.constant 0 : i32
        %dma_wait3A_94 = arith.constant 0 : i32
        %dma_wait3A_95 = tpu.memref_slice %arg11[%dma_wait3A_93, %dma_wait3A_94] : memref<10240x128xf32, #tpu.memory_space<vmem_shared>> -> memref<10240x128xf32, #tpu.memory_space<vmem_shared>>
        tpu.wait_indirect_dma semaphore(%arg14 : memref<!tpu.dma_semaphore, #tpu.memory_space<semaphore_mem>>) src(%arg9 : memref<125x128xf32, #tpu.memory_space<vmem>>) dst(%dma_wait3A_95 : memref<10240x128xf32, #tpu.memory_space<vmem_shared>>)
        %dma_wait3A_96 = arith.constant 0 : i32
        %dma_wait3A_97 = tpu.memref_slice %arg8[%add3A_52, %dma_wait3A_96] : memref<40x125xi32, #tpu.memory_space<vmem>> -> memref<1x125xi32, #tpu.memory_space<vmem>>
        %dma_wait3A_98 = tpu.memref_squeeze %dma_wait3A_97 : memref<1x125xi32, #tpu.memory_space<vmem>> -> memref<125xi32, #tpu.memory_space<vmem>>
        %dma_wait3A_99 = arith.constant 0 : i32
        %dma_wait3A_100 = arith.constant 0 : i32
        %dma_wait3A_101 = tpu.memref_slice %arg11[%dma_wait3A_99, %dma_wait3A_100] : memref<10240x128xf32, #tpu.memory_space<vmem_shared>> -> memref<10240x128xf32, #tpu.memory_space<vmem_shared>>
        tpu.wait_indirect_dma semaphore(%arg15 : memref<!tpu.dma_semaphore, #tpu.memory_space<semaphore_mem>>) src(%arg10 : memref<125x128xf32, #tpu.memory_space<vmem>>) dst(%dma_wait3A_101 : memref<10240x128xf32, #tpu.memory_space<vmem_shared>>)
      } else {
      }
      %dma_start3A = arith.constant 0 : i32
      %dma_start3A_55 = tpu.memref_slice %arg7[%mul3A_50, %dma_start3A] : memref<40x125xi32, #tpu.memory_space<vmem>> -> memref<1x125xi32, #tpu.memory_space<vmem>>
      %dma_start3A_56 = tpu.memref_squeeze %dma_start3A_55 : memref<1x125xi32, #tpu.memory_space<vmem>> -> memref<125xi32, #tpu.memory_space<vmem>>
      %dma_start3A_57 = arith.constant 0 : i32
      %dma_start3A_58 = arith.constant 0 : i32
      %dma_start3A_59 = tpu.memref_slice %arg2[%dma_start3A_57, %dma_start3A_58] : memref<10000x128xf32, #tpu.memory_space<hbm>> -> memref<10000x128xf32, #tpu.memory_space<hbm>>
      tpu.enqueue_indirect_dma source(%dma_start3A_59 : memref<10000x128xf32, #tpu.memory_space<hbm>>) target(%arg9 : memref<125x128xf32, #tpu.memory_space<vmem>>) offsets(%dma_start3A_56 : memref<125xi32, #tpu.memory_space<vmem>>) semaphore(%arg12 : memref<!tpu.dma_semaphore, #tpu.memory_space<semaphore_mem>>)
      %dma_start3A_60 = arith.constant 0 : i32
      %dma_start3A_61 = tpu.memref_slice %arg7[%add3A_52, %dma_start3A_60] : memref<40x125xi32, #tpu.memory_space<vmem>> -> memref<1x125xi32, #tpu.memory_space<vmem>>
      %dma_start3A_62 = tpu.memref_squeeze %dma_start3A_61 : memref<1x125xi32, #tpu.memory_space<vmem>> -> memref<125xi32, #tpu.memory_space<vmem>>
      %dma_start3A_63 = arith.constant 0 : i32
      %dma_start3A_64 = arith.constant 0 : i32
      %dma_start3A_65 = tpu.memref_slice %arg2[%dma_start3A_63, %dma_start3A_64] : memref<10000x128xf32, #tpu.memory_space<hbm>> -> memref<10000x128xf32, #tpu.memory_space<hbm>>
      tpu.enqueue_indirect_dma source(%dma_start3A_65 : memref<10000x128xf32, #tpu.memory_space<hbm>>) target(%arg10 : memref<125x128xf32, #tpu.memory_space<vmem>>) offsets(%dma_start3A_62 : memref<125xi32, #tpu.memory_space<vmem>>) semaphore(%arg13 : memref<!tpu.dma_semaphore, #tpu.memory_space<semaphore_mem>>)
      %dma_wait3A_66 = arith.constant 0 : i32
      %dma_wait3A_67 = tpu.memref_slice %arg7[%mul3A_50, %dma_wait3A_66] : memref<40x125xi32, #tpu.memory_space<vmem>> -> memref<1x125xi32, #tpu.memory_space<vmem>>
      %dma_wait3A_68 = tpu.memref_squeeze %dma_wait3A_67 : memref<1x125xi32, #tpu.memory_space<vmem>> -> memref<125xi32, #tpu.memory_space<vmem>>
      %dma_wait3A_69 = arith.constant 0 : i32
      %dma_wait3A_70 = arith.constant 0 : i32
      %dma_wait3A_71 = tpu.memref_slice %arg2[%dma_wait3A_69, %dma_wait3A_70] : memref<10000x128xf32, #tpu.memory_space<hbm>> -> memref<10000x128xf32, #tpu.memory_space<hbm>>
      tpu.wait_indirect_dma semaphore(%arg12 : memref<!tpu.dma_semaphore, #tpu.memory_space<semaphore_mem>>) src(%dma_wait3A_71 : memref<10000x128xf32, #tpu.memory_space<hbm>>) dst(%arg9 : memref<125x128xf32, #tpu.memory_space<vmem>>)
      %dma_start3A_72 = arith.constant 0 : i32
      %dma_start3A_73 = tpu.memref_slice %arg8[%mul3A_50, %dma_start3A_72] : memref<40x125xi32, #tpu.memory_space<vmem>> -> memref<1x125xi32, #tpu.memory_space<vmem>>
      %dma_start3A_74 = tpu.memref_squeeze %dma_start3A_73 : memref<1x125xi32, #tpu.memory_space<vmem>> -> memref<125xi32, #tpu.memory_space<vmem>>
      %dma_start3A_75 = arith.constant 0 : i32
      %dma_start3A_76 = arith.constant 0 : i32
      %dma_start3A_77 = tpu.memref_slice %arg11[%dma_start3A_75, %dma_start3A_76] : memref<10240x128xf32, #tpu.memory_space<vmem_shared>> -> memref<10240x128xf32, #tpu.memory_space<vmem_shared>>
      tpu.enqueue_indirect_dma source(%arg9 : memref<125x128xf32, #tpu.memory_space<vmem>>) target(%dma_start3A_77 : memref<10240x128xf32, #tpu.memory_space<vmem_shared>>) offsets(%dma_start3A_74 : memref<125xi32, #tpu.memory_space<vmem>>) semaphore(%arg14 : memref<!tpu.dma_semaphore, #tpu.memory_space<semaphore_mem>>) {add = true}
      %dma_wait3A_78 = arith.constant 0 : i32
      %dma_wait3A_79 = tpu.memref_slice %arg7[%add3A_52, %dma_wait3A_78] : memref<40x125xi32, #tpu.memory_space<vmem>> -> memref<1x125xi32, #tpu.memory_space<vmem>>
      %dma_wait3A_80 = tpu.memref_squeeze %dma_wait3A_79 : memref<1x125xi32, #tpu.memory_space<vmem>> -> memref<125xi32, #tpu.memory_space<vmem>>
      %dma_wait3A_81 = arith.constant 0 : i32
      %dma_wait3A_82 = arith.constant 0 : i32
      %dma_wait3A_83 = tpu.memref_slice %arg2[%dma_wait3A_81, %dma_wait3A_82] : memref<10000x128xf32, #tpu.memory_space<hbm>> -> memref<10000x128xf32, #tpu.memory_space<hbm>>
      tpu.wait_indirect_dma semaphore(%arg13 : memref<!tpu.dma_semaphore, #tpu.memory_space<semaphore_mem>>) src(%dma_wait3A_83 : memref<10000x128xf32, #tpu.memory_space<hbm>>) dst(%arg10 : memref<125x128xf32, #tpu.memory_space<vmem>>)
      %dma_start3A_84 = arith.constant 0 : i32
      %dma_start3A_85 = tpu.memref_slice %arg8[%add3A_52, %dma_start3A_84] : memref<40x125xi32, #tpu.memory_space<vmem>> -> memref<1x125xi32, #tpu.memory_space<vmem>>
      %dma_start3A_86 = tpu.memref_squeeze %dma_start3A_85 : memref<1x125xi32, #tpu.memory_space<vmem>> -> memref<125xi32, #tpu.memory_space<vmem>>
      %dma_start3A_87 = arith.constant 0 : i32
      %dma_start3A_88 = arith.constant 0 : i32
      %dma_start3A_89 = tpu.memref_slice %arg11[%dma_start3A_87, %dma_start3A_88] : memref<10240x128xf32, #tpu.memory_space<vmem_shared>> -> memref<10240x128xf32, #tpu.memory_space<vmem_shared>>
      tpu.enqueue_indirect_dma source(%arg10 : memref<125x128xf32, #tpu.memory_space<vmem>>) target(%dma_start3A_89 : memref<10240x128xf32, #tpu.memory_space<vmem_shared>>) offsets(%dma_start3A_86 : memref<125xi32, #tpu.memory_space<vmem>>) semaphore(%arg15 : memref<!tpu.dma_semaphore, #tpu.memory_space<semaphore_mem>>) {add = true}
    }
    %scan3A_28 = arith.constant 20 : i32
    %dma_wait3A_29 = arith.constant 0 : i32
    %dma_wait3A_30 = arith.constant 0 : i32
    %dma_wait3A_31 = tpu.memref_slice %arg8[%dma_wait3A_29, %dma_wait3A_30] : memref<40x125xi32, #tpu.memory_space<vmem>> -> memref<1x125xi32, #tpu.memory_space<vmem>>
    %dma_wait3A_32 = tpu.memref_squeeze %dma_wait3A_31 : memref<1x125xi32, #tpu.memory_space<vmem>> -> memref<125xi32, #tpu.memory_space<vmem>>
    %dma_wait3A_33 = arith.constant 0 : i32
    %dma_wait3A_34 = arith.constant 0 : i32
    %dma_wait3A_35 = tpu.memref_slice %arg11[%dma_wait3A_33, %dma_wait3A_34] : memref<10240x128xf32, #tpu.memory_space<vmem_shared>> -> memref<10240x128xf32, #tpu.memory_space<vmem_shared>>
    tpu.wait_indirect_dma semaphore(%arg14 : memref<!tpu.dma_semaphore, #tpu.memory_space<semaphore_mem>>) src(%arg9 : memref<125x128xf32, #tpu.memory_space<vmem>>) dst(%dma_wait3A_35 : memref<10240x128xf32, #tpu.memory_space<vmem_shared>>)
    %dma_wait3A_36 = arith.constant 1 : i32
    %dma_wait3A_37 = arith.constant 0 : i32
    %dma_wait3A_38 = tpu.memref_slice %arg8[%dma_wait3A_36, %dma_wait3A_37] : memref<40x125xi32, #tpu.memory_space<vmem>> -> memref<1x125xi32, #tpu.memory_space<vmem>>
    %dma_wait3A_39 = tpu.memref_squeeze %dma_wait3A_38 : memref<1x125xi32, #tpu.memory_space<vmem>> -> memref<125xi32, #tpu.memory_space<vmem>>
    %dma_wait3A_40 = arith.constant 0 : i32
    %dma_wait3A_41 = arith.constant 0 : i32
    %dma_wait3A_42 = tpu.memref_slice %arg11[%dma_wait3A_40, %dma_wait3A_41] : memref<10240x128xf32, #tpu.memory_space<vmem_shared>> -> memref<10240x128xf32, #tpu.memory_space<vmem_shared>>
    tpu.wait_indirect_dma semaphore(%arg15 : memref<!tpu.dma_semaphore, #tpu.memory_space<semaphore_mem>>) src(%arg10 : memref<125x128xf32, #tpu.memory_space<vmem>>) dst(%dma_wait3A_42 : memref<10240x128xf32, #tpu.memory_space<vmem_shared>>)
    %barrier3A_43 = arith.constant 0 : index
    tpu.barrier barrier_id(%barrier3A_43)
    %mul3A_44 = arith.constant 640 : i32
    %mul3A_45 = arith.muli %arg1, %mul3A_44 : i32
    %mul3A_46 = arith.constant 640 : i32
    %mul3A_47 = arith.muli %arg1, %mul3A_46 : i32
    "tpu.region"() ({
      %run_scoped3A = tpu.sem_alloc : memref<!tpu.dma_semaphore, #tpu.memory_space<semaphore_mem>>
      %dma_start3A = arith.constant 0 : i32
      %dma_start3A_48 = tpu.memref_slice %arg6[%arg0, %mul3A_47, %dma_start3A] : memref<2x10240x128xf32, #tpu.memory_space<hbm>> -> memref<1x640x128xf32, #tpu.memory_space<hbm>>
      %dma_start3A_49 = tpu.memref_squeeze %dma_start3A_48 : memref<1x640x128xf32, #tpu.memory_space<hbm>> -> memref<640x128xf32, #tpu.memory_space<hbm>>
      %dma_start3A_50 = arith.constant 0 : i32
      %dma_start3A_51 = tpu.memref_slice %arg11[%mul3A_45, %dma_start3A_50] : memref<10240x128xf32, #tpu.memory_space<vmem_shared>> -> memref<640x128xf32, #tpu.memory_space<vmem_shared>>
      tpu.enqueue_dma source(%dma_start3A_51 : memref<640x128xf32, #tpu.memory_space<vmem_shared>>) target(%dma_start3A_49 : memref<640x128xf32, #tpu.memory_space<hbm>>) target_semaphore(%run_scoped3A : memref<!tpu.dma_semaphore, #tpu.memory_space<semaphore_mem>>)
      %dma_wait3A_52 = arith.constant 0 : i32
      %dma_wait3A_53 = tpu.memref_slice %arg6[%arg0, %mul3A_47, %dma_wait3A_52] : memref<2x10240x128xf32, #tpu.memory_space<hbm>> -> memref<1x640x128xf32, #tpu.memory_space<hbm>>
      %dma_wait3A_54 = tpu.memref_squeeze %dma_wait3A_53 : memref<1x640x128xf32, #tpu.memory_space<hbm>> -> memref<640x128xf32, #tpu.memory_space<hbm>>
      %dma_wait3A_55 = arith.constant 0 : i32
      %dma_wait3A_56 = tpu.memref_slice %arg11[%mul3A_45, %dma_wait3A_55] : memref<10240x128xf32, #tpu.memory_space<vmem_shared>> -> memref<640x128xf32, #tpu.memory_space<vmem_shared>>
      tpu.wait_dma2 semaphore(%run_scoped3A : memref<!tpu.dma_semaphore, #tpu.memory_space<semaphore_mem>>) src(%dma_wait3A_56 : memref<640x128xf32, #tpu.memory_space<vmem_shared>>) dst(%dma_wait3A_54 : memref<640x128xf32, #tpu.memory_space<hbm>>)
      tpu.yield
    }) : () -> ()
    return
  }
}

module attributes {stable_mosaic.version = 14 : i64} {
  func.func @_tc_prelude_body(%arg0: i32, %arg1: memref<1000x128xf32, #tpu.memory_space<vmem>>, %arg2: memref<1000x128xf32, #tpu.memory_space<vmem>>, %arg3: memref<2x1000x128xf32, #tpu.memory_space<vmem>>, %arg4: memref<128x128xf32, #tpu.memory_space<vmem>>, %arg5: memref<1x128xf32, #tpu.memory_space<vmem>>, %arg6: memref<32x128xf32, #tpu.memory_space<vmem>>, %arg7: memref<1x32xf32, #tpu.memory_space<vmem>>, %arg8: memref<128x128xf32, #tpu.memory_space<vmem>>, %arg9: memref<128x32xf32, #tpu.memory_space<vmem>>, %arg10: memref<1000x128xf32, #tpu.memory_space<vmem>>) attributes {dimension_semantics = [#tpu.dimension_semantics<arbitrary>], iteration_bounds = array<i64: 10>, scalar_prefetch = 0 : i64, scratch_operands = 0 : i64, tpu.core_type = #tpu.core_type<tc>, window_params = [{transform_indices = @transform_0, window_bounds = array<i64: 1000, 128>}, {transform_indices = @transform_1, window_bounds = array<i64: 1000, 128>}, {transform_indices = @transform_2, window_bounds = array<i64: 2, 1000, 128>}, {pipeline_mode = #tpu.pipeline_mode<synchronous>, transform_indices = @transform_3, window_bounds = array<i64: 128, 128>}, {pipeline_mode = #tpu.pipeline_mode<synchronous>, transform_indices = @transform_4, window_bounds = array<i64: 1, 128>}, {pipeline_mode = #tpu.pipeline_mode<synchronous>, transform_indices = @transform_5, window_bounds = array<i64: 32, 128>}, {pipeline_mode = #tpu.pipeline_mode<synchronous>, transform_indices = @transform_6, window_bounds = array<i64: 1, 32>}, {pipeline_mode = #tpu.pipeline_mode<synchronous>, transform_indices = @transform_7, window_bounds = array<i64: 128, 128>}, {pipeline_mode = #tpu.pipeline_mode<synchronous>, transform_indices = @transform_8, window_bounds = array<i64: 128, 32>}, {transform_indices = @transform_9, window_bounds = array<i64: 1000, 128>}]} {
    %get3A = arith.constant 0 : index
    %get3A_0 = arith.constant 0 : index
    %get3A_1 = vector.load %arg1[%get3A, %get3A_0] : memref<1000x128xf32, #tpu.memory_space<vmem>>, vector<1000x128xf32>
    %get3A_2 = arith.constant 0 : index
    %get3A_3 = arith.constant 0 : index
    %get3A_4 = vector.load %arg4[%get3A_2, %get3A_3] : memref<128x128xf32, #tpu.memory_space<vmem>>, vector<128x128xf32>
    %transpose3A = tpu.transpose %get3A_4, [1, 0] : vector<128x128xf32> -> vector<128x128xf32>
    %dot_general3A = arith.constant dense<0.000000e+00> : vector<1000x128xf32>
    %dot_general3A_5 = tpu.matmul %get3A_1, %transpose3A, %dot_general3A {dimension_numbers = #tpu.dot_dimension_numbers<[1], [0], [0], [1], [0, 0, 1, 1], [], []>, transpose_lhs_hint = false} : vector<1000x128xf32>, vector<128x128xf32>, vector<1000x128xf32> -> vector<1000x128xf32>
    %get3A_6 = arith.constant 0 : index
    %get3A_7 = arith.constant 0 : index
    %get3A_8 = vector.load %arg5[%get3A_6, %get3A_7] : memref<1x128xf32, #tpu.memory_space<vmem>>, vector<1x128xf32>
    %add3A = vector.broadcast %get3A_8 : vector<1x128xf32> to vector<1000x128xf32>
    %add3A_9 = arith.addf %dot_general3A_5, %add3A : vector<1000x128xf32>
    %get3A_10 = arith.constant 0 : index
    %get3A_11 = arith.constant 0 : index
    %get3A_12 = vector.load %arg2[%get3A_10, %get3A_11] : memref<1000x128xf32, #tpu.memory_space<vmem>>, vector<1000x128xf32>
    %get3A_13 = arith.constant 0 : index
    %get3A_14 = arith.constant 0 : index
    %get3A_15 = vector.load %arg6[%get3A_13, %get3A_14] : memref<32x128xf32, #tpu.memory_space<vmem>>, vector<32x128xf32>
    %transpose3A_16 = tpu.transpose %get3A_15, [1, 0] : vector<32x128xf32> -> vector<128x32xf32>
    %dot_general3A_17 = arith.constant dense<0.000000e+00> : vector<1000x32xf32>
    %dot_general3A_18 = tpu.matmul %get3A_12, %transpose3A_16, %dot_general3A_17 {dimension_numbers = #tpu.dot_dimension_numbers<[1], [0], [0], [1], [0, 0, 1, 1], [], []>, transpose_lhs_hint = false} : vector<1000x128xf32>, vector<128x32xf32>, vector<1000x32xf32> -> vector<1000x32xf32>
    %get3A_19 = arith.constant 0 : index
    %get3A_20 = arith.constant 0 : index
    %get3A_21 = vector.load %arg7[%get3A_19, %get3A_20] : memref<1x32xf32, #tpu.memory_space<vmem>>, vector<1x32xf32>
    %add3A_22 = vector.broadcast %get3A_21 : vector<1x32xf32> to vector<1000x32xf32>
    %add3A_23 = arith.addf %dot_general3A_18, %add3A_22 : vector<1000x32xf32>
    %get3A_24 = arith.constant 0 : index
    %get3A_25 = arith.constant 0 : index
    %get3A_26 = arith.constant 0 : index
    %get3A_27 = vector.load %arg3[%get3A_24, %get3A_25, %get3A_26] : memref<2x1000x128xf32, #tpu.memory_space<vmem>>, vector<2x1000x128xf32>
    %slice3A = vector.extract_strided_slice %get3A_27 {offsets = [0, 0, 0], sizes = [1, 1000, 1], strides = [1, 1, 1]} : vector<2x1000x128xf32> to vector<1x1000x1xf32>
    %squeeze3A = vector.shape_cast %slice3A : vector<1x1000x1xf32> to vector<1000x1xf32>
    %slice3A_28 = vector.extract_strided_slice %get3A_27 {offsets = [1, 0, 0], sizes = [1, 1000, 1], strides = [1, 1, 1]} : vector<2x1000x128xf32> to vector<1x1000x1xf32>
    %squeeze3A_29 = vector.shape_cast %slice3A_28 : vector<1x1000x1xf32> to vector<1000x1xf32>
    %add3A_30 = arith.addf %squeeze3A, %squeeze3A_29 : vector<1000x1xf32>
    %add3A_31 = arith.constant 1.000000e+00 : f32
    %add3A_32 = vector.broadcast %add3A_31 : f32 to vector<1000x1xf32>
    %add3A_33 = arith.addf %add3A_30, %add3A_32 : vector<1000x1xf32>
    %rsqrt3A = math.rsqrt %add3A_33 : vector<1000x1xf32>
    %get3A_34 = arith.constant 0 : index
    %get3A_35 = arith.constant 0 : index
    %get3A_36 = vector.load %arg8[%get3A_34, %get3A_35] : memref<128x128xf32, #tpu.memory_space<vmem>>, vector<128x128xf32>
    %transpose3A_37 = tpu.transpose %get3A_36, [1, 0] : vector<128x128xf32> -> vector<128x128xf32>
    %dot_general3A_38 = arith.constant dense<0.000000e+00> : vector<1000x128xf32>
    %dot_general3A_39 = tpu.matmul %add3A_9, %transpose3A_37, %dot_general3A_38 {dimension_numbers = #tpu.dot_dimension_numbers<[1], [0], [0], [1], [0, 0, 1, 1], [], []>, transpose_lhs_hint = false} : vector<1000x128xf32>, vector<128x128xf32>, vector<1000x128xf32> -> vector<1000x128xf32>
    %get3A_40 = arith.constant 0 : index
    %get3A_41 = arith.constant 0 : index
    %get3A_42 = vector.load %arg9[%get3A_40, %get3A_41] : memref<128x32xf32, #tpu.memory_space<vmem>>, vector<128x32xf32>
    %transpose3A_43 = tpu.transpose %get3A_42, [1, 0] : vector<128x32xf32> -> vector<32x128xf32>
    %dot_general3A_44 = arith.constant dense<0.000000e+00> : vector<1000x128xf32>
    %dot_general3A_45 = tpu.matmul %add3A_23, %transpose3A_43, %dot_general3A_44 {dimension_numbers = #tpu.dot_dimension_numbers<[1], [0], [0], [1], [0, 0, 1, 1], [], []>, transpose_lhs_hint = false} : vector<1000x32xf32>, vector<32x128xf32>, vector<1000x128xf32> -> vector<1000x128xf32>
    %add3A_46 = arith.addf %dot_general3A_39, %dot_general3A_45 : vector<1000x128xf32>
    %mul3A = vector.broadcast %rsqrt3A : vector<1000x1xf32> to vector<1000x128xf32>
    %mul3A_47 = arith.mulf %mul3A, %add3A_46 : vector<1000x128xf32>
    %swap3A = arith.constant 0 : index
    %swap3A_48 = arith.constant 0 : index
    %swap3A_49 = vector.load %arg10[%swap3A, %swap3A_48] : memref<1000x128xf32, #tpu.memory_space<vmem>>, vector<1000x128xf32>
    tpu.vector_store %arg10[%swap3A, %swap3A_48], %mul3A_47 {strides = array<i32>} : memref<1000x128xf32, #tpu.memory_space<vmem>>, vector<1000x128xf32>,
    return
  }
  func.func @transform_0(%arg0: i32) -> (i32, i32) {
    %c0_i32 = arith.constant 0 : i32
    %c0_i32_0 = arith.constant 0 : i32
    return %arg0, %c0_i32 : i32, i32
  }
  func.func @transform_1(%arg0: i32) -> (i32, i32) {
    %c0_i32 = arith.constant 0 : i32
    %c0_i32_0 = arith.constant 0 : i32
    return %arg0, %c0_i32 : i32, i32
  }
  func.func @transform_2(%arg0: i32) -> (i32, i32, i32) {
    %c0_i32 = arith.constant 0 : i32
    %c0_i32_0 = arith.constant 0 : i32
    %c0_i32_1 = arith.constant 0 : i32
    return %c0_i32, %arg0, %c0_i32_0 : i32, i32, i32
  }
  func.func @transform_3(%arg0: i32) -> (i32, i32) {
    %c0_i32 = arith.constant 0 : i32
    %c0_i32_0 = arith.constant 0 : i32
    %c0_i32_1 = arith.constant 0 : i32
    return %c0_i32, %c0_i32_0 : i32, i32
  }
  func.func @transform_4(%arg0: i32) -> (i32, i32) {
    %c0_i32 = arith.constant 0 : i32
    %c0_i32_0 = arith.constant 0 : i32
    %c0_i32_1 = arith.constant 0 : i32
    return %c0_i32, %c0_i32_0 : i32, i32
  }
  func.func @transform_5(%arg0: i32) -> (i32, i32) {
    %c0_i32 = arith.constant 0 : i32
    %c0_i32_0 = arith.constant 0 : i32
    %c0_i32_1 = arith.constant 0 : i32
    return %c0_i32, %c0_i32_0 : i32, i32
  }
  func.func @transform_6(%arg0: i32) -> (i32, i32) {
    %c0_i32 = arith.constant 0 : i32
    %c0_i32_0 = arith.constant 0 : i32
    %c0_i32_1 = arith.constant 0 : i32
    return %c0_i32, %c0_i32_0 : i32, i32
  }
  func.func @transform_7(%arg0: i32) -> (i32, i32) {
    %c0_i32 = arith.constant 0 : i32
    %c0_i32_0 = arith.constant 0 : i32
    %c0_i32_1 = arith.constant 0 : i32
    return %c0_i32, %c0_i32_0 : i32, i32
  }
  func.func @transform_8(%arg0: i32) -> (i32, i32) {
    %c0_i32 = arith.constant 0 : i32
    %c0_i32_0 = arith.constant 0 : i32
    %c0_i32_1 = arith.constant 0 : i32
    return %c0_i32, %c0_i32_0 : i32, i32
  }
  func.func @transform_9(%arg0: i32) -> (i32, i32) {
    %c0_i32 = arith.constant 0 : i32
    %c0_i32_0 = arith.constant 0 : i32
    return %arg0, %c0_i32 : i32, i32
  }
}

module attributes {stable_mosaic.version = 14 : i64} {
  func.func @_tc_layer_body(%arg0: i32, %arg1: memref<2x1000x128xf32, #tpu.memory_space<vmem>>, %arg2: memref<1000x128xf32, #tpu.memory_space<vmem>>, %arg3: memref<2x1000x128xf32, #tpu.memory_space<vmem>>, %arg4: memref<1x128xf32, #tpu.memory_space<vmem>>, %arg5: memref<128x128xf32, #tpu.memory_space<vmem>>, %arg6: memref<1x128xf32, #tpu.memory_space<vmem>>, %arg7: memref<1000x128xf32, #tpu.memory_space<vmem>>) attributes {dimension_semantics = [#tpu.dimension_semantics<arbitrary>], iteration_bounds = array<i64: 10>, scalar_prefetch = 0 : i64, scratch_operands = 0 : i64, tpu.core_type = #tpu.core_type<tc>, window_params = [{transform_indices = @transform_0, window_bounds = array<i64: 2, 1000, 128>}, {transform_indices = @transform_1, window_bounds = array<i64: 1000, 128>}, {transform_indices = @transform_2, window_bounds = array<i64: 2, 1000, 128>}, {pipeline_mode = #tpu.pipeline_mode<synchronous>, transform_indices = @transform_3, window_bounds = array<i64: 1, 128>}, {pipeline_mode = #tpu.pipeline_mode<synchronous>, transform_indices = @transform_4, window_bounds = array<i64: 128, 128>}, {pipeline_mode = #tpu.pipeline_mode<synchronous>, transform_indices = @transform_5, window_bounds = array<i64: 1, 128>}, {transform_indices = @transform_6, window_bounds = array<i64: 1000, 128>}]} {
    %get3A = arith.constant 0 : index
    %get3A_0 = arith.constant 0 : index
    %get3A_1 = arith.constant 0 : index
    %get3A_2 = vector.load %arg3[%get3A, %get3A_0, %get3A_1] : memref<2x1000x128xf32, #tpu.memory_space<vmem>>, vector<2x1000x128xf32>
    %slice3A = vector.extract_strided_slice %get3A_2 {offsets = [0, 0, 0], sizes = [1, 1000, 1], strides = [1, 1, 1]} : vector<2x1000x128xf32> to vector<1x1000x1xf32>
    %squeeze3A = vector.shape_cast %slice3A : vector<1x1000x1xf32> to vector<1000x1xf32>
    %slice3A_3 = vector.extract_strided_slice %get3A_2 {offsets = [1, 0, 0], sizes = [1, 1000, 1], strides = [1, 1, 1]} : vector<2x1000x128xf32> to vector<1x1000x1xf32>
    %squeeze3A_4 = vector.shape_cast %slice3A_3 : vector<1x1000x1xf32> to vector<1000x1xf32>
    %add3A = arith.addf %squeeze3A, %squeeze3A_4 : vector<1000x1xf32>
    %add3A_5 = arith.constant 1.000000e+00 : f32
    %add3A_6 = vector.broadcast %add3A_5 : f32 to vector<1000x1xf32>
    %add3A_7 = arith.addf %add3A, %add3A_6 : vector<1000x1xf32>
    %rsqrt3A = math.rsqrt %add3A_7 : vector<1000x1xf32>
    %get3A_8 = arith.constant 0 : index
    %get3A_9 = arith.constant 0 : index
    %get3A_10 = arith.constant 0 : index
    %get3A_11 = vector.load %arg1[%get3A_8, %get3A_9, %get3A_10] : memref<2x1000x128xf32, #tpu.memory_space<vmem>>, vector<2x1000x128xf32>
    %slice3A_12 = vector.extract_strided_slice %get3A_11 {offsets = [0, 0, 0], sizes = [1, 1000, 128], strides = [1, 1, 1]} : vector<2x1000x128xf32> to vector<1x1000x128xf32>
    %squeeze3A_13 = vector.shape_cast %slice3A_12 : vector<1x1000x128xf32> to vector<1000x128xf32>
    %slice3A_14 = vector.extract_strided_slice %get3A_11 {offsets = [1, 0, 0], sizes = [1, 1000, 128], strides = [1, 1, 1]} : vector<2x1000x128xf32> to vector<1x1000x128xf32>
    %squeeze3A_15 = vector.shape_cast %slice3A_14 : vector<1x1000x128xf32> to vector<1000x128xf32>
    %add3A_16 = arith.addf %squeeze3A_13, %squeeze3A_15 : vector<1000x128xf32>
    %get3A_17 = arith.constant 0 : index
    %get3A_18 = arith.constant 0 : index
    %get3A_19 = vector.load %arg2[%get3A_17, %get3A_18] : memref<1000x128xf32, #tpu.memory_space<vmem>>, vector<1000x128xf32>
    %add3A_20 = arith.addf %add3A_16, %get3A_19 : vector<1000x128xf32>
    %mul3A = vector.broadcast %rsqrt3A : vector<1000x1xf32> to vector<1000x128xf32>
    %mul3A_21 = arith.mulf %mul3A, %add3A_20 : vector<1000x128xf32>
    %get3A_22 = arith.constant 0 : index
    %get3A_23 = arith.constant 0 : index
    %get3A_24 = vector.load %arg4[%get3A_22, %get3A_23] : memref<1x128xf32, #tpu.memory_space<vmem>>, vector<1x128xf32>
    %add3A_25 = vector.broadcast %get3A_24 : vector<1x128xf32> to vector<1000x128xf32>
    %add3A_26 = arith.addf %mul3A_21, %add3A_25 : vector<1000x128xf32>
    %max3A = arith.constant 0.000000e+00 : f32
    %max3A_27 = vector.broadcast %max3A : f32 to vector<1000x128xf32>
    %max3A_28 = arith.maximumf %add3A_26, %max3A_27 : vector<1000x128xf32>
    %get3A_29 = arith.constant 0 : index
    %get3A_30 = arith.constant 0 : index
    %get3A_31 = vector.load %arg5[%get3A_29, %get3A_30] : memref<128x128xf32, #tpu.memory_space<vmem>>, vector<128x128xf32>
    %transpose3A = tpu.transpose %get3A_31, [1, 0] : vector<128x128xf32> -> vector<128x128xf32>
    %dot_general3A = arith.constant dense<0.000000e+00> : vector<1000x128xf32>
    %dot_general3A_32 = tpu.matmul %max3A_28, %transpose3A, %dot_general3A {dimension_numbers = #tpu.dot_dimension_numbers<[1], [0], [0], [1], [0, 0, 1, 1], [], []>, transpose_lhs_hint = false} : vector<1000x128xf32>, vector<128x128xf32>, vector<1000x128xf32> -> vector<1000x128xf32>
    %mul3A_33 = vector.broadcast %rsqrt3A : vector<1000x1xf32> to vector<1000x128xf32>
    %mul3A_34 = arith.mulf %mul3A_33, %dot_general3A_32 : vector<1000x128xf32>
    %get3A_35 = arith.constant 0 : index
    %get3A_36 = arith.constant 0 : index
    %get3A_37 = vector.load %arg6[%get3A_35, %get3A_36] : memref<1x128xf32, #tpu.memory_space<vmem>>, vector<1x128xf32>
    %add3A_38 = vector.broadcast %get3A_37 : vector<1x128xf32> to vector<1000x128xf32>
    %add3A_39 = arith.addf %mul3A_34, %add3A_38 : vector<1000x128xf32>
    %swap3A = arith.constant 0 : index
    %swap3A_40 = arith.constant 0 : index
    %swap3A_41 = vector.load %arg7[%swap3A, %swap3A_40] : memref<1000x128xf32, #tpu.memory_space<vmem>>, vector<1000x128xf32>
    tpu.vector_store %arg7[%swap3A, %swap3A_40], %add3A_39 {strides = array<i32>} : memref<1000x128xf32, #tpu.memory_space<vmem>>, vector<1000x128xf32>,
    return
  }
  func.func @transform_0(%arg0: i32) -> (i32, i32, i32) {
    %c0_i32 = arith.constant 0 : i32
    %c0_i32_0 = arith.constant 0 : i32
    %c0_i32_1 = arith.constant 0 : i32
    return %c0_i32, %arg0, %c0_i32_0 : i32, i32, i32
  }
  func.func @transform_1(%arg0: i32) -> (i32, i32) {
    %c0_i32 = arith.constant 0 : i32
    %c0_i32_0 = arith.constant 0 : i32
    return %arg0, %c0_i32 : i32, i32
  }
  func.func @transform_2(%arg0: i32) -> (i32, i32, i32) {
    %c0_i32 = arith.constant 0 : i32
    %c0_i32_0 = arith.constant 0 : i32
    %c0_i32_1 = arith.constant 0 : i32
    return %c0_i32, %arg0, %c0_i32_0 : i32, i32, i32
  }
  func.func @transform_3(%arg0: i32) -> (i32, i32) {
    %c0_i32 = arith.constant 0 : i32
    %c0_i32_0 = arith.constant 0 : i32
    %c0_i32_1 = arith.constant 0 : i32
    return %c0_i32, %c0_i32_0 : i32, i32
  }
  func.func @transform_4(%arg0: i32) -> (i32, i32) {
    %c0_i32 = arith.constant 0 : i32
    %c0_i32_0 = arith.constant 0 : i32
    %c0_i32_1 = arith.constant 0 : i32
    return %c0_i32, %c0_i32_0 : i32, i32
  }
  func.func @transform_5(%arg0: i32) -> (i32, i32) {
    %c0_i32 = arith.constant 0 : i32
    %c0_i32_0 = arith.constant 0 : i32
    %c0_i32_1 = arith.constant 0 : i32
    return %c0_i32, %c0_i32_0 : i32, i32
  }
  func.func @transform_6(%arg0: i32) -> (i32, i32) {
    %c0_i32 = arith.constant 0 : i32
    %c0_i32_0 = arith.constant 0 : i32
    return %arg0, %c0_i32 : i32, i32
  }
}

module attributes {stable_mosaic.version = 14 : i64} {
  func.func @_tc_layer_body(%arg0: i32, %arg1: memref<2x1000x128xf32, #tpu.memory_space<vmem>>, %arg2: memref<1000x128xf32, #tpu.memory_space<vmem>>, %arg3: memref<2x1000x128xf32, #tpu.memory_space<vmem>>, %arg4: memref<1x128xf32, #tpu.memory_space<vmem>>, %arg5: memref<384x128xf32, #tpu.memory_space<vmem>>, %arg6: memref<1x384xf32, #tpu.memory_space<vmem>>, %arg7: memref<1000x384xf32, #tpu.memory_space<vmem>>) attributes {dimension_semantics = [#tpu.dimension_semantics<arbitrary>], iteration_bounds = array<i64: 10>, scalar_prefetch = 0 : i64, scratch_operands = 0 : i64, tpu.core_type = #tpu.core_type<tc>, window_params = [{transform_indices = @transform_0, window_bounds = array<i64: 2, 1000, 128>}, {transform_indices = @transform_1, window_bounds = array<i64: 1000, 128>}, {transform_indices = @transform_2, window_bounds = array<i64: 2, 1000, 128>}, {pipeline_mode = #tpu.pipeline_mode<synchronous>, transform_indices = @transform_3, window_bounds = array<i64: 1, 128>}, {pipeline_mode = #tpu.pipeline_mode<synchronous>, transform_indices = @transform_4, window_bounds = array<i64: 384, 128>}, {pipeline_mode = #tpu.pipeline_mode<synchronous>, transform_indices = @transform_5, window_bounds = array<i64: 1, 384>}, {transform_indices = @transform_6, window_bounds = array<i64: 1000, 384>}]} {
    %get3A = arith.constant 0 : index
    %get3A_0 = arith.constant 0 : index
    %get3A_1 = arith.constant 0 : index
    %get3A_2 = vector.load %arg3[%get3A, %get3A_0, %get3A_1] : memref<2x1000x128xf32, #tpu.memory_space<vmem>>, vector<2x1000x128xf32>
    %slice3A = vector.extract_strided_slice %get3A_2 {offsets = [0, 0, 0], sizes = [1, 1000, 1], strides = [1, 1, 1]} : vector<2x1000x128xf32> to vector<1x1000x1xf32>
    %squeeze3A = vector.shape_cast %slice3A : vector<1x1000x1xf32> to vector<1000x1xf32>
    %slice3A_3 = vector.extract_strided_slice %get3A_2 {offsets = [1, 0, 0], sizes = [1, 1000, 1], strides = [1, 1, 1]} : vector<2x1000x128xf32> to vector<1x1000x1xf32>
    %squeeze3A_4 = vector.shape_cast %slice3A_3 : vector<1x1000x1xf32> to vector<1000x1xf32>
    %add3A = arith.addf %squeeze3A, %squeeze3A_4 : vector<1000x1xf32>
    %add3A_5 = arith.constant 1.000000e+00 : f32
    %add3A_6 = vector.broadcast %add3A_5 : f32 to vector<1000x1xf32>
    %add3A_7 = arith.addf %add3A, %add3A_6 : vector<1000x1xf32>
    %rsqrt3A = math.rsqrt %add3A_7 : vector<1000x1xf32>
    %get3A_8 = arith.constant 0 : index
    %get3A_9 = arith.constant 0 : index
    %get3A_10 = arith.constant 0 : index
    %get3A_11 = vector.load %arg1[%get3A_8, %get3A_9, %get3A_10] : memref<2x1000x128xf32, #tpu.memory_space<vmem>>, vector<2x1000x128xf32>
    %slice3A_12 = vector.extract_strided_slice %get3A_11 {offsets = [0, 0, 0], sizes = [1, 1000, 128], strides = [1, 1, 1]} : vector<2x1000x128xf32> to vector<1x1000x128xf32>
    %squeeze3A_13 = vector.shape_cast %slice3A_12 : vector<1x1000x128xf32> to vector<1000x128xf32>
    %slice3A_14 = vector.extract_strided_slice %get3A_11 {offsets = [1, 0, 0], sizes = [1, 1000, 128], strides = [1, 1, 1]} : vector<2x1000x128xf32> to vector<1x1000x128xf32>
    %squeeze3A_15 = vector.shape_cast %slice3A_14 : vector<1x1000x128xf32> to vector<1000x128xf32>
    %add3A_16 = arith.addf %squeeze3A_13, %squeeze3A_15 : vector<1000x128xf32>
    %get3A_17 = arith.constant 0 : index
    %get3A_18 = arith.constant 0 : index
    %get3A_19 = vector.load %arg2[%get3A_17, %get3A_18] : memref<1000x128xf32, #tpu.memory_space<vmem>>, vector<1000x128xf32>
    %add3A_20 = arith.addf %add3A_16, %get3A_19 : vector<1000x128xf32>
    %mul3A = vector.broadcast %rsqrt3A : vector<1000x1xf32> to vector<1000x128xf32>
    %mul3A_21 = arith.mulf %mul3A, %add3A_20 : vector<1000x128xf32>
    %get3A_22 = arith.constant 0 : index
    %get3A_23 = arith.constant 0 : index
    %get3A_24 = vector.load %arg4[%get3A_22, %get3A_23] : memref<1x128xf32, #tpu.memory_space<vmem>>, vector<1x128xf32>
    %add3A_25 = vector.broadcast %get3A_24 : vector<1x128xf32> to vector<1000x128xf32>
    %add3A_26 = arith.addf %mul3A_21, %add3A_25 : vector<1000x128xf32>
    %max3A = arith.constant 0.000000e+00 : f32
    %max3A_27 = vector.broadcast %max3A : f32 to vector<1000x128xf32>
    %max3A_28 = arith.maximumf %add3A_26, %max3A_27 : vector<1000x128xf32>
    %get3A_29 = arith.constant 0 : index
    %get3A_30 = arith.constant 0 : index
    %get3A_31 = vector.load %arg5[%get3A_29, %get3A_30] : memref<384x128xf32, #tpu.memory_space<vmem>>, vector<384x128xf32>
    %transpose3A = tpu.transpose %get3A_31, [1, 0] : vector<384x128xf32> -> vector<128x384xf32>
    %dot_general3A = arith.constant dense<0.000000e+00> : vector<1000x384xf32>
    %dot_general3A_32 = tpu.matmul %max3A_28, %transpose3A, %dot_general3A {dimension_numbers = #tpu.dot_dimension_numbers<[1], [0], [0], [1], [0, 0, 1, 1], [], []>, transpose_lhs_hint = false} : vector<1000x128xf32>, vector<128x384xf32>, vector<1000x384xf32> -> vector<1000x384xf32>
    %get3A_33 = arith.constant 0 : index
    %get3A_34 = arith.constant 0 : index
    %get3A_35 = vector.load %arg6[%get3A_33, %get3A_34] : memref<1x384xf32, #tpu.memory_space<vmem>>, vector<1x384xf32>
    %add3A_36 = vector.broadcast %get3A_35 : vector<1x384xf32> to vector<1000x384xf32>
    %add3A_37 = arith.addf %dot_general3A_32, %add3A_36 : vector<1000x384xf32>
    %swap3A = arith.constant 0 : index
    %swap3A_38 = arith.constant 0 : index
    %swap3A_39 = vector.load %arg7[%swap3A, %swap3A_38] : memref<1000x384xf32, #tpu.memory_space<vmem>>, vector<1000x384xf32>
    tpu.vector_store %arg7[%swap3A, %swap3A_38], %add3A_37 {strides = array<i32>} : memref<1000x384xf32, #tpu.memory_space<vmem>>, vector<1000x384xf32>,
    return
  }
  func.func @transform_0(%arg0: i32) -> (i32, i32, i32) {
    %c0_i32 = arith.constant 0 : i32
    %c0_i32_0 = arith.constant 0 : i32
    %c0_i32_1 = arith.constant 0 : i32
    return %c0_i32, %arg0, %c0_i32_0 : i32, i32, i32
  }
  func.func @transform_1(%arg0: i32) -> (i32, i32) {
    %c0_i32 = arith.constant 0 : i32
    %c0_i32_0 = arith.constant 0 : i32
    return %arg0, %c0_i32 : i32, i32
  }
  func.func @transform_2(%arg0: i32) -> (i32, i32, i32) {
    %c0_i32 = arith.constant 0 : i32
    %c0_i32_0 = arith.constant 0 : i32
    %c0_i32_1 = arith.constant 0 : i32
    return %c0_i32, %arg0, %c0_i32_0 : i32, i32, i32
  }
  func.func @transform_3(%arg0: i32) -> (i32, i32) {
    %c0_i32 = arith.constant 0 : i32
    %c0_i32_0 = arith.constant 0 : i32
    %c0_i32_1 = arith.constant 0 : i32
    return %c0_i32, %c0_i32_0 : i32, i32
  }
  func.func @transform_4(%arg0: i32) -> (i32, i32) {
    %c0_i32 = arith.constant 0 : i32
    %c0_i32_0 = arith.constant 0 : i32
    %c0_i32_1 = arith.constant 0 : i32
    return %c0_i32, %c0_i32_0 : i32, i32
  }
  func.func @transform_5(%arg0: i32) -> (i32, i32) {
    %c0_i32 = arith.constant 0 : i32
    %c0_i32_0 = arith.constant 0 : i32
    %c0_i32_1 = arith.constant 0 : i32
    return %c0_i32, %c0_i32_0 : i32, i32
  }
  func.func @transform_6(%arg0: i32) -> (i32, i32) {
    %c0_i32 = arith.constant 0 : i32
    %c0_i32_0 = arith.constant 0 : i32
    return %arg0, %c0_i32 : i32, i32
  }
}

module attributes {stable_mosaic.version = 14 : i64} {
  func.func @_tc_flash_body(%arg0: i32, %arg1: i32, %arg2: memref<1x1024x32xf32, #tpu.memory_space<vmem>>, %arg3: memref<1x10240x32xbf16, #tpu.memory_space<vmem>>, %arg4: memref<1x10240x64xbf16, #tpu.memory_space<vmem>>, %arg5: memref<1x1024x32xf32, #tpu.memory_space<vmem>>) attributes {dimension_semantics = [#tpu.dimension_semantics<arbitrary>, #tpu.dimension_semantics<arbitrary>], iteration_bounds = array<i64: 4, 10>, scalar_prefetch = 0 : i64, scratch_operands = 0 : i64, tpu.core_type = #tpu.core_type<tc>, window_params = [{transform_indices = @transform_0, window_bounds = array<i64: 1, 1024, 32>}, {transform_indices = @transform_1, window_bounds = array<i64: 1, 10240, 32>}, {transform_indices = @transform_2, window_bounds = array<i64: 1, 10240, 64>}, {transform_indices = @transform_3, window_bounds = array<i64: 1, 1024, 32>}]} {
    %get3A = arith.constant 0 : index
    %get3A_0 = arith.constant 0 : index
    %get3A_1 = arith.constant 0 : index
    %get3A_2 = vector.load %arg2[%get3A, %get3A_0, %get3A_1] : memref<1x1024x32xf32, #tpu.memory_space<vmem>>, vector<1x1024x32xf32>
    %get3A_3 = vector.shape_cast %get3A_2 : vector<1x1024x32xf32> to vector<1024x32xf32>
    %mul3A = arith.constant 0.176776692 : f32
    %mul3A_4 = vector.broadcast %mul3A : f32 to vector<1024x32xf32>
    %mul3A_5 = arith.mulf %get3A_3, %mul3A_4 : vector<1024x32xf32>
    %convert_element_type3A = arith.truncf %mul3A_5 : vector<1024x32xf32> to vector<1024x32xbf16>
    %broadcast_in_dim3A = arith.constant 0.000000e+00 : f32
    %broadcast_in_dim3A_6 = vector.broadcast %broadcast_in_dim3A : f32 to vector<1024x64xf32>
    %broadcast_in_dim3A_7 = arith.constant -1.000000e+30 : f32
    %broadcast_in_dim3A_8 = vector.broadcast %broadcast_in_dim3A_7 : f32 to vector<1024x1xf32>
    %scan3A = arith.constant 0 : i32
    %scan3A_9 = arith.constant 5 : i32
    %scan3A_10 = arith.addi %scan3A, %scan3A_9 : i32
    %scan3A_11 = arith.constant 1 : i32
    %scan3A_12:2 = scf.for %scan3A_21 = %scan3A to %scan3A_10 step %scan3A_11 iter_args(%scan3A_22 = %broadcast_in_dim3A_6, %scan3A_23 = %broadcast_in_dim3A_8) -> (vector<1024x64xf32>, vector<1024x1xf32>)  : i32 {
      %mul3A_24 = arith.constant 2048 : i32
      %mul3A_25 = arith.muli %scan3A_21, %mul3A_24 : i32
      %get3A_26 = arith.constant 0 : index
      %get3A_27 = arith.index_cast %mul3A_25 : i32 to index
      %get3A_28 = arith.constant 0 : index
      %get3A_29 = vector.load %arg3[%get3A_26, %get3A_27, %get3A_28] : memref<1x10240x32xbf16, #tpu.memory_space<vmem>>, vector<1x2048x32xbf16>
      %get3A_30 = vector.shape_cast %get3A_29 : vector<1x2048x32xbf16> to vector<2048x32xbf16>
      %mul3A_31 = arith.constant 2048 : i32
      %mul3A_32 = arith.muli %scan3A_21, %mul3A_31 : i32
      %get3A_33 = arith.constant 0 : index
      %get3A_34 = arith.index_cast %mul3A_32 : i32 to index
      %get3A_35 = arith.constant 0 : index
      %get3A_36 = vector.load %arg4[%get3A_33, %get3A_34, %get3A_35] : memref<1x10240x64xbf16, #tpu.memory_space<vmem>>, vector<1x2048x64xbf16>
      %get3A_37 = vector.shape_cast %get3A_36 : vector<1x2048x64xbf16> to vector<2048x64xbf16>
      %dot_general3A = arith.constant dense<0.000000e+00> : vector<1024x2048xf32>
      %dot_general3A_38 = tpu.matmul %convert_element_type3A, %get3A_30, %dot_general3A {dimension_numbers = #tpu.dot_dimension_numbers<[1], [1], [0], [0], [0, 0, 1, 0], [], []>, transpose_lhs_hint = false} : vector<1024x32xbf16>, vector<2048x32xbf16>, vector<1024x2048xf32> -> vector<1024x2048xf32>
      %reduce_max3A = arith.constant dense<0xFF800000> : vector<1024xf32>
      %reduce_max3A_39 = vector.multi_reduction <maximumf>, %dot_general3A_38, %reduce_max3A [1] : vector<1024x2048xf32> to vector<1024xf32>
      %broadcast_in_dim3A_40 = vector.shape_cast %reduce_max3A_39 : vector<1024xf32> to vector<1024x1xf32>
      %max3A = arith.maximumf %scan3A_23, %broadcast_in_dim3A_40 : vector<1024x1xf32>
      %sub3A = vector.broadcast %max3A : vector<1024x1xf32> to vector<1024x2048xf32>
      %sub3A_41 = arith.subf %dot_general3A_38, %sub3A : vector<1024x2048xf32>
      %exp3A = math.exp %sub3A_41 : vector<1024x2048xf32>
      %convert_element_type3A_42 = arith.truncf %exp3A : vector<1024x2048xf32> to vector<1024x2048xbf16>
      %sub3A_43 = arith.subf %scan3A_23, %max3A : vector<1024x1xf32>
      %exp3A_44 = math.exp %sub3A_43 : vector<1024x1xf32>
      %mul3A_45 = vector.broadcast %exp3A_44 : vector<1024x1xf32> to vector<1024x64xf32>
      %mul3A_46 = arith.mulf %scan3A_22, %mul3A_45 : vector<1024x64xf32>
      %dot_general3A_47 = arith.constant dense<0.000000e+00> : vector<1024x64xf32>
      %dot_general3A_48 = tpu.matmul %convert_element_type3A_42, %get3A_37, %dot_general3A_47 {dimension_numbers = #tpu.dot_dimension_numbers<[1], [0], [0], [1], [0, 0, 1, 1], [], []>, transpose_lhs_hint = false} : vector<1024x2048xbf16>, vector<2048x64xbf16>, vector<1024x64xf32> -> vector<1024x64xf32>
      %add3A = arith.addf %mul3A_46, %dot_general3A_48 : vector<1024x64xf32>
      scf.yield %add3A, %max3A : vector<1024x64xf32>, vector<1024x1xf32>
    }
    %scan3A_13 = arith.constant 5 : i32
    %slice3A = vector.extract_strided_slice %scan3A_12#0 {offsets = [0, 0], sizes = [1024, 32], strides = [1, 1]} : vector<1024x64xf32> to vector<1024x32xf32>
    %slice3A_14 = vector.extract_strided_slice %scan3A_12#0 {offsets = [0, 32], sizes = [1024, 1], strides = [1, 1]} : vector<1024x64xf32> to vector<1024x1xf32>
    %div3A = vector.broadcast %slice3A_14 : vector<1024x1xf32> to vector<1024x32xf32>
    %div3A_15 = arith.divf %slice3A, %div3A : vector<1024x32xf32>
    %swap3A = arith.constant 0 : index
    %swap3A_16 = arith.constant 0 : index
    %swap3A_17 = arith.constant 0 : index
    %swap3A_18 = vector.load %arg5[%swap3A, %swap3A_16, %swap3A_17] : memref<1x1024x32xf32, #tpu.memory_space<vmem>>, vector<1x1024x32xf32>
    %swap3A_19 = vector.shape_cast %swap3A_18 : vector<1x1024x32xf32> to vector<1024x32xf32>
    %swap3A_20 = vector.shape_cast %div3A_15 : vector<1024x32xf32> to vector<1x1024x32xf32>
    tpu.vector_store %arg5[%swap3A, %swap3A_16, %swap3A_17], %swap3A_20 {strides = array<i32>} : memref<1x1024x32xf32, #tpu.memory_space<vmem>>, vector<1x1024x32xf32>,
    return
  }
  func.func @transform_0(%arg0: i32, %arg1: i32) -> (i32, i32, i32) {
    %c0_i32 = arith.constant 0 : i32
    %c0_i32_0 = arith.constant 0 : i32
    return %arg0, %arg1, %c0_i32 : i32, i32, i32
  }
  func.func @transform_1(%arg0: i32, %arg1: i32) -> (i32, i32, i32) {
    %c0_i32 = arith.constant 0 : i32
    %c0_i32_0 = arith.constant 0 : i32
    %c0_i32_1 = arith.constant 0 : i32
    return %arg0, %c0_i32, %c0_i32_0 : i32, i32, i32
  }
  func.func @transform_2(%arg0: i32, %arg1: i32) -> (i32, i32, i32) {
    %c0_i32 = arith.constant 0 : i32
    %c0_i32_0 = arith.constant 0 : i32
    %c0_i32_1 = arith.constant 0 : i32
    return %arg0, %c0_i32, %c0_i32_0 : i32, i32, i32
  }
  func.func @transform_3(%arg0: i32, %arg1: i32) -> (i32, i32, i32) {
    %c0_i32 = arith.constant 0 : i32
    %c0_i32_0 = arith.constant 0 : i32
    return %arg0, %arg1, %c0_i32 : i32, i32, i32
  }
}

module attributes {stable_mosaic.version = 14 : i64} {
  func.func @_tc_epilogue_body(%arg0: i32, %arg1: memref<1024x128xf32, #tpu.memory_space<vmem>>, %arg2: memref<128x128xf32, #tpu.memory_space<vmem>>, %arg3: memref<1x128xf32, #tpu.memory_space<vmem>>, %arg4: memref<1024x128xf32, #tpu.memory_space<vmem>>) attributes {dimension_semantics = [#tpu.dimension_semantics<arbitrary>], iteration_bounds = array<i64: 10>, scalar_prefetch = 0 : i64, scratch_operands = 0 : i64, tpu.core_type = #tpu.core_type<tc>, window_params = [{transform_indices = @transform_0, window_bounds = array<i64: 1024, 128>}, {pipeline_mode = #tpu.pipeline_mode<synchronous>, transform_indices = @transform_1, window_bounds = array<i64: 128, 128>}, {pipeline_mode = #tpu.pipeline_mode<synchronous>, transform_indices = @transform_2, window_bounds = array<i64: 1, 128>}, {transform_indices = @transform_3, window_bounds = array<i64: 1024, 128>}]} {
    %get3A = arith.constant 0 : index
    %get3A_0 = arith.constant 0 : index
    %get3A_1 = vector.load %arg1[%get3A, %get3A_0] : memref<1024x128xf32, #tpu.memory_space<vmem>>, vector<1024x128xf32>
    %get3A_2 = arith.constant 0 : index
    %get3A_3 = arith.constant 0 : index
    %get3A_4 = vector.load %arg2[%get3A_2, %get3A_3] : memref<128x128xf32, #tpu.memory_space<vmem>>, vector<128x128xf32>
    %dot_general3A = arith.constant dense<0.000000e+00> : vector<1024x128xf32>
    %dot_general3A_5 = tpu.matmul %get3A_1, %get3A_4, %dot_general3A {dimension_numbers = #tpu.dot_dimension_numbers<[1], [0], [0], [1], [0, 0, 1, 1], [], []>, transpose_lhs_hint = false} : vector<1024x128xf32>, vector<128x128xf32>, vector<1024x128xf32> -> vector<1024x128xf32>
    %get3A_6 = arith.constant 0 : index
    %get3A_7 = arith.constant 0 : index
    %get3A_8 = vector.load %arg3[%get3A_6, %get3A_7] : memref<1x128xf32, #tpu.memory_space<vmem>>, vector<1x128xf32>
    %add3A = vector.broadcast %get3A_8 : vector<1x128xf32> to vector<1024x128xf32>
    %add3A_9 = arith.addf %dot_general3A_5, %add3A : vector<1024x128xf32>
    %swap3A = arith.constant 0 : index
    %swap3A_10 = arith.constant 0 : index
    %swap3A_11 = vector.load %arg4[%swap3A, %swap3A_10] : memref<1024x128xf32, #tpu.memory_space<vmem>>, vector<1024x128xf32>
    tpu.vector_store %arg4[%swap3A, %swap3A_10], %add3A_9 {strides = array<i32>} : memref<1024x128xf32, #tpu.memory_space<vmem>>, vector<1024x128xf32>,
    return
  }
  func.func @transform_0(%arg0: i32) -> (i32, i32) {
    %c0_i32 = arith.constant 0 : i32
    %c0_i32_0 = arith.constant 0 : i32
    return %arg0, %c0_i32 : i32, i32
  }
  func.func @transform_1(%arg0: i32) -> (i32, i32) {
    %c0_i32 = arith.constant 0 : i32
    %c0_i32_0 = arith.constant 0 : i32
    %c0_i32_1 = arith.constant 0 : i32
    return %c0_i32, %c0_i32_0 : i32, i32
  }
  func.func @transform_2(%arg0: i32) -> (i32, i32) {
    %c0_i32 = arith.constant 0 : i32
    %c0_i32_0 = arith.constant 0 : i32
    %c0_i32_1 = arith.constant 0 : i32
    return %c0_i32, %c0_i32_0 : i32, i32
  }
  func.func @transform_3(%arg0: i32) -> (i32, i32) {
    %c0_i32 = arith.constant 0 : i32
    %c0_i32_0 = arith.constant 0 : i32
    return %arg0, %c0_i32 : i32, i32
  }
}

</mosaic_0001>

<sc_bundles>
// kernel: kernel.12.cloned.1.call-start
scs
__scs_entry_jumppad:
0x0: {  	(pc) =	sbr.rel $0x88, $3  }
0x1: {  	(tag) =	ssettag $0x0;
	lr =	simm.s32 $0x1  }
0x2: {  	[smem:$0x3F8E] =	sst lr;
	_ =	strace $0xD0000000  }
0x3: {  	_ = 	snop  }
0x4: {  	_ = 	snop  }
0x5: {  	_ = 	snop  }
0x6: {  	_ = 	snop  }
0x7: {  	_ = 	snop  }
__scs_overlays_trampoline_lowered:
0x8: {  	[smem:$0x3F9D] =	sst s0  }
0x9: {  	[smem:$0x3F9E] =	sst s1  }
0xa: {  	[smem:$0x3F9F] =	sst s2  }
0xb: {  	[smem:$0x3FA0] =	sst s3  }
0xc: {  	[smem:$0x3FA1] =	sst s4  }
0xd: {  	[smem:$0x3FA2] =	sst s5  }
0xe: {  	[smem:$0x3FA3] =	sst s6  }
0xf: {  	[smem:$0x3FA4] =	sst s7  }
0x10: {  	[smem:$0x3FA5] =	sst s8  }
0x11: {  	[smem:$0x3FA6] =	sst s9;
	s0 =	simm.s32 @!p0 $0x0  }
0x12: {  	s1 =	sld [smem:$0x3F8C];
	s0 =	simm.s32 @p0 $0x1  }
0x13: {  	[smem:$0x3FA7] =	sst s0;
	s0 =	simm.s32 @!p1 $0x0  }
0x14: {  	s2 =	sld [smem:$0x3F8B];
	s0 =	simm.s32 @p1 $0x1  }
0x15: {  	[smem:$0x3FA8] =	sst s0;
	s0 =	simm.s32 @!p2 $0x0  }
0x16: {  	s3 =	sld [smem:$0x3FDB];
	s0 =	simm.s32 @p2 $0x1  }
0x17: {  	s4 =	simm.s32 $0x1BF5;
	[smem:$0x3FAA] =	sst s0  }
0x18: {  	s0 =	sld [smem:$0x3F8D];
	_ =	swait.ge [sflag:s4], $0x0  }
0x19: {  	s7 =	sld [smem:$0x3F8E]  }
0x1a: {  	s8 =	sadd.s32 $0xFFFFE003, lr  }
0x1b: {  	s9 =	sadd.s32 $0xFFFFFEF7, lr;
	s5 =	simm.s32 $0xFFFFFFFF;
	p2 =	slt.u32 s8, $0xFFFFF086  }
0x1c: {  	p1 =	slt.u32 s9, $0xF7A;
	s5 =	simm.s32 @!p2 $0x0  }
0x1d: {  	s5 =	simm.s32 @p1 $0x1;
	p0 =	seq.s32 s7, s2  }
0x1e: {  	s7 =	smul.u32 @!p0 $0xF7A, s2;
	p2 =	seq.s32 @!p0 s5, $0x0  }
0x1f: {  	s9 =	smul.u32 $0xF7A, s1;
	s8 =	simm.s32 @!p0 $0x1BF5;
	p2 =	por !p2, p0  }
0x20: {  	[sflag:s8] =	ssyncset.s32 @!p0 $0xFFFFF086;
	s6 =	sadd.s32 @!p0 s3, s7;
	s7 =	simm.s32 @!p0 $0x108  }
0x21: {  	s3 =	sadd.s32 s3, s9;
	s6 =	sadd.s32 @!p0 $0x88, s6;
	s7 =	simm.s32 @p2 $0x1082  }
0x22: {  	[simem:s7], [sflag:s8] =	dma.local @!p0 [hbm:s6], $0xF7A  }
0x23: {  	s9 =	sor.u32 $0xD0000000, s2;
	s6 =	simm.s32 $0x108;
	_ =	swait.ge @!p0 [sflag:s8], $0x0  }
0x24: {  	s3 =	sadd.s32 $0x88, s3;
	s6 =	simm.s32 @!p1 $0x1082;
	[sflag:s4] =	ssyncset.s32 $0xFFFFF086  }
0x25: {  	[simem:s6], [sflag:s4] =	dma.local [hbm:s3], $0xF7A  }
0x26: {  	[smem:$0x3F8E] =	sst s1;
	(tag) =	ssettag s2;
	_ =	strace s9  }
0x27: {  	s1 =	sld [smem:$0x3F9E]  }
0x28: {  	s2 =	sld [smem:$0x3F9F]  }
0x29: {  	s4 =	sld [smem:$0x3FA1]  }
0x2a: {  	p0 =	seq.s32 s5, $0x0;
	s5 =	sld [smem:$0x3FA2]  }
0x2b: {  	s6 =	sld [smem:$0x3FA3]  }
0x2c: {  	s7 =	sld [smem:$0x3FA4]  }
0x2d: {  	s3 =	simm.s32 $0x108;
	s8 =	sld [smem:$0x3FA5]  }
0x2e: {  	s3 =	simm.s32 @!p0 $0x1082;
	s9 =	sld [smem:$0x3FA6]  }
0x2f: {  	lr =	sadd.s32 s0, s3;
	s0 =	sld [smem:$0x3F9D]  }
0x30: {  	s3 =	sld [smem:$0x3FA0]  }
0x31: {  	[smem:$0x3FA9] =	sst s10  }
0x32: {  	s10 =	sld [smem:$0x3FA7];
	_ =	sdelay $0x3  }
0x33: {  	p0 =	seq.s32 s10, $0x1;
	s10 =	sld [smem:$0x3FA9];
	_ =	sdelay $0x3  }
0x34: {  	[smem:$0x3FA9] =	sst s10  }
0x35: {  	s10 =	sld [smem:$0x3FA8];
	_ =	sdelay $0x3  }
0x36: {  	p1 =	seq.s32 s10, $0x1;
	s10 =	sld [smem:$0x3FA9];
	_ =	sdelay $0x3  }
0x37: {  	[smem:$0x3FA9] =	sst s10  }
0x38: {  	s10 =	sld [smem:$0x3FAA]  }
0x39: {  	_ = 	snop;
	(pc) =	sbr.ind lr, $3  }
0x3a: {  	_ = 	snop  }
0x3b: {  	_ = 	snop  }
0x3c: {  	p2 =	seq.s32 s10, $0x1;
	s10 =	sld [smem:$0x3FA9]  }
0x3d: {  	_ =	shalt  }
0x3e: {  	_ =	shalt  }
0x3f: {  	_ =	shalt  }
0x40: {  	_ =	shalt  }
0x41: {  	_ =	shalt  }
0x42: {  	_ =	shalt  }
0x43: {  	_ =	shalt  }
0x44: {  	_ =	shalt  }
0x45: {  	_ =	shalt  }
0x46: {  	_ =	shalt  }
0x47: {  	_ =	shalt  }
0x48: {  	_ =	shalt  }
0x49: {  	_ =	shalt  }
0x4a: {  	_ =	shalt  }
0x4b: {  	_ =	shalt  }
0x4c: {  	_ =	shalt  }
0x4d: {  	_ =	shalt  }
0x4e: {  	_ =	shalt  }
0x4f: {  	_ =	shalt  }
0x50: {  	_ =	shalt  }
0x51: {  	_ =	shalt  }
0x52: {  	_ =	shalt  }
0x53: {  	_ =	shalt  }
0x54: {  	_ =	shalt  }
0x55: {  	_ =	shalt  }
0x56: {  	_ =	shalt  }
0x57: {  	_ =	shalt  }
0x58: {  	_ =	shalt  }
0x59: {  	_ =	shalt  }
0x5a: {  	_ =	shalt  }
0x5b: {  	_ =	shalt  }
0x5c: {  	_ =	shalt  }
0x5d: {  	_ =	shalt  }
0x5e: {  	_ =	shalt  }
0x5f: {  	_ =	shalt  }
0x60: {  	_ =	shalt  }
0x61: {  	_ =	shalt  }
0x62: {  	_ =	shalt  }
0x63: {  	_ =	shalt  }
0x64: {  	_ =	shalt  }
0x65: {  	_ =	shalt  }
0x66: {  	_ =	shalt  }
0x67: {  	_ =	shalt  }
0x68: {  	_ =	shalt  }
0x69: {  	_ =	shalt  }
0x6a: {  	_ =	shalt  }
0x6b: {  	_ =	shalt  }
0x6c: {  	_ =	shalt  }
0x6d: {  	_ =	shalt  }
0x6e: {  	_ =	shalt  }
0x6f: {  	_ =	shalt  }
0x70: {  	_ =	shalt  }
0x71: {  	_ =	shalt  }
0x72: {  	_ =	shalt  }
0x73: {  	_ =	shalt  }
0x74: {  	_ =	shalt  }
0x75: {  	_ =	shalt  }
0x76: {  	_ =	shalt  }
0x77: {  	_ =	shalt  }
0x78: {  	_ =	shalt  }
0x79: {  	_ =	shalt  }
0x7a: {  	_ =	shalt  }
0x7b: {  	_ =	shalt  }
0x7c: {  	_ =	shalt  }
0x7d: {  	_ =	shalt  }
0x7e: {  	_ =	shalt  }
0x7f: {  	_ =	shalt  }
0x80: {  	_ =	shalt  }
0x81: {  	_ =	shalt  }
0x82: {  	_ =	shalt  }
0x83: {  	_ =	shalt  }
0x84: {  	_ =	shalt  }
0x85: {  	_ =	shalt  }
0x86: {  	_ =	shalt  }
0x87: {  	_ =	shalt  }
.Lfunc_end0:
.L_simem_size_0:
called_computation_lowered:
.L_overlay_start_0:
0x88: {  	s2 =	sld [smem:$0x3FD9]  }
0x89: {  	s3 =	sld [smem:$0x3FFE];
	_ =	sdelay $0x1  }
0x8a: {  	s1 =	srdreg.scid  }
0x8b: {  	s0 =	sand.u32 $0x1, s1  }
0x8c: {  	s17 =	sshll.u32 s0, $0xA;
	s2 =	sadd.s32 s3, s2  }
0x8d: {  	s2 =	sadd.s32 s2, s17  }
0x8e: {  	[smem:$0x3FB5] =	sst s2  }
0x8f: {  	_ = 	snop  }
0x90: {  	s2 =	sld [smem:$0x3FD0];
	(tm) =	ssettm $0x1  }
0x91: {  	s18 =	sld [smem:$0x3FFB];
	_ =	sdelay $0x3  }
0x92: {  	_ =	strace s18  }
0x93: {  	s3 =	sld [smem:$0x3FFC];
	_ =	sdelay $0x3  }
0x94: {  	_ =	strace s3  }
0x95: {  	s3 =	sld [smem:$0x3FFD];
	_ =	sdelay $0x3  }
0x96: {  	_ =	strace s3  }
0x97: {  	_ =	strace $0x8FFFFFFF  }
0x98: {  	s19 =	sld [smem:$0x3FDB];
	_ =	sdelay $0x1  }
0x99: {  	s4 =	simm.s32 $_scs_section_size  }
0x9a: {  	s5 =	simm.s32 $_size__tile_overlayer_lowered;
	s6 =	simm.s32 $_tile_overlayer_lowered  }
0x9b: {  	s22 =	simm.s32 $0x1BFF;
	s21 =	sshll.u32 s6, $0x1;
	s3 =	sadd.s32 s4, s19  }
0x9c: {  	s7 =	simm.s32 $0x0;
	s20 =	sshll.u32 s5, $0x1;
	s5 =	sadd.s32 s21, s3  }
0x9d: {  	[timem:s7], [sflag:s22] =	dma.local [hbm:s5], s20  }
0x9e: {  	_ =	swait.ge [sflag:s22], s20  }
0x9f: {  	s4 =	ssub.s32 $0x0, s20;
	[sflag:s22] =	ssyncset.done $0x0  }
0xa0: {  	[sflag:s22] =	ssyncadd.s32 s4;
	_ =	sdelay $0x1  }
0xa1: {  	s23 =	simm.s32 $0x1B8B  }
0xa2: {  	_ =	swait.ge [sflag:s23], $0x1  }
0xa3: {  	[sflag:s23] =	ssyncset.done $0x0  }
0xa4: {  	s25 =	simm.s32 $0x1B8E;
	s24 =	sld [smem:$0x3FFE];
	[sflag:s23] =	ssyncadd.s32 $0xFFFFFFFF  }
0xa5: {  	s26 =	simm.s32 $execute0_lowered;
	[smem:$0x3FD2] =	sst s25  }
0xa6: {  	s5 =	sshll.u32 s26, $0x1;
	_ =	strace $0x80000046;
	[dreg:$0x1] =	wrdreg $0xFFFFFFFF  }
0xa7: {  	s28 =	simm.s32 $_size_execute0_lowered;
	s3 =	sadd.s32 s3, s5;
	[dreg:$0x0] =	wrdreg $0x0  }
0xa8: {  	s5 =	sshll.u32 s28, $0x1;
	[dreg:$0x2] =	wrdreg s3  }
0xa9: {  	[dreg:$0x3] =	wrdreg s5  }
0xaa: {  	[dreg:$0x4] =	wrdreg $0xC0  }
0xab: {  	_ =	task [dreg:s7], $0x5FFFF  }
0xac: {  	[dreg:$0x1] =	wrdreg $0xFFFFFFFF  }
0xad: {  	[dreg:$0x0] =	wrdreg $0x60  }
0xae: {  	[dreg:$0x2] =	wrdreg s24  }
0xaf: {  	[dreg:$0x3] =	wrdreg s2  }
0xb0: {  	[dreg:$0x4] =	wrdreg $0x68000  }
0xb1: {  	[dreg:$0x5] =	wrdreg $0x9  }
0xb2: {  	_ =	task.clear_ibuf [dreg:s7], $0x6FFFF;
	_ =	strace $0x90000046  }
0xb3: {  	s29 =	simm.s32 $0x9;
	_ =	strace $0x80000048  }
0xb4: {  	_ =	swait.ge [sflag:s29], $0x1  }
0xb5: {  	[sflag:s29] =	ssyncadd.s32 $0xFFFFFFFF  }
0xb6: {  	_ =	strace $0x90000048  }
0xb7: {  	_ =	sfence  }
0xb8: {  	s30 =	sld [smem:$0x0];
	_ =	sdelay $0x2  }
0xb9: {  	s31 =	sshll.u32 s1, $0xD;
	s1 =	sshrl.u32 s1, $0x2  }
0xba: {  	s3 =	sand.u32 $0x4000, s31;
	s1 =	sadd.s32 s1, s30  }
0xbb: {  	s0 =	sor.u32 s3, s0;
	s1 =	sshll.u32 s1, $0x11  }
0xbc: {  	s0 =	sor.u32 s1, s0  }
0xbd: {  	s0 =	sadd.s32 $0x8F2B, s0  }
0xbe: {  	[sflag:s0] =	ssyncadd.remote.s32 $0x1  }
0xbf: {  	_ =	sfence.sel $0xFFFF  }
0xc0: {  	[dreg:$0x0] =	wrdreg $0xFFFFFFFF;
	(pc) =	sbr.abs _section_cstart, $3  }
0xc1: {  	[dreg:$0x1] =	wrdreg $0xFFFFFFFF  }
0xc2: {  	_ =	task.clear_ibuf [dreg:s7], $0x2FFFF;
	_ =	strace $0x9FFFFFFF  }
0xc3: {  	(tm) =	ssettm $0x7FFFFFFF  }
tec
execute0_lowered:
.L_overlay_start_1:
0x0: {  	(tag) =	ssettag $0x1  }
0x1: {  	s5 =	rddreg [dreg:$0x0]  }
0x2: {  	s1 =	srdreg.scid;
	s2 =	rddreg [dreg:$0x1]  }
0x3: {  	s0 =	stileid.u32;
	s3 =	rddreg [dreg:$0x2]  }
0x4: {  	s4 =	simm.s32 $0x0;
	s13 =	simm.s32 $0x7D;
	s14 =	simm.s32 $0x0  }
0x5: {  	s6 =	sand.u32 $0x1, s1;
	s28 =	sshll.u32 s0, $0x1;
	s8 =	smul.u32 $0x14000, s0  }
0x6: {  	[smem:$0x7FF] =	sst s4;
	s29 =	smul.u32 $0x50000, s0;
	s31 =	sshll.u32 s0, $0x6  }
0x7: {  	s1 =	sor.u32 s6, s28;
	s9 =	smul.u32 $0x140000, s6;
	s6 =	ssub.s32 $0x2, s6  }
0x8: {  	s7 =	smul.u32 $0x500, s1;
	s1 =	rddreg [dreg:$0x3];
	_ =	strace $0x80000047  }
0x9: {  	s10 =	sshrl.u32 s8, $0x3;
	s11 =	sshrl.u32 s6, $0x1;
	s30 =	sshrl.u32 s29, $0x2  }
0xa: {  	s8 =	sadd.s32 s8, s9;
	s10 =	sadd.s32 s10, s5;
	s11 =	ssub.s32 s6, s11  }
0xb: {  	s12 =	sadd.s32 s30, s3;
	s6 =	sor.u32 $0x1C01, s31;
	s7 =	sadd.s32 s7, s5  }
0xc: {  	s8 =	sshrl.u32 s8, $0x3;
	s9 =	smax.u32 s11, $0x1;
	s11 =	simm.s32 $0x1  }
0xd: {  	s8 =	sadd.s32 s8, s5;
	s5 =	sadd.s32 $0xEA00, s10;
	s7 =	sadd.s32 $0x4A00, s7  }
0xe: {  	s10 =	sshrl.u32 s12, $0x3;
	s12 =	simm.s32 $0x2800;
	s8 =	sadd.s32 $0x36A00, s8  }
.LBB2_1:
0xf: {  	[spmem:s10], [sflag:s6] =	dma.local [hbm:s5], $0x2800  }
0x10: {  	_ =	swait.ge [sflag:s11], $0x2800  }
0x11: {  	[sflag:s11] =	ssyncset.done $0x0  }
0x12: {  	[sflag:s11] =	ssyncadd.s32 $0xFFFFD800  }
0x13: {  	[tilespmem:s4], [sflag:$0x1] =	stream.linear.gather [hbm4b:s7+s4], $0x2800, $0x38;
	[tilespmem:$0x1A800] =	vst v63  }
0x14: {  	_ =	swait.ge [sflag:s11], $0x2800  }
0x15: {  	[sflag:s11] =	ssyncset.done $0x0  }
0x16: {  	[sflag:s11] =	ssyncadd.s32 $0xFFFFD800  }
0x17: {  	[tilespmem:s12], [sflag:$0x1] =	stream.linear.gather [hbm4b:s2+s4], $0x3E80, $0x38;
	[tilespmem:$0x1A800] =	vst v63  }
0x18: {  	_ =	swait.ge [sflag:s11], $0x3E80  }
0x19: {  	[sflag:s11] =	ssyncset.done $0x0  }
0x1a: {  	[sflag:s11] =	ssyncadd.s32 $0xFFFFC180  }
0x1b: {  	s15 =	simm.s32 $0x0;
	[bflag:$0x0] =	sbarrier.arrive $0xFFFF  }
0x1c: {  	[spmem:s3] =	stream.indirect.scatter.add.f32 [tilespmem:s12], [sflag:$0x1], $0x80, s15, s13, $0xb8;
	[tilespmem:$0x1A800] =	vst v63  }
0x1d: {  	_ =	swait.ge [sflag:s11], $0x3E80  }
0x1e: {  	s15 =	simm.s32 $0x200;
	[sflag:s11] =	ssyncset.done $0x0  }
.LBB2_2:
0x1f: {  	s16 =	sshra.s32 s15, $0x2;
	[sflag:s11] =	ssyncadd.s32 $0xFFFFC180;
	p0 =	sne.s32 s15, $0x9E00  }
0x20: {  	[spmem:s3] =	stream.indirect.scatter.add.f32 [tilespmem:s12], [sflag:$0x1], $0x80, s16, s13, $0xb8;
	[tilespmem:$0x1A800] =	vst v63  }
.Ltmp0:
0x21: {  	_ = 	snop;
	(pc) =	sbr.rel @p0 .LBB2_2-.Ltmp0, $4  }
0x22: {  	_ = 	snop  }
0x23: {  	s15 =	sadd.s32 $0x200, s15  }
0x24: {  	_ =	swait.ge [sflag:s11], $0x3E80  }
0x25: {  	[sflag:s11] =	ssyncset.done $0x0  }
0x26: {  	s14 =	sadd.s32 $0x1, s14  }
0x27: {  	[sflag:s11] =	ssyncadd.s32 $0xFFFFC180;
	p0 =	sne.s32 s14, s9  }
.Ltmp1:
0x28: {  	[bflag:$0x0] =	sbarrier.arrive $0xFFFF;
	(pc) =	sbr.rel @p0 .LBB2_1-.Ltmp1, $4  }
0x29: {  	[hbm:s8], [sflag:s6] =	dma.local [spmem:s10], $0x2800  }
0x2a: {  	_ =	swait.ge [sflag:s11], $0x2800  }
0x2b: {  	[sflag:s11] =	ssyncset.done $0x0  }
0x2c: {  	[sflag:s11] =	ssyncadd.s32 $0xFFFFD800  }
0x2d: {  	_ =	sfence.sel $0x180000  }
0x2e: {  	[bflag:$0x0] =	sbarrier.arrive $0xFFFF  }
0x2f: {  	p0 =	sne.s32 s0, $0x0;
	_ =	strace $0x90000047  }
0x30: {  	s0 =	sadd.s32 @!p0 $0x100000, s1;
	[bflag:$0x2] =	sbarrier.arrive $0xFFFF  }
0x31: {  	[sflag:s0] =	ssyncadd.tile.s32 @!p0 $0x1;
	_ =	shalt  }
.Lfunc_end2:
_tile_overlayer_lowered:
.L_overlay_start_2:
0x32: {  	(tag) =	ssettag $0x2  }
0x33: {  	s0 =	rddreg [dreg:$0x0];
	s2 =	stileid.u32  }
0x34: {  	s1 =	rddreg [dreg:$0x1];
	p0 =	sne.s32 s2, $0x0  }
0x35: {  	s3 =	rddreg [dreg:$0x2];
	[bflag:$0x3] =	sbarrier.arrive $0xFFFF;
	s2 =	simm.s32 @!p0 $0x1C01  }
0x36: {  	[timem:s3], [sflag:s2] =	dma.local @!p0 [hbm:s0], s1  }
0x37: {  	s0 =	simm.s32 @!p0 $0x1  }
0x38: {  	_ =	swait.ge @!p0 [sflag:s0], s1  }
0x39: {  	s1 =	ssub.s32 @!p0 $0x0, s1;
	[sflag:s0] =	ssyncset.done @!p0 $0x0  }
0x3a: {  	[sflag:s0] =	ssyncadd.s32 @!p0 s1  }
0x3b: {  	[bflag:$0x3] =	sbarrier.arrive $0xFFFF  }
0x3c: {  	_ =	shalt  }

// kernel: kernel.15.cloned.1.call-start
scs
__scs_entry_jumppad:
0x0: {  	(pc) =	sbr.rel $0x88, $3  }
0x1: {  	(tag) =	ssettag $0x0;
	lr =	simm.s32 $0x1  }
0x2: {  	[smem:$0x3F8E] =	sst lr;
	_ =	strace $0xD0000000  }
0x3: {  	_ = 	snop  }
0x4: {  	_ = 	snop  }
0x5: {  	_ = 	snop  }
0x6: {  	_ = 	snop  }
0x7: {  	_ = 	snop  }
__scs_overlays_trampoline_lowered:
0x8: {  	[smem:$0x3F9D] =	sst s0  }
0x9: {  	[smem:$0x3F9E] =	sst s1  }
0xa: {  	[smem:$0x3F9F] =	sst s2  }
0xb: {  	[smem:$0x3FA0] =	sst s3  }
0xc: {  	[smem:$0x3FA1] =	sst s4  }
0xd: {  	[smem:$0x3FA2] =	sst s5  }
0xe: {  	[smem:$0x3FA3] =	sst s6  }
0xf: {  	[smem:$0x3FA4] =	sst s7  }
0x10: {  	[smem:$0x3FA5] =	sst s8  }
0x11: {  	[smem:$0x3FA6] =	sst s9;
	s0 =	simm.s32 @!p0 $0x0  }
0x12: {  	s1 =	sld [smem:$0x3F8C];
	s0 =	simm.s32 @p0 $0x1  }
0x13: {  	[smem:$0x3FA7] =	sst s0;
	s0 =	simm.s32 @!p1 $0x0  }
0x14: {  	s2 =	sld [smem:$0x3F8B];
	s0 =	simm.s32 @p1 $0x1  }
0x15: {  	[smem:$0x3FA8] =	sst s0;
	s0 =	simm.s32 @!p2 $0x0  }
0x16: {  	s3 =	sld [smem:$0x3FDB];
	s0 =	simm.s32 @p2 $0x1  }
0x17: {  	s4 =	simm.s32 $0x1BF5;
	[smem:$0x3FAA] =	sst s0  }
0x18: {  	s0 =	sld [smem:$0x3F8D];
	_ =	swait.ge [sflag:s4], $0x0  }
0x19: {  	s7 =	sld [smem:$0x3F8E]  }
0x1a: {  	s8 =	sadd.s32 $0xFFFFE003, lr  }
0x1b: {  	s9 =	sadd.s32 $0xFFFFFEF7, lr;
	s5 =	simm.s32 $0xFFFFFFFF;
	p2 =	slt.u32 s8, $0xFFFFF086  }
0x1c: {  	p1 =	slt.u32 s9, $0xF7A;
	s5 =	simm.s32 @!p2 $0x0  }
0x1d: {  	s5 =	simm.s32 @p1 $0x1;
	p0 =	seq.s32 s7, s2  }
0x1e: {  	s7 =	smul.u32 @!p0 $0xF7A, s2;
	p2 =	seq.s32 @!p0 s5, $0x0  }
0x1f: {  	s9 =	smul.u32 $0xF7A, s1;
	s8 =	simm.s32 @!p0 $0x1BF5;
	p2 =	por !p2, p0  }
0x20: {  	[sflag:s8] =	ssyncset.s32 @!p0 $0xFFFFF086;
	s6 =	sadd.s32 @!p0 s3, s7;
	s7 =	simm.s32 @!p0 $0x108  }
0x21: {  	s3 =	sadd.s32 s3, s9;
	s6 =	sadd.s32 @!p0 $0x88, s6;
	s7 =	simm.s32 @p2 $0x1082  }
0x22: {  	[simem:s7], [sflag:s8] =	dma.local @!p0 [hbm:s6], $0xF7A  }
0x23: {  	s9 =	sor.u32 $0xD0000000, s2;
	s6 =	simm.s32 $0x108;
	_ =	swait.ge @!p0 [sflag:s8], $0x0  }
0x24: {  	s3 =	sadd.s32 $0x88, s3;
	s6 =	simm.s32 @!p1 $0x1082;
	[sflag:s4] =	ssyncset.s32 $0xFFFFF086  }
0x25: {  	[simem:s6], [sflag:s4] =	dma.local [hbm:s3], $0xF7A  }
0x26: {  	[smem:$0x3F8E] =	sst s1;
	(tag) =	ssettag s2;
	_ =	strace s9  }
0x27: {  	s1 =	sld [smem:$0x3F9E]  }
0x28: {  	s2 =	sld [smem:$0x3F9F]  }
0x29: {  	s4 =	sld [smem:$0x3FA1]  }
0x2a: {  	p0 =	seq.s32 s5, $0x0;
	s5 =	sld [smem:$0x3FA2]  }
0x2b: {  	s6 =	sld [smem:$0x3FA3]  }
0x2c: {  	s7 =	sld [smem:$0x3FA4]  }
0x2d: {  	s3 =	simm.s32 $0x108;
	s8 =	sld [smem:$0x3FA5]  }
0x2e: {  	s3 =	simm.s32 @!p0 $0x1082;
	s9 =	sld [smem:$0x3FA6]  }
0x2f: {  	lr =	sadd.s32 s0, s3;
	s0 =	sld [smem:$0x3F9D]  }
0x30: {  	s3 =	sld [smem:$0x3FA0]  }
0x31: {  	[smem:$0x3FA9] =	sst s10  }
0x32: {  	s10 =	sld [smem:$0x3FA7];
	_ =	sdelay $0x3  }
0x33: {  	p0 =	seq.s32 s10, $0x1;
	s10 =	sld [smem:$0x3FA9];
	_ =	sdelay $0x3  }
0x34: {  	[smem:$0x3FA9] =	sst s10  }
0x35: {  	s10 =	sld [smem:$0x3FA8];
	_ =	sdelay $0x3  }
0x36: {  	p1 =	seq.s32 s10, $0x1;
	s10 =	sld [smem:$0x3FA9];
	_ =	sdelay $0x3  }
0x37: {  	[smem:$0x3FA9] =	sst s10  }
0x38: {  	s10 =	sld [smem:$0x3FAA]  }
0x39: {  	_ = 	snop;
	(pc) =	sbr.ind lr, $3  }
0x3a: {  	_ = 	snop  }
0x3b: {  	_ = 	snop  }
0x3c: {  	p2 =	seq.s32 s10, $0x1;
	s10 =	sld [smem:$0x3FA9]  }
0x3d: {  	_ =	shalt  }
0x3e: {  	_ =	shalt  }
0x3f: {  	_ =	shalt  }
0x40: {  	_ =	shalt  }
0x41: {  	_ =	shalt  }
0x42: {  	_ =	shalt  }
0x43: {  	_ =	shalt  }
0x44: {  	_ =	shalt  }
0x45: {  	_ =	shalt  }
0x46: {  	_ =	shalt  }
0x47: {  	_ =	shalt  }
0x48: {  	_ =	shalt  }
0x49: {  	_ =	shalt  }
0x4a: {  	_ =	shalt  }
0x4b: {  	_ =	shalt  }
0x4c: {  	_ =	shalt  }
0x4d: {  	_ =	shalt  }
0x4e: {  	_ =	shalt  }
0x4f: {  	_ =	shalt  }
0x50: {  	_ =	shalt  }
0x51: {  	_ =	shalt  }
0x52: {  	_ =	shalt  }
0x53: {  	_ =	shalt  }
0x54: {  	_ =	shalt  }
0x55: {  	_ =	shalt  }
0x56: {  	_ =	shalt  }
0x57: {  	_ =	shalt  }
0x58: {  	_ =	shalt  }
0x59: {  	_ =	shalt  }
0x5a: {  	_ =	shalt  }
0x5b: {  	_ =	shalt  }
0x5c: {  	_ =	shalt  }
0x5d: {  	_ =	shalt  }
0x5e: {  	_ =	shalt  }
0x5f: {  	_ =	shalt  }
0x60: {  	_ =	shalt  }
0x61: {  	_ =	shalt  }
0x62: {  	_ =	shalt  }
0x63: {  	_ =	shalt  }
0x64: {  	_ =	shalt  }
0x65: {  	_ =	shalt  }
0x66: {  	_ =	shalt  }
0x67: {  	_ =	shalt  }
0x68: {  	_ =	shalt  }
0x69: {  	_ =	shalt  }
0x6a: {  	_ =	shalt  }
0x6b: {  	_ =	shalt  }
0x6c: {  	_ =	shalt  }
0x6d: {  	_ =	shalt  }
0x6e: {  	_ =	shalt  }
0x6f: {  	_ =	shalt  }
0x70: {  	_ =	shalt  }
0x71: {  	_ =	shalt  }
0x72: {  	_ =	shalt  }
0x73: {  	_ =	shalt  }
0x74: {  	_ =	shalt  }
0x75: {  	_ =	shalt  }
0x76: {  	_ =	shalt  }
0x77: {  	_ =	shalt  }
0x78: {  	_ =	shalt  }
0x79: {  	_ =	shalt  }
0x7a: {  	_ =	shalt  }
0x7b: {  	_ =	shalt  }
0x7c: {  	_ =	shalt  }
0x7d: {  	_ =	shalt  }
0x7e: {  	_ =	shalt  }
0x7f: {  	_ =	shalt  }
0x80: {  	_ =	shalt  }
0x81: {  	_ =	shalt  }
0x82: {  	_ =	shalt  }
0x83: {  	_ =	shalt  }
0x84: {  	_ =	shalt  }
0x85: {  	_ =	shalt  }
0x86: {  	_ =	shalt  }
0x87: {  	_ =	shalt  }
.Lfunc_end0:
.L_simem_size_0:
called_computation.1_lowered:
.L_overlay_start_0:
0x88: {  	s2 =	sld [smem:$0x3FD9]  }
0x89: {  	s3 =	sld [smem:$0x3FFE];
	_ =	sdelay $0x1  }
0x8a: {  	s1 =	srdreg.scid  }
0x8b: {  	s0 =	sand.u32 $0x1, s1  }
0x8c: {  	s16 =	sshll.u32 s0, $0xA;
	s2 =	sadd.s32 s3, s2  }
0x8d: {  	s2 =	sadd.s32 s2, s16  }
0x8e: {  	[smem:$0x3FB5] =	sst s2  }
0x8f: {  	_ = 	snop  }
0x90: {  	(tm) =	ssettm $0x1  }
0x91: {  	s17 =	sld [smem:$0x3FFB];
	_ =	sdelay $0x3  }
0x92: {  	_ =	strace s17  }
0x93: {  	s2 =	sld [smem:$0x3FFC];
	_ =	sdelay $0x3  }
0x94: {  	_ =	strace s2  }
0x95: {  	s2 =	sld [smem:$0x3FFD];
	_ =	sdelay $0x3  }
0x96: {  	_ =	strace s2  }
0x97: {  	_ =	strace $0x8FFFFFFF  }
0x98: {  	s18 =	sld [smem:$0x3FDB];
	_ =	sdelay $0x1  }
0x99: {  	s19 =	simm.s32 $_scs_section_size  }
0x9a: {  	s4 =	simm.s32 $_size__tile_overlayer_lowered;
	s5 =	simm.s32 $_tile_overlayer_lowered  }
0x9b: {  	s22 =	simm.s32 $0x1BFF;
	s21 =	sshll.u32 s5, $0x1;
	s2 =	sadd.s32 s19, s18  }
0x9c: {  	s6 =	simm.s32 $0x0;
	s20 =	sshll.u32 s4, $0x1;
	s4 =	sadd.s32 s21, s2  }
0x9d: {  	[timem:s6], [sflag:s22] =	dma.local [hbm:s4], s20  }
0x9e: {  	_ =	swait.ge [sflag:s22], s20  }
0x9f: {  	s3 =	ssub.s32 $0x0, s20;
	[sflag:s22] =	ssyncset.done $0x0  }
0xa0: {  	[sflag:s22] =	ssyncadd.s32 s3;
	_ =	sdelay $0x1  }
0xa1: {  	s23 =	simm.s32 $0x1B8B  }
0xa2: {  	_ =	swait.ge [sflag:s23], $0x1  }
0xa3: {  	[sflag:s23] =	ssyncset.done $0x0  }
0xa4: {  	s25 =	simm.s32 $0x1B8E;
	s24 =	sld [smem:$0x3FFE];
	[sflag:s23] =	ssyncadd.s32 $0xFFFFFFFF  }
0xa5: {  	s26 =	simm.s32 $execute0_lowered;
	[smem:$0x3FD2] =	sst s25  }
0xa6: {  	s4 =	sshll.u32 s26, $0x1;
	_ =	strace $0x80000049;
	[dreg:$0x1] =	wrdreg $0xFFFFFFFF  }
0xa7: {  	s28 =	simm.s32 $_size_execute0_lowered;
	s2 =	sadd.s32 s2, s4;
	[dreg:$0x0] =	wrdreg $0x0  }
0xa8: {  	s4 =	sshll.u32 s28, $0x1;
	[dreg:$0x2] =	wrdreg s2  }
0xa9: {  	[dreg:$0x3] =	wrdreg s4  }
0xaa: {  	[dreg:$0x4] =	wrdreg $0xC0  }
0xab: {  	_ =	task [dreg:s6], $0x5FFFF  }
0xac: {  	[dreg:$0x1] =	wrdreg $0xFFFFFFFF  }
0xad: {  	[dreg:$0x0] =	wrdreg $0x60  }
0xae: {  	[dreg:$0x2] =	wrdreg s24  }
0xaf: {  	[dreg:$0x3] =	wrdreg $0xA8000  }
0xb0: {  	[dreg:$0x4] =	wrdreg $0x9  }
0xb1: {  	_ =	task.clear_ibuf [dreg:s6], $0x5FFFF;
	_ =	strace $0x90000049  }
0xb2: {  	s29 =	simm.s32 $0x9;
	_ =	strace $0x8000004B  }
0xb3: {  	_ =	swait.ge [sflag:s29], $0x1  }
0xb4: {  	[sflag:s29] =	ssyncadd.s32 $0xFFFFFFFF  }
0xb5: {  	_ =	strace $0x9000004B  }
0xb6: {  	_ =	sfence  }
0xb7: {  	s30 =	sld [smem:$0x0];
	_ =	sdelay $0x2  }
0xb8: {  	s31 =	sshll.u32 s1, $0xD;
	s1 =	sshrl.u32 s1, $0x2  }
0xb9: {  	s3 =	sand.u32 $0x4000, s31;
	s1 =	sadd.s32 s1, s30  }
0xba: {  	s0 =	sor.u32 s3, s0;
	s1 =	sshll.u32 s1, $0x11  }
0xbb: {  	s0 =	sor.u32 s1, s0  }
0xbc: {  	s0 =	sadd.s32 $0x8F2B, s0  }
0xbd: {  	[sflag:s0] =	ssyncadd.remote.s32 $0x1  }
0xbe: {  	_ =	sfence.sel $0xFFFF  }
0xbf: {  	[dreg:$0x0] =	wrdreg $0xFFFFFFFF;
	(pc) =	sbr.abs _section_cstart, $3  }
0xc0: {  	[dreg:$0x1] =	wrdreg $0xFFFFFFFF  }
0xc1: {  	_ =	task.clear_ibuf [dreg:s6], $0x2FFFF;
	_ =	strace $0x9FFFFFFF  }
0xc2: {  	(tm) =	ssettm $0x7FFFFFFF  }
0xc3: {  	_ =	shalt  }
tec
execute0_lowered:
.L_overlay_start_1:
0x0: {  	(tag) =	ssettag $0x1  }
0x1: {  	s5 =	rddreg [dreg:$0x0]  }
0x2: {  	s2 =	rddreg [dreg:$0x1]  }
0x3: {  	s0 =	rddreg [dreg:$0x2];
	s3 =	simm.s32 $0x0  }
0x4: {  	s1 =	stileid.u32;
	s4 =	srdreg.scid;
	s16 =	simm.s32 $0x7D  }
0x5: {  	s17 =	simm.s32 $0x2800;
	s18 =	simm.s32 $0x80;
	s19 =	simm.s32 $0x6800  }
0x6: {  	s20 =	simm.s32 $0x1;
	s21 =	simm.s32 $0x2;
	s22 =	simm.s32 $0x1480  }
0x7: {  	s23 =	simm.s32 $0x3;
	s24 =	simm.s32 $0x4;
	s25 =	simm.s32 $0x0  }
0x8: {  	[smem:$0x7FF] =	sst s3;
	s6 =	smul.u32 $0x14000, s1;
	s7 =	sand.u32 $0x1, s4  }
0x9: {  	s4 =	sadd.s32 $0x90A00, s5;
	s10 =	sadd.s32 $0x86A00, s5;
	s11 =	sadd.s32 $0x4A00, s5  }
0xa: {  	s26 =	smul.u32 $0x50000, s1;
	s12 =	sshll.u32 s1, $0x1;
	s30 =	sshll.u32 s1, $0x6  }
0xb: {  	_ =	strace $0x8000004A;
	s9 =	smul.u32 $0x140000, s7;
	s13 =	ssub.s32 $0x2, s7  }
0xc: {  	s7 =	sor.u32 s7, s12;
	s8 =	sshrl.u32 s6, $0x3;
	s28 =	sshrl.u32 s13, $0x1  }
0xd: {  	s7 =	smul.u32 $0x2800, s7;
	s8 =	sadd.s32 s8, s5;
	s6 =	sadd.s32 s6, s9  }
0xe: {  	s9 =	sshrl.u32 s26, $0x2;
	s12 =	ssub.s32 s13, s28;
	s6 =	sshrl.u32 s6, $0x3  }
0xf: {  	s29 =	sadd.s32 s9, s2;
	s31 =	sshrl.u32 s7, $0x3;
	s12 =	smax.u32 s12, $0x1  }
0x10: {  	s14 =	sadd.s32 s6, s5;
	s5 =	sadd.s32 $0xEA00, s8;
	s6 =	sor.u32 $0x1C05, s30  }
0x11: {  	s7 =	sadd.s32 s10, s31;
	s15 =	sadd.s32 $0x280, s31;
	s8 =	sadd.s32 s11, s31  }
0x12: {  	s13 =	sshrl.u32 s29, $0x3;
	s9 =	sadd.s32 s10, s15;
	s10 =	sadd.s32 s11, s15  }
0x13: {  	s11 =	sadd.s32 $0xB7C00, s14;
	s14 =	simm.s32 $0x5;
	s15 =	simm.s32 $0x1400  }
.LBB2_1:
0x14: {  	[spmem:s13], [sflag:s6] =	dma.local [hbm:s5], $0x2800  }
0x15: {  	_ =	swait.ge [sflag:s14], $0x2800  }
0x16: {  	[sflag:s14] =	ssyncset.done $0x0  }
0x17: {  	[sflag:s14] =	ssyncadd.s32 $0xFFFFD800  }
0x18: {  	[bflag:$0x0] =	sbarrier.arrive $0xFFFF  }
0x19: {  	[tilespmem:s3], [sflag:$0x5] =	stream.linear.gather [hbm4b:s7+s3], $0x1400, $0x38;
	[tilespmem:$0x1E800] =	vst v63  }
0x1a: {  	_ =	swait.ge [sflag:s14], $0x1400  }
0x1b: {  	[sflag:s14] =	ssyncset.done $0x0  }
0x1c: {  	[sflag:s14] =	ssyncadd.s32 $0xFFFFEC00  }
0x1d: {  	[tilespmem:s15], [sflag:$0x5] =	stream.linear.gather [hbm4b:s8+s3], $0x1400, $0x38;
	[tilespmem:$0x1E800] =	vst v63  }
0x1e: {  	_ =	swait.ge [sflag:s14], $0x1400  }
0x1f: {  	[sflag:s14] =	ssyncset.done $0x0  }
0x20: {  	[sflag:s14] =	ssyncadd.s32 $0xFFFFEC00  }
0x21: {  	[tilespmem:s17], [sflag:$0x1] =	stream.indirect.gather [hbm4b:s4+s16], $0x80, s3, s16, $0xb8;
	[tilespmem:$0x1E800] =	vst v63  }
0x22: {  	_ = 	snop  }
0x23: {  	[tilespmem:s19], [sflag:$0x2] =	stream.indirect.gather [hbm4b:s4+s16], $0x80, s18, s16, $0xb8;
	[tilespmem:$0x1E800] =	vst v63  }
0x24: {  	_ =	swait.ge [sflag:s20], $0x3E80  }
0x25: {  	[sflag:s20] =	ssyncset.done $0x0  }
0x26: {  	[sflag:s20] =	ssyncadd.s32 $0xFFFFC180  }
0x27: {  	[spmem:s2] =	stream.indirect.scatter.add.f32 [tilespmem:s17], [sflag:$0x3], $0x80, s15, s16, $0xb8;
	[tilespmem:$0x1E800] =	vst v63  }
0x28: {  	_ =	swait.ge [sflag:s21], $0x3E80  }
0x29: {  	[sflag:s21] =	ssyncset.done $0x0  }
0x2a: {  	[sflag:s21] =	ssyncadd.s32 $0xFFFFC180  }
0x2b: {  	[spmem:s2] =	stream.indirect.scatter.add.f32 [tilespmem:s19], [sflag:$0x4], $0x80, s22, s16, $0xb8;
	[tilespmem:$0x1E800] =	vst v63  }
0x2c: {  	_ =	swait.ge [sflag:s23], $0x3E80  }
0x2d: {  	[sflag:s23] =	ssyncset.done $0x0  }
0x2e: {  	[sflag:s23] =	ssyncadd.s32 $0xFFFFC180  }
0x2f: {  	_ =	swait.ge [sflag:s24], $0x3E80  }
0x30: {  	[sflag:s24] =	ssyncset.done $0x0  }
0x31: {  	s26 =	simm.s32 $0x100;
	[sflag:s24] =	ssyncadd.s32 $0xFFFFC180  }
0x32: {  	[tilespmem:s17], [sflag:$0x1] =	stream.indirect.gather [hbm4b:s4+s16], $0x80, s26, s16, $0xb8;
	[tilespmem:$0x1E800] =	vst v63  }
0x33: {  	s30 =	simm.s32 $0x180  }
0x34: {  	[tilespmem:s19], [sflag:$0x2] =	stream.indirect.gather [hbm4b:s4+s16], $0x80, s30, s16, $0xb8;
	[tilespmem:$0x1E800] =	vst v63  }
0x35: {  	_ =	swait.ge [sflag:s20], $0x3E80  }
0x36: {  	[sflag:s20] =	ssyncset.done $0x0  }
0x37: {  	s31 =	simm.s32 $0x1500;
	[sflag:s20] =	ssyncadd.s32 $0xFFFFC180  }
0x38: {  	[spmem:s2] =	stream.indirect.scatter.add.f32 [tilespmem:s17], [sflag:$0x3], $0x80, s31, s16, $0xb8;
	[tilespmem:$0x1E800] =	vst v63  }
0x39: {  	_ =	swait.ge [sflag:s21], $0x3E80  }
0x3a: {  	[sflag:s21] =	ssyncset.done $0x0  }
0x3b: {  	s28 =	simm.s32 $0x1580;
	s26 =	simm.s32 $0xFFFFB800;
	[sflag:s21] =	ssyncadd.s32 $0xFFFFC180  }
.LBB2_2:
0x3c: {  	[spmem:s2] =	stream.indirect.scatter.add.f32 [tilespmem:s19], [sflag:$0x4], $0x80, s28, s16, $0xb8;
	[tilespmem:$0x1E800] =	vst v63  }
0x3d: {  	s28 =	smov.u32 s26  }
0x3e: {  	p0 =	sne.s32 s26, $0xFFFFFC00;
	s26 =	sadd.s32 $0x400, s26;
	_ =	swait.ge [sflag:s23], $0x3E80  }
0x3f: {  	[sflag:s23] =	ssyncset.done $0x0  }
0x40: {  	[sflag:s23] =	ssyncadd.s32 $0xFFFFC180  }
0x41: {  	_ =	swait.ge [sflag:s24], $0x3E80  }
0x42: {  	s28 =	sshra.s32 s28, $0x2;
	[sflag:s24] =	ssyncset.done $0x0  }
0x43: {  	s29 =	sadd.s32 $0x1400, s28;
	[sflag:s24] =	ssyncadd.s32 $0xFFFFC180  }
0x44: {  	[tilespmem:s17], [sflag:$0x1] =	stream.indirect.gather [hbm4b:s4+s16], $0x80, s29, s16, $0xb8;
	[tilespmem:$0x1E800] =	vst v63  }
0x45: {  	s29 =	sadd.s32 $0x1480, s28  }
0x46: {  	[tilespmem:s19], [sflag:$0x2] =	stream.indirect.gather [hbm4b:s4+s16], $0x80, s29, s16, $0xb8;
	[tilespmem:$0x1E800] =	vst v63  }
0x47: {  	_ =	swait.ge [sflag:s20], $0x3E80  }
0x48: {  	[sflag:s20] =	ssyncset.done $0x0  }
.Ltmp0:
0x49: {  	s29 =	sadd.s32 $0x2800, s28;
	[sflag:s20] =	ssyncadd.s32 $0xFFFFC180;
	(pc) =	sbr.rel @p0 .LBB2_2-.Ltmp0, $4  }
0x4a: {  	[spmem:s2] =	stream.indirect.scatter.add.f32 [tilespmem:s17], [sflag:$0x3], $0x80, s29, s16, $0xb8;
	[tilespmem:$0x1E800] =	vst v63  }
0x4b: {  	_ =	swait.ge [sflag:s21], $0x3E80  }
0x4c: {  	[sflag:s21] =	ssyncset.done $0x0  }
0x4d: {  	s28 =	sadd.s32 $0x2880, s28;
	[sflag:s21] =	ssyncadd.s32 $0xFFFFC180  }
0x4e: {  	[spmem:s2] =	stream.indirect.scatter.add.f32 [tilespmem:s19], [sflag:$0x4], $0x80, s28, s16, $0xb8;
	[tilespmem:$0x1E800] =	vst v63  }
0x4f: {  	_ =	swait.ge [sflag:s23], $0x3E80  }
0x50: {  	[sflag:s23] =	ssyncset.done $0x0  }
0x51: {  	[sflag:s23] =	ssyncadd.s32 $0xFFFFC180  }
0x52: {  	_ =	swait.ge [sflag:s24], $0x3E80  }
0x53: {  	[sflag:s24] =	ssyncset.done $0x0  }
0x54: {  	[sflag:s24] =	ssyncadd.s32 $0xFFFFC180  }
0x55: {  	[tilespmem:s3], [sflag:$0x5] =	stream.linear.gather [hbm4b:s9+s3], $0x1400, $0x38;
	[tilespmem:$0x1E800] =	vst v63  }
0x56: {  	_ =	swait.ge [sflag:s14], $0x1400  }
0x57: {  	[sflag:s14] =	ssyncset.done $0x0  }
0x58: {  	[sflag:s14] =	ssyncadd.s32 $0xFFFFEC00  }
0x59: {  	[tilespmem:s15], [sflag:$0x5] =	stream.linear.gather [hbm4b:s10+s3], $0x1400, $0x38;
	[tilespmem:$0x1E800] =	vst v63  }
0x5a: {  	_ =	swait.ge [sflag:s14], $0x1400  }
0x5b: {  	[sflag:s14] =	ssyncset.done $0x0  }
0x5c: {  	[sflag:s14] =	ssyncadd.s32 $0xFFFFEC00  }
0x5d: {  	[tilespmem:s17], [sflag:$0x1] =	stream.indirect.gather [hbm4b:s4+s16], $0x80, s3, s16, $0xb8;
	[tilespmem:$0x1E800] =	vst v63  }
0x5e: {  	_ = 	snop  }
0x5f: {  	[tilespmem:s19], [sflag:$0x2] =	stream.indirect.gather [hbm4b:s4+s16], $0x80, s18, s16, $0xb8;
	[tilespmem:$0x1E800] =	vst v63  }
0x60: {  	_ =	swait.ge [sflag:s20], $0x3E80  }
0x61: {  	[sflag:s20] =	ssyncset.done $0x0  }
0x62: {  	[sflag:s20] =	ssyncadd.s32 $0xFFFFC180  }
0x63: {  	[spmem:s2] =	stream.indirect.scatter.add.f32 [tilespmem:s17], [sflag:$0x3], $0x80, s15, s16, $0xb8;
	[tilespmem:$0x1E800] =	vst v63  }
0x64: {  	_ =	swait.ge [sflag:s21], $0x3E80  }
0x65: {  	[sflag:s21] =	ssyncset.done $0x0  }
0x66: {  	[sflag:s21] =	ssyncadd.s32 $0xFFFFC180  }
0x67: {  	[spmem:s2] =	stream.indirect.scatter.add.f32 [tilespmem:s19], [sflag:$0x4], $0x80, s22, s16, $0xb8;
	[tilespmem:$0x1E800] =	vst v63  }
0x68: {  	_ =	swait.ge [sflag:s23], $0x3E80  }
0x69: {  	[sflag:s23] =	ssyncset.done $0x0  }
0x6a: {  	[sflag:s23] =	ssyncadd.s32 $0xFFFFC180  }
0x6b: {  	_ =	swait.ge [sflag:s24], $0x3E80  }
0x6c: {  	[sflag:s24] =	ssyncset.done $0x0  }
0x6d: {  	s26 =	simm.s32 $0x100;
	[sflag:s24] =	ssyncadd.s32 $0xFFFFC180  }
0x6e: {  	[tilespmem:s17], [sflag:$0x1] =	stream.indirect.gather [hbm4b:s4+s16], $0x80, s26, s16, $0xb8;
	[tilespmem:$0x1E800] =	vst v63  }
0x6f: {  	s30 =	simm.s32 $0x180  }
0x70: {  	[tilespmem:s19], [sflag:$0x2] =	stream.indirect.gather [hbm4b:s4+s16], $0x80, s30, s16, $0xb8;
	[tilespmem:$0x1E800] =	vst v63  }
0x71: {  	_ =	swait.ge [sflag:s20], $0x3E80  }
0x72: {  	[sflag:s20] =	ssyncset.done $0x0  }
0x73: {  	s31 =	simm.s32 $0x1500;
	[sflag:s20] =	ssyncadd.s32 $0xFFFFC180  }
0x74: {  	[spmem:s2] =	stream.indirect.scatter.add.f32 [tilespmem:s17], [sflag:$0x3], $0x80, s31, s16, $0xb8;
	[tilespmem:$0x1E800] =	vst v63  }
0x75: {  	_ =	swait.ge [sflag:s21], $0x3E80  }
0x76: {  	[sflag:s21] =	ssyncset.done $0x0  }
0x77: {  	s28 =	simm.s32 $0x1580;
	s26 =	simm.s32 $0xFFFFB800;
	[sflag:s21] =	ssyncadd.s32 $0xFFFFC180  }
.LBB2_4:
0x78: {  	[spmem:s2] =	stream.indirect.scatter.add.f32 [tilespmem:s19], [sflag:$0x4], $0x80, s28, s16, $0xb8;
	[tilespmem:$0x1E800] =	vst v63  }
0x79: {  	s28 =	smov.u32 s26  }
0x7a: {  	p0 =	sne.s32 s26, $0xFFFFFC00;
	s26 =	sadd.s32 $0x400, s26;
	_ =	swait.ge [sflag:s23], $0x3E80  }
0x7b: {  	[sflag:s23] =	ssyncset.done $0x0  }
0x7c: {  	[sflag:s23] =	ssyncadd.s32 $0xFFFFC180  }
0x7d: {  	_ =	swait.ge [sflag:s24], $0x3E80  }
0x7e: {  	s28 =	sshra.s32 s28, $0x2;
	[sflag:s24] =	ssyncset.done $0x0  }
0x7f: {  	s29 =	sadd.s32 $0x1400, s28;
	[sflag:s24] =	ssyncadd.s32 $0xFFFFC180  }
0x80: {  	[tilespmem:s17], [sflag:$0x1] =	stream.indirect.gather [hbm4b:s4+s16], $0x80, s29, s16, $0xb8;
	[tilespmem:$0x1E800] =	vst v63  }
0x81: {  	s29 =	sadd.s32 $0x1480, s28  }
0x82: {  	[tilespmem:s19], [sflag:$0x2] =	stream.indirect.gather [hbm4b:s4+s16], $0x80, s29, s16, $0xb8;
	[tilespmem:$0x1E800] =	vst v63  }
0x83: {  	_ =	swait.ge [sflag:s20], $0x3E80  }
0x84: {  	[sflag:s20] =	ssyncset.done $0x0  }
.Ltmp1:
0x85: {  	s29 =	sadd.s32 $0x2800, s28;
	[sflag:s20] =	ssyncadd.s32 $0xFFFFC180;
	(pc) =	sbr.rel @p0 .LBB2_4-.Ltmp1, $4  }
0x86: {  	[spmem:s2] =	stream.indirect.scatter.add.f32 [tilespmem:s17], [sflag:$0x3], $0x80, s29, s16, $0xb8;
	[tilespmem:$0x1E800] =	vst v63  }
0x87: {  	_ =	swait.ge [sflag:s21], $0x3E80  }
0x88: {  	[sflag:s21] =	ssyncset.done $0x0  }
0x89: {  	s28 =	sadd.s32 $0x2880, s28;
	[sflag:s21] =	ssyncadd.s32 $0xFFFFC180  }
0x8a: {  	[spmem:s2] =	stream.indirect.scatter.add.f32 [tilespmem:s19], [sflag:$0x4], $0x80, s28, s16, $0xb8;
	[tilespmem:$0x1E800] =	vst v63  }
0x8b: {  	_ =	swait.ge [sflag:s23], $0x3E80  }
0x8c: {  	[sflag:s23] =	ssyncset.done $0x0  }
0x8d: {  	[sflag:s23] =	ssyncadd.s32 $0xFFFFC180  }
0x8e: {  	_ =	swait.ge [sflag:s24], $0x3E80  }
0x8f: {  	s25 =	sadd.s32 $0x1, s25;
	[sflag:s24] =	ssyncset.done $0x0  }
0x90: {  	p0 =	sne.s32 s25, s12;
	[sflag:s24] =	ssyncadd.s32 $0xFFFFC180  }
.Ltmp2:
0x91: {  	[bflag:$0x0] =	sbarrier.arrive $0xFFFF;
	(pc) =	sbr.rel @p0 .LBB2_1-.Ltmp2, $4  }
0x92: {  	[hbm:s11], [sflag:s6] =	dma.local [spmem:s13], $0x2800  }
0x93: {  	_ =	swait.ge [sflag:s14], $0x2800  }
0x94: {  	[sflag:s14] =	ssyncset.done $0x0  }
0x95: {  	[sflag:s14] =	ssyncadd.s32 $0xFFFFD800  }
0x96: {  	_ =	sfence.sel $0x180000  }
0x97: {  	[bflag:$0x0] =	sbarrier.arrive $0xFFFF  }
0x98: {  	p0 =	sne.s32 s1, $0x0;
	_ =	strace $0x9000004A  }
0x99: {  	s0 =	sadd.s32 @!p0 $0x100000, s0;
	[bflag:$0x2] =	sbarrier.arrive $0xFFFF  }
0x9a: {  	[sflag:s0] =	ssyncadd.tile.s32 @!p0 $0x1;
	_ =	shalt  }
.Lfunc_end2:
_tile_overlayer_lowered:
.L_overlay_start_2:
0x9b: {  	(tag) =	ssettag $0x2  }
0x9c: {  	s0 =	rddreg [dreg:$0x0];
	s2 =	stileid.u32  }
0x9d: {  	s1 =	rddreg [dreg:$0x1];
	p0 =	sne.s32 s2, $0x0  }
0x9e: {  	s3 =	rddreg [dreg:$0x2];
	[bflag:$0x3] =	sbarrier.arrive $0xFFFF;
	s2 =	simm.s32 @!p0 $0x1C05  }
0x9f: {  	[timem:s3], [sflag:s2] =	dma.local @!p0 [hbm:s0], s1  }
0xa0: {  	s0 =	simm.s32 @!p0 $0x5  }
0xa1: {  	_ =	swait.ge @!p0 [sflag:s0], s1  }
0xa2: {  	s1 =	ssub.s32 @!p0 $0x0, s1;
	[sflag:s0] =	ssyncset.done @!p0 $0x0  }
0xa3: {  	[sflag:s0] =	ssyncadd.s32 @!p0 s1  }
0xa4: {  	[bflag:$0x3] =	sbarrier.arrive $0xFFFF  }
0xa5: {  	_ =	shalt  }

// kernel: kernel.18.cloned.1.call-start
scs
__scs_entry_jumppad:
0x0: {  	(pc) =	sbr.rel $0x88, $3  }
0x1: {  	(tag) =	ssettag $0x0;
	lr =	simm.s32 $0x1  }
0x2: {  	[smem:$0x3F8E] =	sst lr;
	_ =	strace $0xD0000000  }
0x3: {  	_ = 	snop  }
0x4: {  	_ = 	snop  }
0x5: {  	_ = 	snop  }
0x6: {  	_ = 	snop  }
0x7: {  	_ = 	snop  }
__scs_overlays_trampoline_lowered:
0x8: {  	[smem:$0x3F9D] =	sst s0  }
0x9: {  	[smem:$0x3F9E] =	sst s1  }
0xa: {  	[smem:$0x3F9F] =	sst s2  }
0xb: {  	[smem:$0x3FA0] =	sst s3  }
0xc: {  	[smem:$0x3FA1] =	sst s4  }
0xd: {  	[smem:$0x3FA2] =	sst s5  }
0xe: {  	[smem:$0x3FA3] =	sst s6  }
0xf: {  	[smem:$0x3FA4] =	sst s7  }
0x10: {  	[smem:$0x3FA5] =	sst s8  }
0x11: {  	[smem:$0x3FA6] =	sst s9;
	s0 =	simm.s32 @!p0 $0x0  }
0x12: {  	s1 =	sld [smem:$0x3F8C];
	s0 =	simm.s32 @p0 $0x1  }
0x13: {  	[smem:$0x3FA7] =	sst s0;
	s0 =	simm.s32 @!p1 $0x0  }
0x14: {  	s2 =	sld [smem:$0x3F8B];
	s0 =	simm.s32 @p1 $0x1  }
0x15: {  	[smem:$0x3FA8] =	sst s0;
	s0 =	simm.s32 @!p2 $0x0  }
0x16: {  	s3 =	sld [smem:$0x3FDB];
	s0 =	simm.s32 @p2 $0x1  }
0x17: {  	s4 =	simm.s32 $0x1BF5;
	[smem:$0x3FAA] =	sst s0  }
0x18: {  	s0 =	sld [smem:$0x3F8D];
	_ =	swait.ge [sflag:s4], $0x0  }
0x19: {  	s7 =	sld [smem:$0x3F8E]  }
0x1a: {  	s8 =	sadd.s32 $0xFFFFE003, lr  }
0x1b: {  	s9 =	sadd.s32 $0xFFFFFEF7, lr;
	s5 =	simm.s32 $0xFFFFFFFF;
	p2 =	slt.u32 s8, $0xFFFFF086  }
0x1c: {  	p1 =	slt.u32 s9, $0xF7A;
	s5 =	simm.s32 @!p2 $0x0  }
0x1d: {  	s5 =	simm.s32 @p1 $0x1;
	p0 =	seq.s32 s7, s2  }
0x1e: {  	s7 =	smul.u32 @!p0 $0xF7A, s2;
	p2 =	seq.s32 @!p0 s5, $0x0  }
0x1f: {  	s9 =	smul.u32 $0xF7A, s1;
	s8 =	simm.s32 @!p0 $0x1BF5;
	p2 =	por !p2, p0  }
0x20: {  	[sflag:s8] =	ssyncset.s32 @!p0 $0xFFFFF086;
	s6 =	sadd.s32 @!p0 s3, s7;
	s7 =	simm.s32 @!p0 $0x108  }
0x21: {  	s3 =	sadd.s32 s3, s9;
	s6 =	sadd.s32 @!p0 $0x88, s6;
	s7 =	simm.s32 @p2 $0x1082  }
0x22: {  	[simem:s7], [sflag:s8] =	dma.local @!p0 [hbm:s6], $0xF7A  }
0x23: {  	s9 =	sor.u32 $0xD0000000, s2;
	s6 =	simm.s32 $0x108;
	_ =	swait.ge @!p0 [sflag:s8], $0x0  }
0x24: {  	s3 =	sadd.s32 $0x88, s3;
	s6 =	simm.s32 @!p1 $0x1082;
	[sflag:s4] =	ssyncset.s32 $0xFFFFF086  }
0x25: {  	[simem:s6], [sflag:s4] =	dma.local [hbm:s3], $0xF7A  }
0x26: {  	[smem:$0x3F8E] =	sst s1;
	(tag) =	ssettag s2;
	_ =	strace s9  }
0x27: {  	s1 =	sld [smem:$0x3F9E]  }
0x28: {  	s2 =	sld [smem:$0x3F9F]  }
0x29: {  	s4 =	sld [smem:$0x3FA1]  }
0x2a: {  	p0 =	seq.s32 s5, $0x0;
	s5 =	sld [smem:$0x3FA2]  }
0x2b: {  	s6 =	sld [smem:$0x3FA3]  }
0x2c: {  	s7 =	sld [smem:$0x3FA4]  }
0x2d: {  	s3 =	simm.s32 $0x108;
	s8 =	sld [smem:$0x3FA5]  }
0x2e: {  	s3 =	simm.s32 @!p0 $0x1082;
	s9 =	sld [smem:$0x3FA6]  }
0x2f: {  	lr =	sadd.s32 s0, s3;
	s0 =	sld [smem:$0x3F9D]  }
0x30: {  	s3 =	sld [smem:$0x3FA0]  }
0x31: {  	[smem:$0x3FA9] =	sst s10  }
0x32: {  	s10 =	sld [smem:$0x3FA7];
	_ =	sdelay $0x3  }
0x33: {  	p0 =	seq.s32 s10, $0x1;
	s10 =	sld [smem:$0x3FA9];
	_ =	sdelay $0x3  }
0x34: {  	[smem:$0x3FA9] =	sst s10  }
0x35: {  	s10 =	sld [smem:$0x3FA8];
	_ =	sdelay $0x3  }
0x36: {  	p1 =	seq.s32 s10, $0x1;
	s10 =	sld [smem:$0x3FA9];
	_ =	sdelay $0x3  }
0x37: {  	[smem:$0x3FA9] =	sst s10  }
0x38: {  	s10 =	sld [smem:$0x3FAA]  }
0x39: {  	_ = 	snop;
	(pc) =	sbr.ind lr, $3  }
0x3a: {  	_ = 	snop  }
0x3b: {  	_ = 	snop  }
0x3c: {  	p2 =	seq.s32 s10, $0x1;
	s10 =	sld [smem:$0x3FA9]  }
0x3d: {  	_ =	shalt  }
0x3e: {  	_ =	shalt  }
0x3f: {  	_ =	shalt  }
0x40: {  	_ =	shalt  }
0x41: {  	_ =	shalt  }
0x42: {  	_ =	shalt  }
0x43: {  	_ =	shalt  }
0x44: {  	_ =	shalt  }
0x45: {  	_ =	shalt  }
0x46: {  	_ =	shalt  }
0x47: {  	_ =	shalt  }
0x48: {  	_ =	shalt  }
0x49: {  	_ =	shalt  }
0x4a: {  	_ =	shalt  }
0x4b: {  	_ =	shalt  }
0x4c: {  	_ =	shalt  }
0x4d: {  	_ =	shalt  }
0x4e: {  	_ =	shalt  }
0x4f: {  	_ =	shalt  }
0x50: {  	_ =	shalt  }
0x51: {  	_ =	shalt  }
0x52: {  	_ =	shalt  }
0x53: {  	_ =	shalt  }
0x54: {  	_ =	shalt  }
0x55: {  	_ =	shalt  }
0x56: {  	_ =	shalt  }
0x57: {  	_ =	shalt  }
0x58: {  	_ =	shalt  }
0x59: {  	_ =	shalt  }
0x5a: {  	_ =	shalt  }
0x5b: {  	_ =	shalt  }
0x5c: {  	_ =	shalt  }
0x5d: {  	_ =	shalt  }
0x5e: {  	_ =	shalt  }
0x5f: {  	_ =	shalt  }
0x60: {  	_ =	shalt  }
0x61: {  	_ =	shalt  }
0x62: {  	_ =	shalt  }
0x63: {  	_ =	shalt  }
0x64: {  	_ =	shalt  }
0x65: {  	_ =	shalt  }
0x66: {  	_ =	shalt  }
0x67: {  	_ =	shalt  }
0x68: {  	_ =	shalt  }
0x69: {  	_ =	shalt  }
0x6a: {  	_ =	shalt  }
0x6b: {  	_ =	shalt  }
0x6c: {  	_ =	shalt  }
0x6d: {  	_ =	shalt  }
0x6e: {  	_ =	shalt  }
0x6f: {  	_ =	shalt  }
0x70: {  	_ =	shalt  }
0x71: {  	_ =	shalt  }
0x72: {  	_ =	shalt  }
0x73: {  	_ =	shalt  }
0x74: {  	_ =	shalt  }
0x75: {  	_ =	shalt  }
0x76: {  	_ =	shalt  }
0x77: {  	_ =	shalt  }
0x78: {  	_ =	shalt  }
0x79: {  	_ =	shalt  }
0x7a: {  	_ =	shalt  }
0x7b: {  	_ =	shalt  }
0x7c: {  	_ =	shalt  }
0x7d: {  	_ =	shalt  }
0x7e: {  	_ =	shalt  }
0x7f: {  	_ =	shalt  }
0x80: {  	_ =	shalt  }
0x81: {  	_ =	shalt  }
0x82: {  	_ =	shalt  }
0x83: {  	_ =	shalt  }
0x84: {  	_ =	shalt  }
0x85: {  	_ =	shalt  }
0x86: {  	_ =	shalt  }
0x87: {  	_ =	shalt  }
.Lfunc_end0:
.L_simem_size_0:
called_computation.2_lowered:
.L_overlay_start_0:
0x88: {  	s2 =	sld [smem:$0x3FD9]  }
0x89: {  	s3 =	sld [smem:$0x3FFE];
	_ =	sdelay $0x1  }
0x8a: {  	s1 =	srdreg.scid  }
0x8b: {  	s0 =	sand.u32 $0x1, s1  }
0x8c: {  	s16 =	sshll.u32 s0, $0xA;
	s2 =	sadd.s32 s3, s2  }
0x8d: {  	s2 =	sadd.s32 s2, s16  }
0x8e: {  	[smem:$0x3FB5] =	sst s2  }
0x8f: {  	_ = 	snop  }
0x90: {  	(tm) =	ssettm $0x1  }
0x91: {  	s17 =	sld [smem:$0x3FFB];
	_ =	sdelay $0x3  }
0x92: {  	_ =	strace s17  }
0x93: {  	s2 =	sld [smem:$0x3FFC];
	_ =	sdelay $0x3  }
0x94: {  	_ =	strace s2  }
0x95: {  	s2 =	sld [smem:$0x3FFD];
	_ =	sdelay $0x3  }
0x96: {  	_ =	strace s2  }
0x97: {  	_ =	strace $0x8FFFFFFF  }
0x98: {  	s18 =	sld [smem:$0x3FDB];
	_ =	sdelay $0x1  }
0x99: {  	s19 =	simm.s32 $_scs_section_size  }
0x9a: {  	s4 =	simm.s32 $_size__tile_overlayer_lowered;
	s5 =	simm.s32 $_tile_overlayer_lowered  }
0x9b: {  	s22 =	simm.s32 $0x1BFF;
	s21 =	sshll.u32 s5, $0x1;
	s2 =	sadd.s32 s19, s18  }
0x9c: {  	s6 =	simm.s32 $0x0;
	s20 =	sshll.u32 s4, $0x1;
	s4 =	sadd.s32 s21, s2  }
0x9d: {  	[timem:s6], [sflag:s22] =	dma.local [hbm:s4], s20  }
0x9e: {  	_ =	swait.ge [sflag:s22], s20  }
0x9f: {  	s3 =	ssub.s32 $0x0, s20;
	[sflag:s22] =	ssyncset.done $0x0  }
0xa0: {  	[sflag:s22] =	ssyncadd.s32 s3;
	_ =	sdelay $0x1  }
0xa1: {  	s23 =	simm.s32 $0x1B8B  }
0xa2: {  	_ =	swait.ge [sflag:s23], $0x1  }
0xa3: {  	[sflag:s23] =	ssyncset.done $0x0  }
0xa4: {  	s25 =	simm.s32 $0x1B8E;
	s24 =	sld [smem:$0x3FFE];
	[sflag:s23] =	ssyncadd.s32 $0xFFFFFFFF  }
0xa5: {  	s26 =	simm.s32 $execute0_lowered;
	[smem:$0x3FD2] =	sst s25  }
0xa6: {  	s4 =	sshll.u32 s26, $0x1;
	_ =	strace $0x8000004C;
	[dreg:$0x1] =	wrdreg $0xFFFFFFFF  }
0xa7: {  	s28 =	simm.s32 $_size_execute0_lowered;
	s2 =	sadd.s32 s2, s4;
	[dreg:$0x0] =	wrdreg $0x0  }
0xa8: {  	s4 =	sshll.u32 s28, $0x1;
	[dreg:$0x2] =	wrdreg s2  }
0xa9: {  	[dreg:$0x3] =	wrdreg s4  }
0xaa: {  	[dreg:$0x4] =	wrdreg $0xC0  }
0xab: {  	_ =	task [dreg:s6], $0x5FFFF  }
0xac: {  	[dreg:$0x1] =	wrdreg $0xFFFFFFFF  }
0xad: {  	[dreg:$0x0] =	wrdreg $0x60  }
0xae: {  	[dreg:$0x2] =	wrdreg s24  }
0xaf: {  	[dreg:$0x3] =	wrdreg $0xA8000  }
0xb0: {  	[dreg:$0x4] =	wrdreg $0x9  }
0xb1: {  	_ =	task.clear_ibuf [dreg:s6], $0x5FFFF;
	_ =	strace $0x9000004C  }
0xb2: {  	s29 =	simm.s32 $0x9;
	_ =	strace $0x8000004E  }
0xb3: {  	_ =	swait.ge [sflag:s29], $0x1  }
0xb4: {  	[sflag:s29] =	ssyncadd.s32 $0xFFFFFFFF  }
0xb5: {  	_ =	strace $0x9000004E  }
0xb6: {  	_ =	sfence  }
0xb7: {  	s30 =	sld [smem:$0x0];
	_ =	sdelay $0x2  }
0xb8: {  	s31 =	sshll.u32 s1, $0xD;
	s1 =	sshrl.u32 s1, $0x2  }
0xb9: {  	s3 =	sand.u32 $0x4000, s31;
	s1 =	sadd.s32 s1, s30  }
0xba: {  	s0 =	sor.u32 s3, s0;
	s1 =	sshll.u32 s1, $0x11  }
0xbb: {  	s0 =	sor.u32 s1, s0  }
0xbc: {  	s0 =	sadd.s32 $0x8F2B, s0  }
0xbd: {  	[sflag:s0] =	ssyncadd.remote.s32 $0x1  }
0xbe: {  	_ =	sfence.sel $0xFFFF  }
0xbf: {  	[dreg:$0x0] =	wrdreg $0xFFFFFFFF;
	(pc) =	sbr.abs _section_cstart, $3  }
0xc0: {  	[dreg:$0x1] =	wrdreg $0xFFFFFFFF  }
0xc1: {  	_ =	task.clear_ibuf [dreg:s6], $0x2FFFF;
	_ =	strace $0x9FFFFFFF  }
0xc2: {  	(tm) =	ssettm $0x7FFFFFFF  }
0xc3: {  	_ =	shalt  }
tec
execute0_lowered:
.L_overlay_start_1:
0x0: {  	(tag) =	ssettag $0x1  }
0x1: {  	s5 =	rddreg [dreg:$0x0]  }
0x2: {  	s2 =	rddreg [dreg:$0x1]  }
0x3: {  	s0 =	rddreg [dreg:$0x2];
	s3 =	simm.s32 $0x0  }
0x4: {  	s1 =	stileid.u32;
	s4 =	srdreg.scid;
	s16 =	simm.s32 $0x7D  }
0x5: {  	s17 =	simm.s32 $0x2800;
	s18 =	simm.s32 $0x80;
	s19 =	simm.s32 $0x6800  }
0x6: {  	s20 =	simm.s32 $0x1;
	s21 =	simm.s32 $0x2;
	s22 =	simm.s32 $0x1480  }
0x7: {  	s23 =	simm.s32 $0x3;
	s24 =	simm.s32 $0x4;
	s25 =	simm.s32 $0x0  }
0x8: {  	[smem:$0x7FF] =	sst s3;
	s6 =	smul.u32 $0x14000, s1;
	s7 =	sand.u32 $0x1, s4  }
0x9: {  	s4 =	sadd.s32 $0x90A00, s5;
	s10 =	sadd.s32 $0x86A00, s5;
	s11 =	sadd.s32 $0x4A00, s5  }
0xa: {  	s26 =	smul.u32 $0x50000, s1;
	s12 =	sshll.u32 s1, $0x1;
	s30 =	sshll.u32 s1, $0x6  }
0xb: {  	_ =	strace $0x8000004D;
	s9 =	smul.u32 $0x140000, s7;
	s13 =	ssub.s32 $0x2, s7  }
0xc: {  	s7 =	sor.u32 s7, s12;
	s8 =	sshrl.u32 s6, $0x3;
	s28 =	sshrl.u32 s13, $0x1  }
0xd: {  	s7 =	smul.u32 $0x2800, s7;
	s8 =	sadd.s32 s8, s5;
	s6 =	sadd.s32 s6, s9  }
0xe: {  	s9 =	sshrl.u32 s26, $0x2;
	s12 =	ssub.s32 s13, s28;
	s6 =	sshrl.u32 s6, $0x3  }
0xf: {  	s29 =	sadd.s32 s9, s2;
	s31 =	sshrl.u32 s7, $0x3;
	s12 =	smax.u32 s12, $0x1  }
0x10: {  	s14 =	sadd.s32 s6, s5;
	s5 =	sadd.s32 $0xEA00, s8;
	s6 =	sor.u32 $0x1C05, s30  }
0x11: {  	s7 =	sadd.s32 s10, s31;
	s15 =	sadd.s32 $0x280, s31;
	s8 =	sadd.s32 s11, s31  }
0x12: {  	s13 =	sshrl.u32 s29, $0x3;
	s9 =	sadd.s32 s10, s15;
	s10 =	sadd.s32 s11, s15  }
0x13: {  	s11 =	sadd.s32 $0xB7C00, s14;
	s14 =	simm.s32 $0x5;
	s15 =	simm.s32 $0x1400  }
.LBB2_1:
0x14: {  	[spmem:s13], [sflag:s6] =	dma.local [hbm:s5], $0x2800  }
0x15: {  	_ =	swait.ge [sflag:s14], $0x2800  }
0x16: {  	[sflag:s14] =	ssyncset.done $0x0  }
0x17: {  	[sflag:s14] =	ssyncadd.s32 $0xFFFFD800  }
0x18: {  	[bflag:$0x0] =	sbarrier.arrive $0xFFFF  }
0x19: {  	[tilespmem:s3], [sflag:$0x5] =	stream.linear.gather [hbm4b:s7+s3], $0x1400, $0x38;
	[tilespmem:$0x1E800] =	vst v63  }
0x1a: {  	_ =	swait.ge [sflag:s14], $0x1400  }
0x1b: {  	[sflag:s14] =	ssyncset.done $0x0  }
0x1c: {  	[sflag:s14] =	ssyncadd.s32 $0xFFFFEC00  }
0x1d: {  	[tilespmem:s15], [sflag:$0x5] =	stream.linear.gather [hbm4b:s8+s3], $0x1400, $0x38;
	[tilespmem:$0x1E800] =	vst v63  }
0x1e: {  	_ =	swait.ge [sflag:s14], $0x1400  }
0x1f: {  	[sflag:s14] =	ssyncset.done $0x0  }
0x20: {  	[sflag:s14] =	ssyncadd.s32 $0xFFFFEC00  }
0x21: {  	[tilespmem:s17], [sflag:$0x1] =	stream.indirect.gather [hbm4b:s4+s16], $0x80, s3, s16, $0xb8;
	[tilespmem:$0x1E800] =	vst v63  }
0x22: {  	_ = 	snop  }
0x23: {  	[tilespmem:s19], [sflag:$0x2] =	stream.indirect.gather [hbm4b:s4+s16], $0x80, s18, s16, $0xb8;
	[tilespmem:$0x1E800] =	vst v63  }
0x24: {  	_ =	swait.ge [sflag:s20], $0x3E80  }
0x25: {  	[sflag:s20] =	ssyncset.done $0x0  }
0x26: {  	[sflag:s20] =	ssyncadd.s32 $0xFFFFC180  }
0x27: {  	[spmem:s2] =	stream.indirect.scatter.add.f32 [tilespmem:s17], [sflag:$0x3], $0x80, s15, s16, $0xb8;
	[tilespmem:$0x1E800] =	vst v63  }
0x28: {  	_ =	swait.ge [sflag:s21], $0x3E80  }
0x29: {  	[sflag:s21] =	ssyncset.done $0x0  }
0x2a: {  	[sflag:s21] =	ssyncadd.s32 $0xFFFFC180  }
0x2b: {  	[spmem:s2] =	stream.indirect.scatter.add.f32 [tilespmem:s19], [sflag:$0x4], $0x80, s22, s16, $0xb8;
	[tilespmem:$0x1E800] =	vst v63  }
0x2c: {  	_ =	swait.ge [sflag:s23], $0x3E80  }
0x2d: {  	[sflag:s23] =	ssyncset.done $0x0  }
0x2e: {  	[sflag:s23] =	ssyncadd.s32 $0xFFFFC180  }
0x2f: {  	_ =	swait.ge [sflag:s24], $0x3E80  }
0x30: {  	[sflag:s24] =	ssyncset.done $0x0  }
0x31: {  	s26 =	simm.s32 $0x100;
	[sflag:s24] =	ssyncadd.s32 $0xFFFFC180  }
0x32: {  	[tilespmem:s17], [sflag:$0x1] =	stream.indirect.gather [hbm4b:s4+s16], $0x80, s26, s16, $0xb8;
	[tilespmem:$0x1E800] =	vst v63  }
0x33: {  	s30 =	simm.s32 $0x180  }
0x34: {  	[tilespmem:s19], [sflag:$0x2] =	stream.indirect.gather [hbm4b:s4+s16], $0x80, s30, s16, $0xb8;
	[tilespmem:$0x1E800] =	vst v63  }
0x35: {  	_ =	swait.ge [sflag:s20], $0x3E80  }
0x36: {  	[sflag:s20] =	ssyncset.done $0x0  }
0x37: {  	s31 =	simm.s32 $0x1500;
	[sflag:s20] =	ssyncadd.s32 $0xFFFFC180  }
0x38: {  	[spmem:s2] =	stream.indirect.scatter.add.f32 [tilespmem:s17], [sflag:$0x3], $0x80, s31, s16, $0xb8;
	[tilespmem:$0x1E800] =	vst v63  }
0x39: {  	_ =	swait.ge [sflag:s21], $0x3E80  }
0x3a: {  	[sflag:s21] =	ssyncset.done $0x0  }
0x3b: {  	s28 =	simm.s32 $0x1580;
	s26 =	simm.s32 $0xFFFFB800;
	[sflag:s21] =	ssyncadd.s32 $0xFFFFC180  }
.LBB2_2:
0x3c: {  	[spmem:s2] =	stream.indirect.scatter.add.f32 [tilespmem:s19], [sflag:$0x4], $0x80, s28, s16, $0xb8;
	[tilespmem:$0x1E800] =	vst v63  }
0x3d: {  	s28 =	smov.u32 s26  }
0x3e: {  	p0 =	sne.s32 s26, $0xFFFFFC00;
	s26 =	sadd.s32 $0x400, s26;
	_ =	swait.ge [sflag:s23], $0x3E80  }
0x3f: {  	[sflag:s23] =	ssyncset.done $0x0  }
0x40: {  	[sflag:s23] =	ssyncadd.s32 $0xFFFFC180  }
0x41: {  	_ =	swait.ge [sflag:s24], $0x3E80  }
0x42: {  	s28 =	sshra.s32 s28, $0x2;
	[sflag:s24] =	ssyncset.done $0x0  }
0x43: {  	s29 =	sadd.s32 $0x1400, s28;
	[sflag:s24] =	ssyncadd.s32 $0xFFFFC180  }
0x44: {  	[tilespmem:s17], [sflag:$0x1] =	stream.indirect.gather [hbm4b:s4+s16], $0x80, s29, s16, $0xb8;
	[tilespmem:$0x1E800] =	vst v63  }
0x45: {  	s29 =	sadd.s32 $0x1480, s28  }
0x46: {  	[tilespmem:s19], [sflag:$0x2] =	stream.indirect.gather [hbm4b:s4+s16], $0x80, s29, s16, $0xb8;
	[tilespmem:$0x1E800] =	vst v63  }
0x47: {  	_ =	swait.ge [sflag:s20], $0x3E80  }
0x48: {  	[sflag:s20] =	ssyncset.done $0x0  }
.Ltmp0:
0x49: {  	s29 =	sadd.s32 $0x2800, s28;
	[sflag:s20] =	ssyncadd.s32 $0xFFFFC180;
	(pc) =	sbr.rel @p0 .LBB2_2-.Ltmp0, $4  }
0x4a: {  	[spmem:s2] =	stream.indirect.scatter.add.f32 [tilespmem:s17], [sflag:$0x3], $0x80, s29, s16, $0xb8;
	[tilespmem:$0x1E800] =	vst v63  }
0x4b: {  	_ =	swait.ge [sflag:s21], $0x3E80  }
0x4c: {  	[sflag:s21] =	ssyncset.done $0x0  }
0x4d: {  	s28 =	sadd.s32 $0x2880, s28;
	[sflag:s21] =	ssyncadd.s32 $0xFFFFC180  }
0x4e: {  	[spmem:s2] =	stream.indirect.scatter.add.f32 [tilespmem:s19], [sflag:$0x4], $0x80, s28, s16, $0xb8;
	[tilespmem:$0x1E800] =	vst v63  }
0x4f: {  	_ =	swait.ge [sflag:s23], $0x3E80  }
0x50: {  	[sflag:s23] =	ssyncset.done $0x0  }
0x51: {  	[sflag:s23] =	ssyncadd.s32 $0xFFFFC180  }
0x52: {  	_ =	swait.ge [sflag:s24], $0x3E80  }
0x53: {  	[sflag:s24] =	ssyncset.done $0x0  }
0x54: {  	[sflag:s24] =	ssyncadd.s32 $0xFFFFC180  }
0x55: {  	[tilespmem:s3], [sflag:$0x5] =	stream.linear.gather [hbm4b:s9+s3], $0x1400, $0x38;
	[tilespmem:$0x1E800] =	vst v63  }
0x56: {  	_ =	swait.ge [sflag:s14], $0x1400  }
0x57: {  	[sflag:s14] =	ssyncset.done $0x0  }
0x58: {  	[sflag:s14] =	ssyncadd.s32 $0xFFFFEC00  }
0x59: {  	[tilespmem:s15], [sflag:$0x5] =	stream.linear.gather [hbm4b:s10+s3], $0x1400, $0x38;
	[tilespmem:$0x1E800] =	vst v63  }
0x5a: {  	_ =	swait.ge [sflag:s14], $0x1400  }
0x5b: {  	[sflag:s14] =	ssyncset.done $0x0  }
0x5c: {  	[sflag:s14] =	ssyncadd.s32 $0xFFFFEC00  }
0x5d: {  	[tilespmem:s17], [sflag:$0x1] =	stream.indirect.gather [hbm4b:s4+s16], $0x80, s3, s16, $0xb8;
	[tilespmem:$0x1E800] =	vst v63  }
0x5e: {  	_ = 	snop  }
0x5f: {  	[tilespmem:s19], [sflag:$0x2] =	stream.indirect.gather [hbm4b:s4+s16], $0x80, s18, s16, $0xb8;
	[tilespmem:$0x1E800] =	vst v63  }
0x60: {  	_ =	swait.ge [sflag:s20], $0x3E80  }
0x61: {  	[sflag:s20] =	ssyncset.done $0x0  }
0x62: {  	[sflag:s20] =	ssyncadd.s32 $0xFFFFC180  }
0x63: {  	[spmem:s2] =	stream.indirect.scatter.add.f32 [tilespmem:s17], [sflag:$0x3], $0x80, s15, s16, $0xb8;
	[tilespmem:$0x1E800] =	vst v63  }
0x64: {  	_ =	swait.ge [sflag:s21], $0x3E80  }
0x65: {  	[sflag:s21] =	ssyncset.done $0x0  }
0x66: {  	[sflag:s21] =	ssyncadd.s32 $0xFFFFC180  }
0x67: {  	[spmem:s2] =	stream.indirect.scatter.add.f32 [tilespmem:s19], [sflag:$0x4], $0x80, s22, s16, $0xb8;
	[tilespmem:$0x1E800] =	vst v63  }
0x68: {  	_ =	swait.ge [sflag:s23], $0x3E80  }
0x69: {  	[sflag:s23] =	ssyncset.done $0x0  }
0x6a: {  	[sflag:s23] =	ssyncadd.s32 $0xFFFFC180  }
0x6b: {  	_ =	swait.ge [sflag:s24], $0x3E80  }
0x6c: {  	[sflag:s24] =	ssyncset.done $0x0  }
0x6d: {  	s26 =	simm.s32 $0x100;
	[sflag:s24] =	ssyncadd.s32 $0xFFFFC180  }
0x6e: {  	[tilespmem:s17], [sflag:$0x1] =	stream.indirect.gather [hbm4b:s4+s16], $0x80, s26, s16, $0xb8;
	[tilespmem:$0x1E800] =	vst v63  }
0x6f: {  	s30 =	simm.s32 $0x180  }
0x70: {  	[tilespmem:s19], [sflag:$0x2] =	stream.indirect.gather [hbm4b:s4+s16], $0x80, s30, s16, $0xb8;
	[tilespmem:$0x1E800] =	vst v63  }
0x71: {  	_ =	swait.ge [sflag:s20], $0x3E80  }
0x72: {  	[sflag:s20] =	ssyncset.done $0x0  }
0x73: {  	s31 =	simm.s32 $0x1500;
	[sflag:s20] =	ssyncadd.s32 $0xFFFFC180  }
0x74: {  	[spmem:s2] =	stream.indirect.scatter.add.f32 [tilespmem:s17], [sflag:$0x3], $0x80, s31, s16, $0xb8;
	[tilespmem:$0x1E800] =	vst v63  }
0x75: {  	_ =	swait.ge [sflag:s21], $0x3E80  }
0x76: {  	[sflag:s21] =	ssyncset.done $0x0  }
0x77: {  	s28 =	simm.s32 $0x1580;
	s26 =	simm.s32 $0xFFFFB800;
	[sflag:s21] =	ssyncadd.s32 $0xFFFFC180  }
.LBB2_4:
0x78: {  	[spmem:s2] =	stream.indirect.scatter.add.f32 [tilespmem:s19], [sflag:$0x4], $0x80, s28, s16, $0xb8;
	[tilespmem:$0x1E800] =	vst v63  }
0x79: {  	s28 =	smov.u32 s26  }
0x7a: {  	p0 =	sne.s32 s26, $0xFFFFFC00;
	s26 =	sadd.s32 $0x400, s26;
	_ =	swait.ge [sflag:s23], $0x3E80  }
0x7b: {  	[sflag:s23] =	ssyncset.done $0x0  }
0x7c: {  	[sflag:s23] =	ssyncadd.s32 $0xFFFFC180  }
0x7d: {  	_ =	swait.ge [sflag:s24], $0x3E80  }
0x7e: {  	s28 =	sshra.s32 s28, $0x2;
	[sflag:s24] =	ssyncset.done $0x0  }
0x7f: {  	s29 =	sadd.s32 $0x1400, s28;
	[sflag:s24] =	ssyncadd.s32 $0xFFFFC180  }
0x80: {  	[tilespmem:s17], [sflag:$0x1] =	stream.indirect.gather [hbm4b:s4+s16], $0x80, s29, s16, $0xb8;
	[tilespmem:$0x1E800] =	vst v63  }
0x81: {  	s29 =	sadd.s32 $0x1480, s28  }
0x82: {  	[tilespmem:s19], [sflag:$0x2] =	stream.indirect.gather [hbm4b:s4+s16], $0x80, s29, s16, $0xb8;
	[tilespmem:$0x1E800] =	vst v63  }
0x83: {  	_ =	swait.ge [sflag:s20], $0x3E80  }
0x84: {  	[sflag:s20] =	ssyncset.done $0x0  }
.Ltmp1:
0x85: {  	s29 =	sadd.s32 $0x2800, s28;
	[sflag:s20] =	ssyncadd.s32 $0xFFFFC180;
	(pc) =	sbr.rel @p0 .LBB2_4-.Ltmp1, $4  }
0x86: {  	[spmem:s2] =	stream.indirect.scatter.add.f32 [tilespmem:s17], [sflag:$0x3], $0x80, s29, s16, $0xb8;
	[tilespmem:$0x1E800] =	vst v63  }
0x87: {  	_ =	swait.ge [sflag:s21], $0x3E80  }
0x88: {  	[sflag:s21] =	ssyncset.done $0x0  }
0x89: {  	s28 =	sadd.s32 $0x2880, s28;
	[sflag:s21] =	ssyncadd.s32 $0xFFFFC180  }
0x8a: {  	[spmem:s2] =	stream.indirect.scatter.add.f32 [tilespmem:s19], [sflag:$0x4], $0x80, s28, s16, $0xb8;
	[tilespmem:$0x1E800] =	vst v63  }
0x8b: {  	_ =	swait.ge [sflag:s23], $0x3E80  }
0x8c: {  	[sflag:s23] =	ssyncset.done $0x0  }
0x8d: {  	[sflag:s23] =	ssyncadd.s32 $0xFFFFC180  }
0x8e: {  	_ =	swait.ge [sflag:s24], $0x3E80  }
0x8f: {  	s25 =	sadd.s32 $0x1, s25;
	[sflag:s24] =	ssyncset.done $0x0  }
0x90: {  	p0 =	sne.s32 s25, s12;
	[sflag:s24] =	ssyncadd.s32 $0xFFFFC180  }
.Ltmp2:
0x91: {  	[bflag:$0x0] =	sbarrier.arrive $0xFFFF;
	(pc) =	sbr.rel @p0 .LBB2_1-.Ltmp2, $4  }
0x92: {  	[hbm:s11], [sflag:s6] =	dma.local [spmem:s13], $0x2800  }
0x93: {  	_ =	swait.ge [sflag:s14], $0x2800  }
0x94: {  	[sflag:s14] =	ssyncset.done $0x0  }
0x95: {  	[sflag:s14] =	ssyncadd.s32 $0xFFFFD800  }
0x96: {  	_ =	sfence.sel $0x180000  }
0x97: {  	[bflag:$0x0] =	sbarrier.arrive $0xFFFF  }
0x98: {  	p0 =	sne.s32 s1, $0x0;
	_ =	strace $0x9000004D  }
0x99: {  	s0 =	sadd.s32 @!p0 $0x100000, s0;
	[bflag:$0x2] =	sbarrier.arrive $0xFFFF  }
0x9a: {  	[sflag:s0] =	ssyncadd.tile.s32 @!p0 $0x1;
	_ =	shalt  }
.Lfunc_end2:
_tile_overlayer_lowered:
.L_overlay_start_2:
0x9b: {  	(tag) =	ssettag $0x2  }
0x9c: {  	s0 =	rddreg [dreg:$0x0];
	s2 =	stileid.u32  }
0x9d: {  	s1 =	rddreg [dreg:$0x1];
	p0 =	sne.s32 s2, $0x0  }
0x9e: {  	s3 =	rddreg [dreg:$0x2];
	[bflag:$0x3] =	sbarrier.arrive $0xFFFF;
	s2 =	simm.s32 @!p0 $0x1C05  }
0x9f: {  	[timem:s3], [sflag:s2] =	dma.local @!p0 [hbm:s0], s1  }
0xa0: {  	s0 =	simm.s32 @!p0 $0x5  }
0xa1: {  	_ =	swait.ge @!p0 [sflag:s0], s1  }
0xa2: {  	s1 =	ssub.s32 @!p0 $0x0, s1;
	[sflag:s0] =	ssyncset.done @!p0 $0x0  }
0xa3: {  	[sflag:s0] =	ssyncadd.s32 @!p0 s1  }
0xa4: {  	[bflag:$0x3] =	sbarrier.arrive $0xFFFF  }
0xa5: {  	_ =	shalt  }

// kernel: kernel.21.cloned.1.call-start
scs
__scs_entry_jumppad:
0x0: {  	(pc) =	sbr.rel $0x88, $3  }
0x1: {  	(tag) =	ssettag $0x0;
	lr =	simm.s32 $0x1  }
0x2: {  	[smem:$0x3F8E] =	sst lr;
	_ =	strace $0xD0000000  }
0x3: {  	_ = 	snop  }
0x4: {  	_ = 	snop  }
0x5: {  	_ = 	snop  }
0x6: {  	_ = 	snop  }
0x7: {  	_ = 	snop  }
__scs_overlays_trampoline_lowered:
0x8: {  	[smem:$0x3F9D] =	sst s0  }
0x9: {  	[smem:$0x3F9E] =	sst s1  }
0xa: {  	[smem:$0x3F9F] =	sst s2  }
0xb: {  	[smem:$0x3FA0] =	sst s3  }
0xc: {  	[smem:$0x3FA1] =	sst s4  }
0xd: {  	[smem:$0x3FA2] =	sst s5  }
0xe: {  	[smem:$0x3FA3] =	sst s6  }
0xf: {  	[smem:$0x3FA4] =	sst s7  }
0x10: {  	[smem:$0x3FA5] =	sst s8  }
0x11: {  	[smem:$0x3FA6] =	sst s9;
	s0 =	simm.s32 @!p0 $0x0  }
0x12: {  	s1 =	sld [smem:$0x3F8C];
	s0 =	simm.s32 @p0 $0x1  }
0x13: {  	[smem:$0x3FA7] =	sst s0;
	s0 =	simm.s32 @!p1 $0x0  }
0x14: {  	s2 =	sld [smem:$0x3F8B];
	s0 =	simm.s32 @p1 $0x1  }
0x15: {  	[smem:$0x3FA8] =	sst s0;
	s0 =	simm.s32 @!p2 $0x0  }
0x16: {  	s3 =	sld [smem:$0x3FDB];
	s0 =	simm.s32 @p2 $0x1  }
0x17: {  	s4 =	simm.s32 $0x1BF5;
	[smem:$0x3FAA] =	sst s0  }
0x18: {  	s0 =	sld [smem:$0x3F8D];
	_ =	swait.ge [sflag:s4], $0x0  }
0x19: {  	s7 =	sld [smem:$0x3F8E]  }
0x1a: {  	s8 =	sadd.s32 $0xFFFFE003, lr  }
0x1b: {  	s9 =	sadd.s32 $0xFFFFFEF7, lr;
	s5 =	simm.s32 $0xFFFFFFFF;
	p2 =	slt.u32 s8, $0xFFFFF086  }
0x1c: {  	p1 =	slt.u32 s9, $0xF7A;
	s5 =	simm.s32 @!p2 $0x0  }
0x1d: {  	s5 =	simm.s32 @p1 $0x1;
	p0 =	seq.s32 s7, s2  }
0x1e: {  	s7 =	smul.u32 @!p0 $0xF7A, s2;
	p2 =	seq.s32 @!p0 s5, $0x0  }
0x1f: {  	s9 =	smul.u32 $0xF7A, s1;
	s8 =	simm.s32 @!p0 $0x1BF5;
	p2 =	por !p2, p0  }
0x20: {  	[sflag:s8] =	ssyncset.s32 @!p0 $0xFFFFF086;
	s6 =	sadd.s32 @!p0 s3, s7;
	s7 =	simm.s32 @!p0 $0x108  }
0x21: {  	s3 =	sadd.s32 s3, s9;
	s6 =	sadd.s32 @!p0 $0x88, s6;
	s7 =	simm.s32 @p2 $0x1082  }
0x22: {  	[simem:s7], [sflag:s8] =	dma.local @!p0 [hbm:s6], $0xF7A  }
0x23: {  	s9 =	sor.u32 $0xD0000000, s2;
	s6 =	simm.s32 $0x108;
	_ =	swait.ge @!p0 [sflag:s8], $0x0  }
0x24: {  	s3 =	sadd.s32 $0x88, s3;
	s6 =	simm.s32 @!p1 $0x1082;
	[sflag:s4] =	ssyncset.s32 $0xFFFFF086  }
0x25: {  	[simem:s6], [sflag:s4] =	dma.local [hbm:s3], $0xF7A  }
0x26: {  	[smem:$0x3F8E] =	sst s1;
	(tag) =	ssettag s2;
	_ =	strace s9  }
0x27: {  	s1 =	sld [smem:$0x3F9E]  }
0x28: {  	s2 =	sld [smem:$0x3F9F]  }
0x29: {  	s4 =	sld [smem:$0x3FA1]  }
0x2a: {  	p0 =	seq.s32 s5, $0x0;
	s5 =	sld [smem:$0x3FA2]  }
0x2b: {  	s6 =	sld [smem:$0x3FA3]  }
0x2c: {  	s7 =	sld [smem:$0x3FA4]  }
0x2d: {  	s3 =	simm.s32 $0x108;
	s8 =	sld [smem:$0x3FA5]  }
0x2e: {  	s3 =	simm.s32 @!p0 $0x1082;
	s9 =	sld [smem:$0x3FA6]  }
0x2f: {  	lr =	sadd.s32 s0, s3;
	s0 =	sld [smem:$0x3F9D]  }
0x30: {  	s3 =	sld [smem:$0x3FA0]  }
0x31: {  	[smem:$0x3FA9] =	sst s10  }
0x32: {  	s10 =	sld [smem:$0x3FA7];
	_ =	sdelay $0x3  }
0x33: {  	p0 =	seq.s32 s10, $0x1;
	s10 =	sld [smem:$0x3FA9];
	_ =	sdelay $0x3  }
0x34: {  	[smem:$0x3FA9] =	sst s10  }
0x35: {  	s10 =	sld [smem:$0x3FA8];
	_ =	sdelay $0x3  }
0x36: {  	p1 =	seq.s32 s10, $0x1;
	s10 =	sld [smem:$0x3FA9];
	_ =	sdelay $0x3  }
0x37: {  	[smem:$0x3FA9] =	sst s10  }
0x38: {  	s10 =	sld [smem:$0x3FAA]  }
0x39: {  	_ = 	snop;
	(pc) =	sbr.ind lr, $3  }
0x3a: {  	_ = 	snop  }
0x3b: {  	_ = 	snop  }
0x3c: {  	p2 =	seq.s32 s10, $0x1;
	s10 =	sld [smem:$0x3FA9]  }
0x3d: {  	_ =	shalt  }
0x3e: {  	_ =	shalt  }
0x3f: {  	_ =	shalt  }
0x40: {  	_ =	shalt  }
0x41: {  	_ =	shalt  }
0x42: {  	_ =	shalt  }
0x43: {  	_ =	shalt  }
0x44: {  	_ =	shalt  }
0x45: {  	_ =	shalt  }
0x46: {  	_ =	shalt  }
0x47: {  	_ =	shalt  }
0x48: {  	_ =	shalt  }
0x49: {  	_ =	shalt  }
0x4a: {  	_ =	shalt  }
0x4b: {  	_ =	shalt  }
0x4c: {  	_ =	shalt  }
0x4d: {  	_ =	shalt  }
0x4e: {  	_ =	shalt  }
0x4f: {  	_ =	shalt  }
0x50: {  	_ =	shalt  }
0x51: {  	_ =	shalt  }
0x52: {  	_ =	shalt  }
0x53: {  	_ =	shalt  }
0x54: {  	_ =	shalt  }
0x55: {  	_ =	shalt  }
0x56: {  	_ =	shalt  }
0x57: {  	_ =	shalt  }
0x58: {  	_ =	shalt  }
0x59: {  	_ =	shalt  }
0x5a: {  	_ =	shalt  }
0x5b: {  	_ =	shalt  }
0x5c: {  	_ =	shalt  }
0x5d: {  	_ =	shalt  }
0x5e: {  	_ =	shalt  }
0x5f: {  	_ =	shalt  }
0x60: {  	_ =	shalt  }
0x61: {  	_ =	shalt  }
0x62: {  	_ =	shalt  }
0x63: {  	_ =	shalt  }
0x64: {  	_ =	shalt  }
0x65: {  	_ =	shalt  }
0x66: {  	_ =	shalt  }
0x67: {  	_ =	shalt  }
0x68: {  	_ =	shalt  }
0x69: {  	_ =	shalt  }
0x6a: {  	_ =	shalt  }
0x6b: {  	_ =	shalt  }
0x6c: {  	_ =	shalt  }
0x6d: {  	_ =	shalt  }
0x6e: {  	_ =	shalt  }
0x6f: {  	_ =	shalt  }
0x70: {  	_ =	shalt  }
0x71: {  	_ =	shalt  }
0x72: {  	_ =	shalt  }
0x73: {  	_ =	shalt  }
0x74: {  	_ =	shalt  }
0x75: {  	_ =	shalt  }
0x76: {  	_ =	shalt  }
0x77: {  	_ =	shalt  }
0x78: {  	_ =	shalt  }
0x79: {  	_ =	shalt  }
0x7a: {  	_ =	shalt  }
0x7b: {  	_ =	shalt  }
0x7c: {  	_ =	shalt  }
0x7d: {  	_ =	shalt  }
0x7e: {  	_ =	shalt  }
0x7f: {  	_ =	shalt  }
0x80: {  	_ =	shalt  }
0x81: {  	_ =	shalt  }
0x82: {  	_ =	shalt  }
0x83: {  	_ =	shalt  }
0x84: {  	_ =	shalt  }
0x85: {  	_ =	shalt  }
0x86: {  	_ =	shalt  }
0x87: {  	_ =	shalt  }
.Lfunc_end0:
.L_simem_size_0:
called_computation.3_lowered:
.L_overlay_start_0:
0x88: {  	s2 =	sld [smem:$0x3FD9]  }
0x89: {  	s3 =	sld [smem:$0x3FFE];
	_ =	sdelay $0x1  }
0x8a: {  	s1 =	srdreg.scid  }
0x8b: {  	s0 =	sand.u32 $0x1, s1  }
0x8c: {  	s16 =	sshll.u32 s0, $0xA;
	s2 =	sadd.s32 s3, s2  }
0x8d: {  	s2 =	sadd.s32 s2, s16  }
0x8e: {  	[smem:$0x3FB5] =	sst s2  }
0x8f: {  	_ = 	snop  }
0x90: {  	(tm) =	ssettm $0x1  }
0x91: {  	s17 =	sld [smem:$0x3FFB];
	_ =	sdelay $0x3  }
0x92: {  	_ =	strace s17  }
0x93: {  	s2 =	sld [smem:$0x3FFC];
	_ =	sdelay $0x3  }
0x94: {  	_ =	strace s2  }
0x95: {  	s2 =	sld [smem:$0x3FFD];
	_ =	sdelay $0x3  }
0x96: {  	_ =	strace s2  }
0x97: {  	_ =	strace $0x8FFFFFFF  }
0x98: {  	s18 =	sld [smem:$0x3FDB];
	_ =	sdelay $0x1  }
0x99: {  	s19 =	simm.s32 $_scs_section_size  }
0x9a: {  	s4 =	simm.s32 $_size__tile_overlayer_lowered;
	s5 =	simm.s32 $_tile_overlayer_lowered  }
0x9b: {  	s22 =	simm.s32 $0x1BFF;
	s21 =	sshll.u32 s5, $0x1;
	s2 =	sadd.s32 s19, s18  }
0x9c: {  	s6 =	simm.s32 $0x0;
	s20 =	sshll.u32 s4, $0x1;
	s4 =	sadd.s32 s21, s2  }
0x9d: {  	[timem:s6], [sflag:s22] =	dma.local [hbm:s4], s20  }
0x9e: {  	_ =	swait.ge [sflag:s22], s20  }
0x9f: {  	s3 =	ssub.s32 $0x0, s20;
	[sflag:s22] =	ssyncset.done $0x0  }
0xa0: {  	[sflag:s22] =	ssyncadd.s32 s3;
	_ =	sdelay $0x1  }
0xa1: {  	s23 =	simm.s32 $0x1B8B  }
0xa2: {  	_ =	swait.ge [sflag:s23], $0x1  }
0xa3: {  	[sflag:s23] =	ssyncset.done $0x0  }
0xa4: {  	s25 =	simm.s32 $0x1B8E;
	s24 =	sld [smem:$0x3FFE];
	[sflag:s23] =	ssyncadd.s32 $0xFFFFFFFF  }
0xa5: {  	s26 =	simm.s32 $execute0_lowered;
	[smem:$0x3FD2] =	sst s25  }
0xa6: {  	s4 =	sshll.u32 s26, $0x1;
	_ =	strace $0x8000004F;
	[dreg:$0x1] =	wrdreg $0xFFFFFFFF  }
0xa7: {  	s28 =	simm.s32 $_size_execute0_lowered;
	s2 =	sadd.s32 s2, s4;
	[dreg:$0x0] =	wrdreg $0x0  }
0xa8: {  	s4 =	sshll.u32 s28, $0x1;
	[dreg:$0x2] =	wrdreg s2  }
0xa9: {  	[dreg:$0x3] =	wrdreg s4  }
0xaa: {  	[dreg:$0x4] =	wrdreg $0xC0  }
0xab: {  	_ =	task [dreg:s6], $0x5FFFF  }
0xac: {  	[dreg:$0x1] =	wrdreg $0xFFFFFFFF  }
0xad: {  	[dreg:$0x0] =	wrdreg $0x60  }
0xae: {  	[dreg:$0x2] =	wrdreg s24  }
0xaf: {  	[dreg:$0x3] =	wrdreg $0xA8000  }
0xb0: {  	[dreg:$0x4] =	wrdreg $0x9  }
0xb1: {  	_ =	task.clear_ibuf [dreg:s6], $0x5FFFF;
	_ =	strace $0x9000004F  }
0xb2: {  	s29 =	simm.s32 $0x9;
	_ =	strace $0x80000051  }
0xb3: {  	_ =	swait.ge [sflag:s29], $0x1  }
0xb4: {  	[sflag:s29] =	ssyncadd.s32 $0xFFFFFFFF  }
0xb5: {  	_ =	strace $0x90000051  }
0xb6: {  	_ =	sfence  }
0xb7: {  	s30 =	sld [smem:$0x0];
	_ =	sdelay $0x2  }
0xb8: {  	s31 =	sshll.u32 s1, $0xD;
	s1 =	sshrl.u32 s1, $0x2  }
0xb9: {  	s3 =	sand.u32 $0x4000, s31;
	s1 =	sadd.s32 s1, s30  }
0xba: {  	s0 =	sor.u32 s3, s0;
	s1 =	sshll.u32 s1, $0x11  }
0xbb: {  	s0 =	sor.u32 s1, s0  }
0xbc: {  	s0 =	sadd.s32 $0x8F2B, s0  }
0xbd: {  	[sflag:s0] =	ssyncadd.remote.s32 $0x1  }
0xbe: {  	_ =	sfence.sel $0xFFFF  }
0xbf: {  	[dreg:$0x0] =	wrdreg $0xFFFFFFFF;
	(pc) =	sbr.abs _section_cstart, $3  }
0xc0: {  	[dreg:$0x1] =	wrdreg $0xFFFFFFFF  }
0xc1: {  	_ =	task.clear_ibuf [dreg:s6], $0x2FFFF;
	_ =	strace $0x9FFFFFFF  }
0xc2: {  	(tm) =	ssettm $0x7FFFFFFF  }
0xc3: {  	_ =	shalt  }
tec
execute0_lowered:
.L_overlay_start_1:
0x0: {  	(tag) =	ssettag $0x1  }
0x1: {  	s5 =	rddreg [dreg:$0x0]  }
0x2: {  	s2 =	rddreg [dreg:$0x1]  }
0x3: {  	s0 =	rddreg [dreg:$0x2];
	s3 =	simm.s32 $0x0  }
0x4: {  	s1 =	stileid.u32;
	s4 =	srdreg.scid;
	s16 =	simm.s32 $0x7D  }
0x5: {  	s17 =	simm.s32 $0x2800;
	s18 =	simm.s32 $0x80;
	s19 =	simm.s32 $0x6800  }
0x6: {  	s20 =	simm.s32 $0x1;
	s21 =	simm.s32 $0x2;
	s22 =	simm.s32 $0x1480  }
0x7: {  	s23 =	simm.s32 $0x3;
	s24 =	simm.s32 $0x4;
	s25 =	simm.s32 $0x0  }
0x8: {  	[smem:$0x7FF] =	sst s3;
	s6 =	smul.u32 $0x14000, s1;
	s7 =	sand.u32 $0x1, s4  }
0x9: {  	s4 =	sadd.s32 $0x90A00, s5;
	s10 =	sadd.s32 $0x86A00, s5;
	s11 =	sadd.s32 $0x4A00, s5  }
0xa: {  	s26 =	smul.u32 $0x50000, s1;
	s12 =	sshll.u32 s1, $0x1;
	s30 =	sshll.u32 s1, $0x6  }
0xb: {  	_ =	strace $0x80000050;
	s9 =	smul.u32 $0x140000, s7;
	s13 =	ssub.s32 $0x2, s7  }
0xc: {  	s7 =	sor.u32 s7, s12;
	s8 =	sshrl.u32 s6, $0x3;
	s28 =	sshrl.u32 s13, $0x1  }
0xd: {  	s7 =	smul.u32 $0x2800, s7;
	s8 =	sadd.s32 s8, s5;
	s6 =	sadd.s32 s6, s9  }
0xe: {  	s9 =	sshrl.u32 s26, $0x2;
	s12 =	ssub.s32 s13, s28;
	s6 =	sshrl.u32 s6, $0x3  }
0xf: {  	s29 =	sadd.s32 s9, s2;
	s31 =	sshrl.u32 s7, $0x3;
	s12 =	smax.u32 s12, $0x1  }
0x10: {  	s14 =	sadd.s32 s6, s5;
	s5 =	sadd.s32 $0xEA00, s8;
	s6 =	sor.u32 $0x1C05, s30  }
0x11: {  	s7 =	sadd.s32 s10, s31;
	s15 =	sadd.s32 $0x280, s31;
	s8 =	sadd.s32 s11, s31  }
0x12: {  	s13 =	sshrl.u32 s29, $0x3;
	s9 =	sadd.s32 s10, s15;
	s10 =	sadd.s32 s11, s15  }
0x13: {  	s11 =	sadd.s32 $0xB7C00, s14;
	s14 =	simm.s32 $0x5;
	s15 =	simm.s32 $0x1400  }
.LBB2_1:
0x14: {  	[spmem:s13], [sflag:s6] =	dma.local [hbm:s5], $0x2800  }
0x15: {  	_ =	swait.ge [sflag:s14], $0x2800  }
0x16: {  	[sflag:s14] =	ssyncset.done $0x0  }
0x17: {  	[sflag:s14] =	ssyncadd.s32 $0xFFFFD800  }
0x18: {  	[bflag:$0x0] =	sbarrier.arrive $0xFFFF  }
0x19: {  	[tilespmem:s3], [sflag:$0x5] =	stream.linear.gather [hbm4b:s7+s3], $0x1400, $0x38;
	[tilespmem:$0x1E800] =	vst v63  }
0x1a: {  	_ =	swait.ge [sflag:s14], $0x1400  }
0x1b: {  	[sflag:s14] =	ssyncset.done $0x0  }
0x1c: {  	[sflag:s14] =	ssyncadd.s32 $0xFFFFEC00  }
0x1d: {  	[tilespmem:s15], [sflag:$0x5] =	stream.linear.gather [hbm4b:s8+s3], $0x1400, $0x38;
	[tilespmem:$0x1E800] =	vst v63  }
0x1e: {  	_ =	swait.ge [sflag:s14], $0x1400  }
0x1f: {  	[sflag:s14] =	ssyncset.done $0x0  }
0x20: {  	[sflag:s14] =	ssyncadd.s32 $0xFFFFEC00  }
0x21: {  	[tilespmem:s17], [sflag:$0x1] =	stream.indirect.gather [hbm4b:s4+s16], $0x80, s3, s16, $0xb8;
	[tilespmem:$0x1E800] =	vst v63  }
0x22: {  	_ = 	snop  }
0x23: {  	[tilespmem:s19], [sflag:$0x2] =	stream.indirect.gather [hbm4b:s4+s16], $0x80, s18, s16, $0xb8;
	[tilespmem:$0x1E800] =	vst v63  }
0x24: {  	_ =	swait.ge [sflag:s20], $0x3E80  }
0x25: {  	[sflag:s20] =	ssyncset.done $0x0  }
0x26: {  	[sflag:s20] =	ssyncadd.s32 $0xFFFFC180  }
0x27: {  	[spmem:s2] =	stream.indirect.scatter.add.f32 [tilespmem:s17], [sflag:$0x3], $0x80, s15, s16, $0xb8;
	[tilespmem:$0x1E800] =	vst v63  }
0x28: {  	_ =	swait.ge [sflag:s21], $0x3E80  }
0x29: {  	[sflag:s21] =	ssyncset.done $0x0  }
0x2a: {  	[sflag:s21] =	ssyncadd.s32 $0xFFFFC180  }
0x2b: {  	[spmem:s2] =	stream.indirect.scatter.add.f32 [tilespmem:s19], [sflag:$0x4], $0x80, s22, s16, $0xb8;
	[tilespmem:$0x1E800] =	vst v63  }
0x2c: {  	_ =	swait.ge [sflag:s23], $0x3E80  }
0x2d: {  	[sflag:s23] =	ssyncset.done $0x0  }
0x2e: {  	[sflag:s23] =	ssyncadd.s32 $0xFFFFC180  }
0x2f: {  	_ =	swait.ge [sflag:s24], $0x3E80  }
0x30: {  	[sflag:s24] =	ssyncset.done $0x0  }
0x31: {  	s26 =	simm.s32 $0x100;
	[sflag:s24] =	ssyncadd.s32 $0xFFFFC180  }
0x32: {  	[tilespmem:s17], [sflag:$0x1] =	stream.indirect.gather [hbm4b:s4+s16], $0x80, s26, s16, $0xb8;
	[tilespmem:$0x1E800] =	vst v63  }
0x33: {  	s30 =	simm.s32 $0x180  }
0x34: {  	[tilespmem:s19], [sflag:$0x2] =	stream.indirect.gather [hbm4b:s4+s16], $0x80, s30, s16, $0xb8;
	[tilespmem:$0x1E800] =	vst v63  }
0x35: {  	_ =	swait.ge [sflag:s20], $0x3E80  }
0x36: {  	[sflag:s20] =	ssyncset.done $0x0  }
0x37: {  	s31 =	simm.s32 $0x1500;
	[sflag:s20] =	ssyncadd.s32 $0xFFFFC180  }
0x38: {  	[spmem:s2] =	stream.indirect.scatter.add.f32 [tilespmem:s17], [sflag:$0x3], $0x80, s31, s16, $0xb8;
	[tilespmem:$0x1E800] =	vst v63  }
0x39: {  	_ =	swait.ge [sflag:s21], $0x3E80  }
0x3a: {  	[sflag:s21] =	ssyncset.done $0x0  }
0x3b: {  	s28 =	simm.s32 $0x1580;
	s26 =	simm.s32 $0xFFFFB800;
	[sflag:s21] =	ssyncadd.s32 $0xFFFFC180  }
.LBB2_2:
0x3c: {  	[spmem:s2] =	stream.indirect.scatter.add.f32 [tilespmem:s19], [sflag:$0x4], $0x80, s28, s16, $0xb8;
	[tilespmem:$0x1E800] =	vst v63  }
0x3d: {  	s28 =	smov.u32 s26  }
0x3e: {  	p0 =	sne.s32 s26, $0xFFFFFC00;
	s26 =	sadd.s32 $0x400, s26;
	_ =	swait.ge [sflag:s23], $0x3E80  }
0x3f: {  	[sflag:s23] =	ssyncset.done $0x0  }
0x40: {  	[sflag:s23] =	ssyncadd.s32 $0xFFFFC180  }
0x41: {  	_ =	swait.ge [sflag:s24], $0x3E80  }
0x42: {  	s28 =	sshra.s32 s28, $0x2;
	[sflag:s24] =	ssyncset.done $0x0  }
0x43: {  	s29 =	sadd.s32 $0x1400, s28;
	[sflag:s24] =	ssyncadd.s32 $0xFFFFC180  }
0x44: {  	[tilespmem:s17], [sflag:$0x1] =	stream.indirect.gather [hbm4b:s4+s16], $0x80, s29, s16, $0xb8;
	[tilespmem:$0x1E800] =	vst v63  }
0x45: {  	s29 =	sadd.s32 $0x1480, s28  }
0x46: {  	[tilespmem:s19], [sflag:$0x2] =	stream.indirect.gather [hbm4b:s4+s16], $0x80, s29, s16, $0xb8;
	[tilespmem:$0x1E800] =	vst v63  }
0x47: {  	_ =	swait.ge [sflag:s20], $0x3E80  }
0x48: {  	[sflag:s20] =	ssyncset.done $0x0  }
.Ltmp0:
0x49: {  	s29 =	sadd.s32 $0x2800, s28;
	[sflag:s20] =	ssyncadd.s32 $0xFFFFC180;
	(pc) =	sbr.rel @p0 .LBB2_2-.Ltmp0, $4  }
0x4a: {  	[spmem:s2] =	stream.indirect.scatter.add.f32 [tilespmem:s17], [sflag:$0x3], $0x80, s29, s16, $0xb8;
	[tilespmem:$0x1E800] =	vst v63  }
0x4b: {  	_ =	swait.ge [sflag:s21], $0x3E80  }
0x4c: {  	[sflag:s21] =	ssyncset.done $0x0  }
0x4d: {  	s28 =	sadd.s32 $0x2880, s28;
	[sflag:s21] =	ssyncadd.s32 $0xFFFFC180  }
0x4e: {  	[spmem:s2] =	stream.indirect.scatter.add.f32 [tilespmem:s19], [sflag:$0x4], $0x80, s28, s16, $0xb8;
	[tilespmem:$0x1E800] =	vst v63  }
0x4f: {  	_ =	swait.ge [sflag:s23], $0x3E80  }
0x50: {  	[sflag:s23] =	ssyncset.done $0x0  }
0x51: {  	[sflag:s23] =	ssyncadd.s32 $0xFFFFC180  }
0x52: {  	_ =	swait.ge [sflag:s24], $0x3E80  }
0x53: {  	[sflag:s24] =	ssyncset.done $0x0  }
0x54: {  	[sflag:s24] =	ssyncadd.s32 $0xFFFFC180  }
0x55: {  	[tilespmem:s3], [sflag:$0x5] =	stream.linear.gather [hbm4b:s9+s3], $0x1400, $0x38;
	[tilespmem:$0x1E800] =	vst v63  }
0x56: {  	_ =	swait.ge [sflag:s14], $0x1400  }
0x57: {  	[sflag:s14] =	ssyncset.done $0x0  }
0x58: {  	[sflag:s14] =	ssyncadd.s32 $0xFFFFEC00  }
0x59: {  	[tilespmem:s15], [sflag:$0x5] =	stream.linear.gather [hbm4b:s10+s3], $0x1400, $0x38;
	[tilespmem:$0x1E800] =	vst v63  }
0x5a: {  	_ =	swait.ge [sflag:s14], $0x1400  }
0x5b: {  	[sflag:s14] =	ssyncset.done $0x0  }
0x5c: {  	[sflag:s14] =	ssyncadd.s32 $0xFFFFEC00  }
0x5d: {  	[tilespmem:s17], [sflag:$0x1] =	stream.indirect.gather [hbm4b:s4+s16], $0x80, s3, s16, $0xb8;
	[tilespmem:$0x1E800] =	vst v63  }
0x5e: {  	_ = 	snop  }
0x5f: {  	[tilespmem:s19], [sflag:$0x2] =	stream.indirect.gather [hbm4b:s4+s16], $0x80, s18, s16, $0xb8;
	[tilespmem:$0x1E800] =	vst v63  }
0x60: {  	_ =	swait.ge [sflag:s20], $0x3E80  }
0x61: {  	[sflag:s20] =	ssyncset.done $0x0  }
0x62: {  	[sflag:s20] =	ssyncadd.s32 $0xFFFFC180  }
0x63: {  	[spmem:s2] =	stream.indirect.scatter.add.f32 [tilespmem:s17], [sflag:$0x3], $0x80, s15, s16, $0xb8;
	[tilespmem:$0x1E800] =	vst v63  }
0x64: {  	_ =	swait.ge [sflag:s21], $0x3E80  }
0x65: {  	[sflag:s21] =	ssyncset.done $0x0  }
0x66: {  	[sflag:s21] =	ssyncadd.s32 $0xFFFFC180  }
0x67: {  	[spmem:s2] =	stream.indirect.scatter.add.f32 [tilespmem:s19], [sflag:$0x4], $0x80, s22, s16, $0xb8;
	[tilespmem:$0x1E800] =	vst v63  }
0x68: {  	_ =	swait.ge [sflag:s23], $0x3E80  }
0x69: {  	[sflag:s23] =	ssyncset.done $0x0  }
0x6a: {  	[sflag:s23] =	ssyncadd.s32 $0xFFFFC180  }
0x6b: {  	_ =	swait.ge [sflag:s24], $0x3E80  }
0x6c: {  	[sflag:s24] =	ssyncset.done $0x0  }
0x6d: {  	s26 =	simm.s32 $0x100;
	[sflag:s24] =	ssyncadd.s32 $0xFFFFC180  }
0x6e: {  	[tilespmem:s17], [sflag:$0x1] =	stream.indirect.gather [hbm4b:s4+s16], $0x80, s26, s16, $0xb8;
	[tilespmem:$0x1E800] =	vst v63  }
0x6f: {  	s30 =	simm.s32 $0x180  }
0x70: {  	[tilespmem:s19], [sflag:$0x2] =	stream.indirect.gather [hbm4b:s4+s16], $0x80, s30, s16, $0xb8;
	[tilespmem:$0x1E800] =	vst v63  }
0x71: {  	_ =	swait.ge [sflag:s20], $0x3E80  }
0x72: {  	[sflag:s20] =	ssyncset.done $0x0  }
0x73: {  	s31 =	simm.s32 $0x1500;
	[sflag:s20] =	ssyncadd.s32 $0xFFFFC180  }
0x74: {  	[spmem:s2] =	stream.indirect.scatter.add.f32 [tilespmem:s17], [sflag:$0x3], $0x80, s31, s16, $0xb8;
	[tilespmem:$0x1E800] =	vst v63  }
0x75: {  	_ =	swait.ge [sflag:s21], $0x3E80  }
0x76: {  	[sflag:s21] =	ssyncset.done $0x0  }
0x77: {  	s28 =	simm.s32 $0x1580;
	s26 =	simm.s32 $0xFFFFB800;
	[sflag:s21] =	ssyncadd.s32 $0xFFFFC180  }
.LBB2_4:
0x78: {  	[spmem:s2] =	stream.indirect.scatter.add.f32 [tilespmem:s19], [sflag:$0x4], $0x80, s28, s16, $0xb8;
	[tilespmem:$0x1E800] =	vst v63  }
0x79: {  	s28 =	smov.u32 s26  }
0x7a: {  	p0 =	sne.s32 s26, $0xFFFFFC00;
	s26 =	sadd.s32 $0x400, s26;
	_ =	swait.ge [sflag:s23], $0x3E80  }
0x7b: {  	[sflag:s23] =	ssyncset.done $0x0  }
0x7c: {  	[sflag:s23] =	ssyncadd.s32 $0xFFFFC180  }
0x7d: {  	_ =	swait.ge [sflag:s24], $0x3E80  }
0x7e: {  	s28 =	sshra.s32 s28, $0x2;
	[sflag:s24] =	ssyncset.done $0x0  }
0x7f: {  	s29 =	sadd.s32 $0x1400, s28;
	[sflag:s24] =	ssyncadd.s32 $0xFFFFC180  }
0x80: {  	[tilespmem:s17], [sflag:$0x1] =	stream.indirect.gather [hbm4b:s4+s16], $0x80, s29, s16, $0xb8;
	[tilespmem:$0x1E800] =	vst v63  }
0x81: {  	s29 =	sadd.s32 $0x1480, s28  }
0x82: {  	[tilespmem:s19], [sflag:$0x2] =	stream.indirect.gather [hbm4b:s4+s16], $0x80, s29, s16, $0xb8;
	[tilespmem:$0x1E800] =	vst v63  }
0x83: {  	_ =	swait.ge [sflag:s20], $0x3E80  }
0x84: {  	[sflag:s20] =	ssyncset.done $0x0  }
.Ltmp1:
0x85: {  	s29 =	sadd.s32 $0x2800, s28;
	[sflag:s20] =	ssyncadd.s32 $0xFFFFC180;
	(pc) =	sbr.rel @p0 .LBB2_4-.Ltmp1, $4  }
0x86: {  	[spmem:s2] =	stream.indirect.scatter.add.f32 [tilespmem:s17], [sflag:$0x3], $0x80, s29, s16, $0xb8;
	[tilespmem:$0x1E800] =	vst v63  }
0x87: {  	_ =	swait.ge [sflag:s21], $0x3E80  }
0x88: {  	[sflag:s21] =	ssyncset.done $0x0  }
0x89: {  	s28 =	sadd.s32 $0x2880, s28;
	[sflag:s21] =	ssyncadd.s32 $0xFFFFC180  }
0x8a: {  	[spmem:s2] =	stream.indirect.scatter.add.f32 [tilespmem:s19], [sflag:$0x4], $0x80, s28, s16, $0xb8;
	[tilespmem:$0x1E800] =	vst v63  }
0x8b: {  	_ =	swait.ge [sflag:s23], $0x3E80  }
0x8c: {  	[sflag:s23] =	ssyncset.done $0x0  }
0x8d: {  	[sflag:s23] =	ssyncadd.s32 $0xFFFFC180  }
0x8e: {  	_ =	swait.ge [sflag:s24], $0x3E80  }
0x8f: {  	s25 =	sadd.s32 $0x1, s25;
	[sflag:s24] =	ssyncset.done $0x0  }
0x90: {  	p0 =	sne.s32 s25, s12;
	[sflag:s24] =	ssyncadd.s32 $0xFFFFC180  }
.Ltmp2:
0x91: {  	[bflag:$0x0] =	sbarrier.arrive $0xFFFF;
	(pc) =	sbr.rel @p0 .LBB2_1-.Ltmp2, $4  }
0x92: {  	[hbm:s11], [sflag:s6] =	dma.local [spmem:s13], $0x2800  }
0x93: {  	_ =	swait.ge [sflag:s14], $0x2800  }
0x94: {  	[sflag:s14] =	ssyncset.done $0x0  }
0x95: {  	[sflag:s14] =	ssyncadd.s32 $0xFFFFD800  }
0x96: {  	_ =	sfence.sel $0x180000  }
0x97: {  	[bflag:$0x0] =	sbarrier.arrive $0xFFFF  }
0x98: {  	p0 =	sne.s32 s1, $0x0;
	_ =	strace $0x90000050  }
0x99: {  	s0 =	sadd.s32 @!p0 $0x100000, s0;
	[bflag:$0x2] =	sbarrier.arrive $0xFFFF  }
0x9a: {  	[sflag:s0] =	ssyncadd.tile.s32 @!p0 $0x1;
	_ =	shalt  }
.Lfunc_end2:
_tile_overlayer_lowered:
.L_overlay_start_2:
0x9b: {  	(tag) =	ssettag $0x2  }
0x9c: {  	s0 =	rddreg [dreg:$0x0];
	s2 =	stileid.u32  }
0x9d: {  	s1 =	rddreg [dreg:$0x1];
	p0 =	sne.s32 s2, $0x0  }
0x9e: {  	s3 =	rddreg [dreg:$0x2];
	[bflag:$0x3] =	sbarrier.arrive $0xFFFF;
	s2 =	simm.s32 @!p0 $0x1C05  }
0x9f: {  	[timem:s3], [sflag:s2] =	dma.local @!p0 [hbm:s0], s1  }
0xa0: {  	s0 =	simm.s32 @!p0 $0x5  }
0xa1: {  	_ =	swait.ge @!p0 [sflag:s0], s1  }
0xa2: {  	s1 =	ssub.s32 @!p0 $0x0, s1;
	[sflag:s0] =	ssyncset.done @!p0 $0x0  }
0xa3: {  	[sflag:s0] =	ssyncadd.s32 @!p0 s1  }
0xa4: {  	[bflag:$0x3] =	sbarrier.arrive $0xFFFF  }
0xa5: {  	_ =	shalt  }

</sc_bundles>
